<compile_context>
chip_gen: v7x
topology: tpu7x:2x2x1
jax: 0.10.2.dev20260603
libtpu: 0.0.44.dev20260713+nightly
codegen_flags: <defaults>
</compile_context>

<pallas_src>
import jax
import jax.numpy as jnp
from jax import lax
from jax.experimental import pallas as pl
from jax.experimental.pallas import tpu as pltpu
from jax.experimental.pallas import tpu_sc as plsc

_NC, _NS = 2, 16
_NW = _NC * _NS
_CHUNK = 400
_NBUF = 4


def _embed_body(tokens_hbm, oidx_hbm, table_hbm, out_hbm,
                idx_v, oidx_v, rows_v, gsem, isem, osem, ssem):
    n = tokens_hbm.shape[0]
    D = table_hbm.shape[1]
    n_per_w = n // _NW
    num_chunks = n_per_w // _CHUNK
    row_bytes = _CHUNK * D * 4
    wid = lax.axis_index("s") * _NC + lax.axis_index("c")
    base = wid * n_per_w

    def tok_sl(g):
        return tokens_hbm.at[pl.ds(base + g * _CHUNK, _CHUNK)]

    def oix_sl(g):
        return oidx_hbm.at[pl.ds(base + g * _CHUNK, _CHUNK)]

    def gather_start(b):
        pltpu.async_copy(table_hbm.at[idx_v.at[b]], rows_v.at[b], gsem.at[b])

    def gather_wait(b):
        pltpu.make_async_copy(table_hbm.at[idx_v.at[b]], rows_v.at[b],
                              gsem.at[b]).wait()

    def scatter_start(b):
        pltpu.async_copy(rows_v.at[b], out_hbm.at[oidx_v.at[b]], ssem.at[b])

    def scatter_wait(b):
        pltpu.make_async_copy(rows_v.at[b], out_hbm.at[oidx_v.at[b]],
                              ssem.at[b]).wait()

    def slot(g, b, has_next, has_pref, skip_free=False):
        b1, b2 = (b + 1) % _NBUF, (b + 2) % _NBUF
        gather_wait(b)
        pltpu.make_async_copy(oix_sl(g), oidx_v.at[b], osem.at[b]).wait()
        scatter_start(b)
        if has_pref:
            pltpu.async_copy(tok_sl(g + 2), idx_v.at[b2], isem.at[b2])
        if has_next:
            pltpu.make_async_copy(tok_sl(g + 1), idx_v.at[b1],
                                  isem.at[b1]).wait()
            if not skip_free:
                scatter_wait(b1)
            pltpu.async_copy(oix_sl(g + 1), oidx_v.at[b1], osem.at[b1])
            gather_start(b1)

    pltpu.async_copy(tok_sl(0), idx_v.at[0], isem.at[0])
    pltpu.async_copy(oix_sl(0), oidx_v.at[0], osem.at[0])
    pltpu.make_async_copy(tok_sl(0), idx_v.at[0], isem.at[0]).wait()
    gather_start(0)
    pltpu.async_copy(tok_sl(1), idx_v.at[1], isem.at[1])

    for g in range(_NBUF - 1):
        slot(g, g, True, True, skip_free=True)

    def body(p, carry):
        g0 = (_NBUF - 1) + p * _NBUF
        for boff in range(_NBUF):
            g = g0 + boff
            slot(g, (_NBUF - 1 + boff) % _NBUF, True, True)
        return carry

    n_mid = (num_chunks - _NBUF - 1) - (_NBUF - 1) + 1
    lax.fori_loop(0, n_mid // _NBUF, body, 0)

    for g in range(_NBUF - 1 + (n_mid // _NBUF) * _NBUF, num_chunks):
        slot(g, g % _NBUF, g + 1 < num_chunks, g + 2 < num_chunks)

    for b in range(_NBUF):
        scatter_wait(b)


def kernel(input_tokens, table):
    B, H = input_tokens.shape
    V, D = table.shape
    n = B * H
    flat = input_tokens.reshape(n).astype(jnp.int32)
    oidx = jnp.arange(n, dtype=jnp.int32) * 2
    assert n % (_NW * _CHUNK * _NBUF) == 0

    k = pl.kernel(
        _embed_body,
        out_type=jax.ShapeDtypeStruct((2 * n, D), table.dtype),
        mesh=plsc.VectorSubcoreMesh(core_axis_name="c", subcore_axis_name="s"),
        scratch_types=[
            pltpu.VMEM((_NBUF, _CHUNK), jnp.int32),
            pltpu.VMEM((_NBUF, _CHUNK), jnp.int32),
            pltpu.VMEM((_NBUF, _CHUNK, D), jnp.float32),
            pltpu.SemaphoreType.DMA((_NBUF,)),
            pltpu.SemaphoreType.DMA((_NBUF,)),
            pltpu.SemaphoreType.DMA((_NBUF,)),
            pltpu.SemaphoreType.DMA((_NBUF,)),
        ],
        compiler_params=pltpu.CompilerParams(use_tc_tiling_on_sc=False),
    )
    out2 = k(flat, oidx, table)
    out128 = out2.reshape(n, 2 * D)
    return out128[:, :D].reshape(B, H, D)

# --- scband reference (transcript-rebuilt; emitter-appended) ---
"""Pipeline reference for scband-simple-token-embedder-58317065945562 (READ-ONLY COPY).

The authoritative reference and input builder live on the scoring server;
editing this copy changes nothing except your own understanding.
"""

import jax, jax.numpy as jnp
import numpy as np

VOCAB = 1000000
DIM = 64
BATCH = 16384
HIST = 200

def setup_inputs(seed: int = 0) -> dict:
    key = jax.random.key(seed)
    k1, k2 = jax.random.split(key)
    input_tokens = jax.random.randint(k1, (BATCH, HIST), 0, VOCAB, dtype=jnp.int64 if jax.config.jax_enable_x64 else jnp.int32)
    table = jax.random.normal(k2, (VOCAB, DIM), dtype=jnp.float32) * 0.02
    return {"input_tokens": input_tokens, "table": table}

def reference(input_tokens, table):
    # nn.Embedding forward: gather rows of the table by token id
    return jnp.take(table, input_tokens, axis=0)

if __name__ == "__main__":
    import jax
    _d = setup_inputs()
    print(jax.jit(kernel)(*tuple(_d.values())))

</pallas_src>

<mosaic_0001>
#map = affine_map<(d0, d1) -> (0)>
#map1 = affine_map<(d0, d1) -> (0, 0)>
module attributes {stable_mosaic.version = 14 : i64} {
  func.func @_embed_body(%arg0: i32, %arg1: i32, %arg2: memref<3276800xi32, #tpu.memory_space<hbm>>, %arg3: memref<3276800xi32, #tpu.memory_space<hbm>>, %arg4: memref<1000000x64xf32, #tpu.memory_space<hbm>>, %arg5: memref<6553600x64xf32, #tpu.memory_space<hbm>>, %arg6: memref<4x400xi32, #tpu.memory_space<vmem>>, %arg7: memref<4x400xi32, #tpu.memory_space<vmem>>, %arg8: memref<4x400x64xf32, #tpu.memory_space<vmem>>, %arg9: memref<4x!tpu.dma_semaphore, #tpu.memory_space<semaphore_mem>>, %arg10: memref<4x!tpu.dma_semaphore, #tpu.memory_space<semaphore_mem>>, %arg11: memref<4x!tpu.dma_semaphore, #tpu.memory_space<semaphore_mem>>, %arg12: memref<4x!tpu.dma_semaphore, #tpu.memory_space<semaphore_mem>>) attributes {dimension_semantics = [#tpu.dimension_semantics<core_parallel>, #tpu.dimension_semantics<subcore_parallel>], iteration_bounds = array<i64: 2, 16>, scalar_prefetch = 0 : i64, scratch_operands = 7 : i64, tpu.core_type = #tpu.core_type<sc_vector_subcore>, window_params = [{transform_indices = #map}, {transform_indices = #map}, {transform_indices = #map1}, {transform_indices = #map1}]} {
    %mul3A = arith.constant 2 : i32
    %mul3A_0 = arith.muli %arg1, %mul3A : i32
    %add3A = arith.addi %mul3A_0, %arg0 : i32
    %mul3A_1 = arith.constant 102400 : i32
    %mul3A_2 = arith.muli %add3A, %mul3A_1 : i32
    %add3A_3 = arith.constant 0 : i32
    %add3A_4 = arith.addi %mul3A_2, %add3A_3 : i32
    %dma_start3A = arith.constant 0 : i32
    %dma_start3A_5 = arith.constant 0 : i32
    %dma_start3A_6 = arith.constant 0 : i32
    %dma_start3A_7 = tpu.memref_slice %arg6[%dma_start3A, %dma_start3A_6] : memref<4x400xi32, #tpu.memory_space<vmem>> -> memref<1x400xi32, #tpu.memory_space<vmem>>
    %dma_start3A_8 = tpu.memref_squeeze %dma_start3A_7 : memref<1x400xi32, #tpu.memory_space<vmem>> -> memref<400xi32, #tpu.memory_space<vmem>>
    %dma_start3A_9 = tpu.memref_slice %arg2[%add3A_4] : memref<3276800xi32, #tpu.memory_space<hbm>> -> memref<400xi32, #tpu.memory_space<hbm>>
    %dma_start3A_10 = tpu.memref_slice %arg10[%dma_start3A_5] : memref<4x!tpu.dma_semaphore, #tpu.memory_space<semaphore_mem>> -> memref<1x!tpu.dma_semaphore, #tpu.memory_space<semaphore_mem>>
    %dma_start3A_11 = tpu.memref_squeeze %dma_start3A_10 : memref<1x!tpu.dma_semaphore, #tpu.memory_space<semaphore_mem>> -> memref<!tpu.dma_semaphore, #tpu.memory_space<semaphore_mem>>
    %dma_start3A_12 = arith.constant 0 : i32
    %dma_start3A_13 = tpu.memref_slice %arg6[%dma_start3A, %dma_start3A_12] : memref<4x400xi32, #tpu.memory_space<vmem>> -> memref<1x400xi32, #tpu.memory_space<vmem>>
    %dma_start3A_14 = tpu.memref_squeeze %dma_start3A_13 : memref<1x400xi32, #tpu.memory_space<vmem>> -> memref<400xi32, #tpu.memory_space<vmem>>
    %dma_start3A_15 = tpu.memref_slice %arg2[%add3A_4] : memref<3276800xi32, #tpu.memory_space<hbm>> -> memref<400xi32, #tpu.memory_space<hbm>>
    tpu.enqueue_dma source(%dma_start3A_15 : memref<400xi32, #tpu.memory_space<hbm>>) target(%dma_start3A_14 : memref<400xi32, #tpu.memory_space<vmem>>) target_semaphore(%dma_start3A_11 : memref<!tpu.dma_semaphore, #tpu.memory_space<semaphore_mem>>)
    %add3A_16 = arith.constant 0 : i32
    %add3A_17 = arith.addi %mul3A_2, %add3A_16 : i32
    %dma_start3A_18 = arith.constant 0 : i32
    %dma_start3A_19 = arith.constant 0 : i32
    %dma_start3A_20 = arith.constant 0 : i32
    %dma_start3A_21 = tpu.memref_slice %arg7[%dma_start3A_18, %dma_start3A_20] : memref<4x400xi32, #tpu.memory_space<vmem>> -> memref<1x400xi32, #tpu.memory_space<vmem>>
    %dma_start3A_22 = tpu.memref_squeeze %dma_start3A_21 : memref<1x400xi32, #tpu.memory_space<vmem>> -> memref<400xi32, #tpu.memory_space<vmem>>
    %dma_start3A_23 = tpu.memref_slice %arg3[%add3A_17] : memref<3276800xi32, #tpu.memory_space<hbm>> -> memref<400xi32, #tpu.memory_space<hbm>>
    %dma_start3A_24 = tpu.memref_slice %arg11[%dma_start3A_19] : memref<4x!tpu.dma_semaphore, #tpu.memory_space<semaphore_mem>> -> memref<1x!tpu.dma_semaphore, #tpu.memory_space<semaphore_mem>>
    %dma_start3A_25 = tpu.memref_squeeze %dma_start3A_24 : memref<1x!tpu.dma_semaphore, #tpu.memory_space<semaphore_mem>> -> memref<!tpu.dma_semaphore, #tpu.memory_space<semaphore_mem>>
    %dma_start3A_26 = arith.constant 0 : i32
    %dma_start3A_27 = tpu.memref_slice %arg7[%dma_start3A_18, %dma_start3A_26] : memref<4x400xi32, #tpu.memory_space<vmem>> -> memref<1x400xi32, #tpu.memory_space<vmem>>
    %dma_start3A_28 = tpu.memref_squeeze %dma_start3A_27 : memref<1x400xi32, #tpu.memory_space<vmem>> -> memref<400xi32, #tpu.memory_space<vmem>>
    %dma_start3A_29 = tpu.memref_slice %arg3[%add3A_17] : memref<3276800xi32, #tpu.memory_space<hbm>> -> memref<400xi32, #tpu.memory_space<hbm>>
    tpu.enqueue_dma source(%dma_start3A_29 : memref<400xi32, #tpu.memory_space<hbm>>) target(%dma_start3A_28 : memref<400xi32, #tpu.memory_space<vmem>>) target_semaphore(%dma_start3A_25 : memref<!tpu.dma_semaphore, #tpu.memory_space<semaphore_mem>>)
    %add3A_30 = arith.constant 0 : i32
    %add3A_31 = arith.addi %mul3A_2, %add3A_30 : i32
    %dma_wait3A = arith.constant 0 : i32
    %dma_wait3A_32 = arith.constant 0 : i32
    %dma_wait3A_33 = arith.constant 0 : i32
    %dma_wait3A_34 = tpu.memref_slice %arg6[%dma_wait3A, %dma_wait3A_33] : memref<4x400xi32, #tpu.memory_space<vmem>> -> memref<1x400xi32, #tpu.memory_space<vmem>>
    %dma_wait3A_35 = tpu.memref_squeeze %dma_wait3A_34 : memref<1x400xi32, #tpu.memory_space<vmem>> -> memref<400xi32, #tpu.memory_space<vmem>>
    %dma_wait3A_36 = tpu.memref_slice %arg2[%add3A_31] : memref<3276800xi32, #tpu.memory_space<hbm>> -> memref<400xi32, #tpu.memory_space<hbm>>
    %dma_wait3A_37 = tpu.memref_slice %arg10[%dma_wait3A_32] : memref<4x!tpu.dma_semaphore, #tpu.memory_space<semaphore_mem>> -> memref<1x!tpu.dma_semaphore, #tpu.memory_space<semaphore_mem>>
    %dma_wait3A_38 = tpu.memref_squeeze %dma_wait3A_37 : memref<1x!tpu.dma_semaphore, #tpu.memory_space<semaphore_mem>> -> memref<!tpu.dma_semaphore, #tpu.memory_space<semaphore_mem>>
    %dma_wait3A_39 = arith.constant 0 : i32
    %dma_wait3A_40 = tpu.memref_slice %arg6[%dma_wait3A, %dma_wait3A_39] : memref<4x400xi32, #tpu.memory_space<vmem>> -> memref<1x400xi32, #tpu.memory_space<vmem>>
    %dma_wait3A_41 = tpu.memref_squeeze %dma_wait3A_40 : memref<1x400xi32, #tpu.memory_space<vmem>> -> memref<400xi32, #tpu.memory_space<vmem>>
    %dma_wait3A_42 = tpu.memref_slice %arg2[%add3A_31] : memref<3276800xi32, #tpu.memory_space<hbm>> -> memref<400xi32, #tpu.memory_space<hbm>>
    tpu.wait_dma2 semaphore(%dma_wait3A_38 : memref<!tpu.dma_semaphore, #tpu.memory_space<semaphore_mem>>) src(%dma_wait3A_42 : memref<400xi32, #tpu.memory_space<hbm>>) dst(%dma_wait3A_41 : memref<400xi32, #tpu.memory_space<vmem>>)
    %dma_start3A_43 = arith.constant 0 : i32
    %dma_start3A_44 = arith.constant 0 : i32
    %dma_start3A_45 = arith.constant 0 : i32
    %dma_start3A_46 = arith.constant 0 : i32
    %dma_start3A_47 = arith.constant 0 : i32
    %dma_start3A_48 = tpu.memref_slice %arg8[%dma_start3A_44, %dma_start3A_46, %dma_start3A_47] : memref<4x400x64xf32, #tpu.memory_space<vmem>> -> memref<1x400x64xf32, #tpu.memory_space<vmem>>
    %dma_start3A_49 = tpu.memref_squeeze %dma_start3A_48 : memref<1x400x64xf32, #tpu.memory_space<vmem>> -> memref<400x64xf32, #tpu.memory_space<vmem>>
    %dma_start3A_50 = arith.constant 0 : i32
    %dma_start3A_51 = tpu.memref_slice %arg6[%dma_start3A_43, %dma_start3A_50] : memref<4x400xi32, #tpu.memory_space<vmem>> -> memref<1x400xi32, #tpu.memory_space<vmem>>
    %dma_start3A_52 = tpu.memref_squeeze %dma_start3A_51 : memref<1x400xi32, #tpu.memory_space<vmem>> -> memref<400xi32, #tpu.memory_space<vmem>>
    %dma_start3A_53 = arith.constant 0 : i32
    %dma_start3A_54 = arith.constant 0 : i32
    %dma_start3A_55 = tpu.memref_slice %arg4[%dma_start3A_53, %dma_start3A_54] : memref<1000000x64xf32, #tpu.memory_space<hbm>> -> memref<1000000x64xf32, #tpu.memory_space<hbm>>
    %dma_start3A_56 = tpu.memref_slice %arg9[%dma_start3A_45] : memref<4x!tpu.dma_semaphore, #tpu.memory_space<semaphore_mem>> -> memref<1x!tpu.dma_semaphore, #tpu.memory_space<semaphore_mem>>
    %dma_start3A_57 = tpu.memref_squeeze %dma_start3A_56 : memref<1x!tpu.dma_semaphore, #tpu.memory_space<semaphore_mem>> -> memref<!tpu.dma_semaphore, #tpu.memory_space<semaphore_mem>>
    tpu.enqueue_indirect_dma source(%dma_start3A_55 : memref<1000000x64xf32, #tpu.memory_space<hbm>>) target(%dma_start3A_49 : memref<400x64xf32, #tpu.memory_space<vmem>>) offsets(%dma_start3A_52 : memref<400xi32, #tpu.memory_space<vmem>>) semaphore(%dma_start3A_57 : memref<!tpu.dma_semaphore, #tpu.memory_space<semaphore_mem>>)
    %add3A_58 = arith.constant 400 : i32
    %add3A_59 = arith.addi %mul3A_2, %add3A_58 : i32
    %dma_start3A_60 = arith.constant 1 : i32
    %dma_start3A_61 = arith.constant 1 : i32
    %dma_start3A_62 = arith.constant 0 : i32
    %dma_start3A_63 = tpu.memref_slice %arg6[%dma_start3A_60, %dma_start3A_62] : memref<4x400xi32, #tpu.memory_space<vmem>> -> memref<1x400xi32, #tpu.memory_space<vmem>>
    %dma_start3A_64 = tpu.memref_squeeze %dma_start3A_63 : memref<1x400xi32, #tpu.memory_space<vmem>> -> memref<400xi32, #tpu.memory_space<vmem>>
    %dma_start3A_65 = tpu.memref_slice %arg2[%add3A_59] : memref<3276800xi32, #tpu.memory_space<hbm>> -> memref<400xi32, #tpu.memory_space<hbm>>
    %dma_start3A_66 = tpu.memref_slice %arg10[%dma_start3A_61] : memref<4x!tpu.dma_semaphore, #tpu.memory_space<semaphore_mem>> -> memref<1x!tpu.dma_semaphore, #tpu.memory_space<semaphore_mem>>
    %dma_start3A_67 = tpu.memref_squeeze %dma_start3A_66 : memref<1x!tpu.dma_semaphore, #tpu.memory_space<semaphore_mem>> -> memref<!tpu.dma_semaphore, #tpu.memory_space<semaphore_mem>>
    %dma_start3A_68 = arith.constant 0 : i32
    %dma_start3A_69 = tpu.memref_slice %arg6[%dma_start3A_60, %dma_start3A_68] : memref<4x400xi32, #tpu.memory_space<vmem>> -> memref<1x400xi32, #tpu.memory_space<vmem>>
    %dma_start3A_70 = tpu.memref_squeeze %dma_start3A_69 : memref<1x400xi32, #tpu.memory_space<vmem>> -> memref<400xi32, #tpu.memory_space<vmem>>
    %dma_start3A_71 = tpu.memref_slice %arg2[%add3A_59] : memref<3276800xi32, #tpu.memory_space<hbm>> -> memref<400xi32, #tpu.memory_space<hbm>>
    tpu.enqueue_dma source(%dma_start3A_71 : memref<400xi32, #tpu.memory_space<hbm>>) target(%dma_start3A_70 : memref<400xi32, #tpu.memory_space<vmem>>) target_semaphore(%dma_start3A_67 : memref<!tpu.dma_semaphore, #tpu.memory_space<semaphore_mem>>)
    %dma_wait3A_72 = arith.constant 0 : i32
    %dma_wait3A_73 = arith.constant 0 : i32
    %dma_wait3A_74 = arith.constant 0 : i32
    %dma_wait3A_75 = arith.constant 0 : i32
    %dma_wait3A_76 = arith.constant 0 : i32
    %dma_wait3A_77 = tpu.memref_slice %arg8[%dma_wait3A_73, %dma_wait3A_75, %dma_wait3A_76] : memref<4x400x64xf32, #tpu.memory_space<vmem>> -> memref<1x400x64xf32, #tpu.memory_space<vmem>>
    %dma_wait3A_78 = tpu.memref_squeeze %dma_wait3A_77 : memref<1x400x64xf32, #tpu.memory_space<vmem>> -> memref<400x64xf32, #tpu.memory_space<vmem>>
    %dma_wait3A_79 = arith.constant 0 : i32
    %dma_wait3A_80 = tpu.memref_slice %arg6[%dma_wait3A_72, %dma_wait3A_79] : memref<4x400xi32, #tpu.memory_space<vmem>> -> memref<1x400xi32, #tpu.memory_space<vmem>>
    %dma_wait3A_81 = tpu.memref_squeeze %dma_wait3A_80 : memref<1x400xi32, #tpu.memory_space<vmem>> -> memref<400xi32, #tpu.memory_space<vmem>>
    %dma_wait3A_82 = arith.constant 0 : i32
    %dma_wait3A_83 = arith.constant 0 : i32
    %dma_wait3A_84 = tpu.memref_slice %arg4[%dma_wait3A_82, %dma_wait3A_83] : memref<1000000x64xf32, #tpu.memory_space<hbm>> -> memref<1000000x64xf32, #tpu.memory_space<hbm>>
    %dma_wait3A_85 = tpu.memref_slice %arg9[%dma_wait3A_74] : memref<4x!tpu.dma_semaphore, #tpu.memory_space<semaphore_mem>> -> memref<1x!tpu.dma_semaphore, #tpu.memory_space<semaphore_mem>>
    %dma_wait3A_86 = tpu.memref_squeeze %dma_wait3A_85 : memref<1x!tpu.dma_semaphore, #tpu.memory_space<semaphore_mem>> -> memref<!tpu.dma_semaphore, #tpu.memory_space<semaphore_mem>>
    tpu.wait_indirect_dma semaphore(%dma_wait3A_86 : memref<!tpu.dma_semaphore, #tpu.memory_space<semaphore_mem>>) src(%dma_wait3A_84 : memref<1000000x64xf32, #tpu.memory_space<hbm>>) dst(%dma_wait3A_78 : memref<400x64xf32, #tpu.memory_space<vmem>>)
    %add3A_87 = arith.constant 0 : i32
    %add3A_88 = arith.addi %mul3A_2, %add3A_87 : i32
    %dma_wait3A_89 = arith.constant 0 : i32
    %dma_wait3A_90 = arith.constant 0 : i32
    %dma_wait3A_91 = arith.constant 0 : i32
    %dma_wait3A_92 = tpu.memref_slice %arg7[%dma_wait3A_89, %dma_wait3A_91] : memref<4x400xi32, #tpu.memory_space<vmem>> -> memref<1x400xi32, #tpu.memory_space<vmem>>
    %dma_wait3A_93 = tpu.memref_squeeze %dma_wait3A_92 : memref<1x400xi32, #tpu.memory_space<vmem>> -> memref<400xi32, #tpu.memory_space<vmem>>
    %dma_wait3A_94 = tpu.memref_slice %arg3[%add3A_88] : memref<3276800xi32, #tpu.memory_space<hbm>> -> memref<400xi32, #tpu.memory_space<hbm>>
    %dma_wait3A_95 = tpu.memref_slice %arg11[%dma_wait3A_90] : memref<4x!tpu.dma_semaphore, #tpu.memory_space<semaphore_mem>> -> memref<1x!tpu.dma_semaphore, #tpu.memory_space<semaphore_mem>>
    %dma_wait3A_96 = tpu.memref_squeeze %dma_wait3A_95 : memref<1x!tpu.dma_semaphore, #tpu.memory_space<semaphore_mem>> -> memref<!tpu.dma_semaphore, #tpu.memory_space<semaphore_mem>>
    %dma_wait3A_97 = arith.constant 0 : i32
    %dma_wait3A_98 = tpu.memref_slice %arg7[%dma_wait3A_89, %dma_wait3A_97] : memref<4x400xi32, #tpu.memory_space<vmem>> -> memref<1x400xi32, #tpu.memory_space<vmem>>
    %dma_wait3A_99 = tpu.memref_squeeze %dma_wait3A_98 : memref<1x400xi32, #tpu.memory_space<vmem>> -> memref<400xi32, #tpu.memory_space<vmem>>
    %dma_wait3A_100 = tpu.memref_slice %arg3[%add3A_88] : memref<3276800xi32, #tpu.memory_space<hbm>> -> memref<400xi32, #tpu.memory_space<hbm>>
    tpu.wait_dma2 semaphore(%dma_wait3A_96 : memref<!tpu.dma_semaphore, #tpu.memory_space<semaphore_mem>>) src(%dma_wait3A_100 : memref<400xi32, #tpu.memory_space<hbm>>) dst(%dma_wait3A_99 : memref<400xi32, #tpu.memory_space<vmem>>)
    %dma_start3A_101 = arith.constant 0 : i32
    %dma_start3A_102 = arith.constant 0 : i32
    %dma_start3A_103 = arith.constant 0 : i32
    %dma_start3A_104 = arith.constant 0 : i32
    %dma_start3A_105 = arith.constant 0 : i32
    %dma_start3A_106 = tpu.memref_slice %arg8[%dma_start3A_101, %dma_start3A_104, %dma_start3A_105] : memref<4x400x64xf32, #tpu.memory_space<vmem>> -> memref<1x400x64xf32, #tpu.memory_space<vmem>>
    %dma_start3A_107 = tpu.memref_squeeze %dma_start3A_106 : memref<1x400x64xf32, #tpu.memory_space<vmem>> -> memref<400x64xf32, #tpu.memory_space<vmem>>
    %dma_start3A_108 = arith.constant 0 : i32
    %dma_start3A_109 = tpu.memref_slice %arg7[%dma_start3A_102, %dma_start3A_108] : memref<4x400xi32, #tpu.memory_space<vmem>> -> memref<1x400xi32, #tpu.memory_space<vmem>>
    %dma_start3A_110 = tpu.memref_squeeze %dma_start3A_109 : memref<1x400xi32, #tpu.memory_space<vmem>> -> memref<400xi32, #tpu.memory_space<vmem>>
    %dma_start3A_111 = arith.constant 0 : i32
    %dma_start3A_112 = arith.constant 0 : i32
    %dma_start3A_113 = tpu.memref_slice %arg5[%dma_start3A_111, %dma_start3A_112] : memref<6553600x64xf32, #tpu.memory_space<hbm>> -> memref<6553600x64xf32, #tpu.memory_space<hbm>>
    %dma_start3A_114 = tpu.memref_slice %arg12[%dma_start3A_103] : memref<4x!tpu.dma_semaphore, #tpu.memory_space<semaphore_mem>> -> memref<1x!tpu.dma_semaphore, #tpu.memory_space<semaphore_mem>>
    %dma_start3A_115 = tpu.memref_squeeze %dma_start3A_114 : memref<1x!tpu.dma_semaphore, #tpu.memory_space<semaphore_mem>> -> memref<!tpu.dma_semaphore, #tpu.memory_space<semaphore_mem>>
    tpu.enqueue_indirect_dma source(%dma_start3A_107 : memref<400x64xf32, #tpu.memory_space<vmem>>) target(%dma_start3A_113 : memref<6553600x64xf32, #tpu.memory_space<hbm>>) offsets(%dma_start3A_110 : memref<400xi32, #tpu.memory_space<vmem>>) semaphore(%dma_start3A_115 : memref<!tpu.dma_semaphore, #tpu.memory_space<semaphore_mem>>)
    %add3A_116 = arith.constant 800 : i32
    %add3A_117 = arith.addi %mul3A_2, %add3A_116 : i32
    %dma_start3A_118 = arith.constant 2 : i32
    %dma_start3A_119 = arith.constant 2 : i32
    %dma_start3A_120 = arith.constant 0 : i32
    %dma_start3A_121 = tpu.memref_slice %arg6[%dma_start3A_118, %dma_start3A_120] : memref<4x400xi32, #tpu.memory_space<vmem>> -> memref<1x400xi32, #tpu.memory_space<vmem>>
    %dma_start3A_122 = tpu.memref_squeeze %dma_start3A_121 : memref<1x400xi32, #tpu.memory_space<vmem>> -> memref<400xi32, #tpu.memory_space<vmem>>
    %dma_start3A_123 = tpu.memref_slice %arg2[%add3A_117] : memref<3276800xi32, #tpu.memory_space<hbm>> -> memref<400xi32, #tpu.memory_space<hbm>>
    %dma_start3A_124 = tpu.memref_slice %arg10[%dma_start3A_119] : memref<4x!tpu.dma_semaphore, #tpu.memory_space<semaphore_mem>> -> memref<1x!tpu.dma_semaphore, #tpu.memory_space<semaphore_mem>>
    %dma_start3A_125 = tpu.memref_squeeze %dma_start3A_124 : memref<1x!tpu.dma_semaphore, #tpu.memory_space<semaphore_mem>> -> memref<!tpu.dma_semaphore, #tpu.memory_space<semaphore_mem>>
    %dma_start3A_126 = arith.constant 0 : i32
    %dma_start3A_127 = tpu.memref_slice %arg6[%dma_start3A_118, %dma_start3A_126] : memref<4x400xi32, #tpu.memory_space<vmem>> -> memref<1x400xi32, #tpu.memory_space<vmem>>
    %dma_start3A_128 = tpu.memref_squeeze %dma_start3A_127 : memref<1x400xi32, #tpu.memory_space<vmem>> -> memref<400xi32, #tpu.memory_space<vmem>>
    %dma_start3A_129 = tpu.memref_slice %arg2[%add3A_117] : memref<3276800xi32, #tpu.memory_space<hbm>> -> memref<400xi32, #tpu.memory_space<hbm>>
    tpu.enqueue_dma source(%dma_start3A_129 : memref<400xi32, #tpu.memory_space<hbm>>) target(%dma_start3A_128 : memref<400xi32, #tpu.memory_space<vmem>>) target_semaphore(%dma_start3A_125 : memref<!tpu.dma_semaphore, #tpu.memory_space<semaphore_mem>>)
    %add3A_130 = arith.constant 400 : i32
    %add3A_131 = arith.addi %mul3A_2, %add3A_130 : i32
    %dma_wait3A_132 = arith.constant 1 : i32
    %dma_wait3A_133 = arith.constant 1 : i32
    %dma_wait3A_134 = arith.constant 0 : i32
    %dma_wait3A_135 = tpu.memref_slice %arg6[%dma_wait3A_132, %dma_wait3A_134] : memref<4x400xi32, #tpu.memory_space<vmem>> -> memref<1x400xi32, #tpu.memory_space<vmem>>
    %dma_wait3A_136 = tpu.memref_squeeze %dma_wait3A_135 : memref<1x400xi32, #tpu.memory_space<vmem>> -> memref<400xi32, #tpu.memory_space<vmem>>
    %dma_wait3A_137 = tpu.memref_slice %arg2[%add3A_131] : memref<3276800xi32, #tpu.memory_space<hbm>> -> memref<400xi32, #tpu.memory_space<hbm>>
    %dma_wait3A_138 = tpu.memref_slice %arg10[%dma_wait3A_133] : memref<4x!tpu.dma_semaphore, #tpu.memory_space<semaphore_mem>> -> memref<1x!tpu.dma_semaphore, #tpu.memory_space<semaphore_mem>>
    %dma_wait3A_139 = tpu.memref_squeeze %dma_wait3A_138 : memref<1x!tpu.dma_semaphore, #tpu.memory_space<semaphore_mem>> -> memref<!tpu.dma_semaphore, #tpu.memory_space<semaphore_mem>>
    %dma_wait3A_140 = arith.constant 0 : i32
    %dma_wait3A_141 = tpu.memref_slice %arg6[%dma_wait3A_132, %dma_wait3A_140] : memref<4x400xi32, #tpu.memory_space<vmem>> -> memref<1x400xi32, #tpu.memory_space<vmem>>
    %dma_wait3A_142 = tpu.memref_squeeze %dma_wait3A_141 : memref<1x400xi32, #tpu.memory_space<vmem>> -> memref<400xi32, #tpu.memory_space<vmem>>
    %dma_wait3A_143 = tpu.memref_slice %arg2[%add3A_131] : memref<3276800xi32, #tpu.memory_space<hbm>> -> memref<400xi32, #tpu.memory_space<hbm>>
    tpu.wait_dma2 semaphore(%dma_wait3A_139 : memref<!tpu.dma_semaphore, #tpu.memory_space<semaphore_mem>>) src(%dma_wait3A_143 : memref<400xi32, #tpu.memory_space<hbm>>) dst(%dma_wait3A_142 : memref<400xi32, #tpu.memory_space<vmem>>)
    %add3A_144 = arith.constant 400 : i32
    %add3A_145 = arith.addi %mul3A_2, %add3A_144 : i32
    %dma_start3A_146 = arith.constant 1 : i32
    %dma_start3A_147 = arith.constant 1 : i32
    %dma_start3A_148 = arith.constant 0 : i32
    %dma_start3A_149 = tpu.memref_slice %arg7[%dma_start3A_146, %dma_start3A_148] : memref<4x400xi32, #tpu.memory_space<vmem>> -> memref<1x400xi32, #tpu.memory_space<vmem>>
    %dma_start3A_150 = tpu.memref_squeeze %dma_start3A_149 : memref<1x400xi32, #tpu.memory_space<vmem>> -> memref<400xi32, #tpu.memory_space<vmem>>
    %dma_start3A_151 = tpu.memref_slice %arg3[%add3A_145] : memref<3276800xi32, #tpu.memory_space<hbm>> -> memref<400xi32, #tpu.memory_space<hbm>>
    %dma_start3A_152 = tpu.memref_slice %arg11[%dma_start3A_147] : memref<4x!tpu.dma_semaphore, #tpu.memory_space<semaphore_mem>> -> memref<1x!tpu.dma_semaphore, #tpu.memory_space<semaphore_mem>>
    %dma_start3A_153 = tpu.memref_squeeze %dma_start3A_152 : memref<1x!tpu.dma_semaphore, #tpu.memory_space<semaphore_mem>> -> memref<!tpu.dma_semaphore, #tpu.memory_space<semaphore_mem>>
    %dma_start3A_154 = arith.constant 0 : i32
    %dma_start3A_155 = tpu.memref_slice %arg7[%dma_start3A_146, %dma_start3A_154] : memref<4x400xi32, #tpu.memory_space<vmem>> -> memref<1x400xi32, #tpu.memory_space<vmem>>
    %dma_start3A_156 = tpu.memref_squeeze %dma_start3A_155 : memref<1x400xi32, #tpu.memory_space<vmem>> -> memref<400xi32, #tpu.memory_space<vmem>>
    %dma_start3A_157 = tpu.memref_slice %arg3[%add3A_145] : memref<3276800xi32, #tpu.memory_space<hbm>> -> memref<400xi32, #tpu.memory_space<hbm>>
    tpu.enqueue_dma source(%dma_start3A_157 : memref<400xi32, #tpu.memory_space<hbm>>) target(%dma_start3A_156 : memref<400xi32, #tpu.memory_space<vmem>>) target_semaphore(%dma_start3A_153 : memref<!tpu.dma_semaphore, #tpu.memory_space<semaphore_mem>>)
    %dma_start3A_158 = arith.constant 1 : i32
    %dma_start3A_159 = arith.constant 1 : i32
    %dma_start3A_160 = arith.constant 1 : i32
    %dma_start3A_161 = arith.constant 0 : i32
    %dma_start3A_162 = arith.constant 0 : i32
    %dma_start3A_163 = tpu.memref_slice %arg8[%dma_start3A_159, %dma_start3A_161, %dma_start3A_162] : memref<4x400x64xf32, #tpu.memory_space<vmem>> -> memref<1x400x64xf32, #tpu.memory_space<vmem>>
    %dma_start3A_164 = tpu.memref_squeeze %dma_start3A_163 : memref<1x400x64xf32, #tpu.memory_space<vmem>> -> memref<400x64xf32, #tpu.memory_space<vmem>>
    %dma_start3A_165 = arith.constant 0 : i32
    %dma_start3A_166 = tpu.memref_slice %arg6[%dma_start3A_158, %dma_start3A_165] : memref<4x400xi32, #tpu.memory_space<vmem>> -> memref<1x400xi32, #tpu.memory_space<vmem>>
    %dma_start3A_167 = tpu.memref_squeeze %dma_start3A_166 : memref<1x400xi32, #tpu.memory_space<vmem>> -> memref<400xi32, #tpu.memory_space<vmem>>
    %dma_start3A_168 = arith.constant 0 : i32
    %dma_start3A_169 = arith.constant 0 : i32
    %dma_start3A_170 = tpu.memref_slice %arg4[%dma_start3A_168, %dma_start3A_169] : memref<1000000x64xf32, #tpu.memory_space<hbm>> -> memref<1000000x64xf32, #tpu.memory_space<hbm>>
    %dma_start3A_171 = tpu.memref_slice %arg9[%dma_start3A_160] : memref<4x!tpu.dma_semaphore, #tpu.memory_space<semaphore_mem>> -> memref<1x!tpu.dma_semaphore, #tpu.memory_space<semaphore_mem>>
    %dma_start3A_172 = tpu.memref_squeeze %dma_start3A_171 : memref<1x!tpu.dma_semaphore, #tpu.memory_space<semaphore_mem>> -> memref<!tpu.dma_semaphore, #tpu.memory_space<semaphore_mem>>
    tpu.enqueue_indirect_dma source(%dma_start3A_170 : memref<1000000x64xf32, #tpu.memory_space<hbm>>) target(%dma_start3A_164 : memref<400x64xf32, #tpu.memory_space<vmem>>) offsets(%dma_start3A_167 : memref<400xi32, #tpu.memory_space<vmem>>) semaphore(%dma_start3A_172 : memref<!tpu.dma_semaphore, #tpu.memory_space<semaphore_mem>>)
    %dma_wait3A_173 = arith.constant 1 : i32
    %dma_wait3A_174 = arith.constant 1 : i32
    %dma_wait3A_175 = arith.constant 1 : i32
    %dma_wait3A_176 = arith.constant 0 : i32
    %dma_wait3A_177 = arith.constant 0 : i32
    %dma_wait3A_178 = tpu.memref_slice %arg8[%dma_wait3A_174, %dma_wait3A_176, %dma_wait3A_177] : memref<4x400x64xf32, #tpu.memory_space<vmem>> -> memref<1x400x64xf32, #tpu.memory_space<vmem>>
    %dma_wait3A_179 = tpu.memref_squeeze %dma_wait3A_178 : memref<1x400x64xf32, #tpu.memory_space<vmem>> -> memref<400x64xf32, #tpu.memory_space<vmem>>
    %dma_wait3A_180 = arith.constant 0 : i32
    %dma_wait3A_181 = tpu.memref_slice %arg6[%dma_wait3A_173, %dma_wait3A_180] : memref<4x400xi32, #tpu.memory_space<vmem>> -> memref<1x400xi32, #tpu.memory_space<vmem>>
    %dma_wait3A_182 = tpu.memref_squeeze %dma_wait3A_181 : memref<1x400xi32, #tpu.memory_space<vmem>> -> memref<400xi32, #tpu.memory_space<vmem>>
    %dma_wait3A_183 = arith.constant 0 : i32
    %dma_wait3A_184 = arith.constant 0 : i32
    %dma_wait3A_185 = tpu.memref_slice %arg4[%dma_wait3A_183, %dma_wait3A_184] : memref<1000000x64xf32, #tpu.memory_space<hbm>> -> memref<1000000x64xf32, #tpu.memory_space<hbm>>
    %dma_wait3A_186 = tpu.memref_slice %arg9[%dma_wait3A_175] : memref<4x!tpu.dma_semaphore, #tpu.memory_space<semaphore_mem>> -> memref<1x!tpu.dma_semaphore, #tpu.memory_space<semaphore_mem>>
    %dma_wait3A_187 = tpu.memref_squeeze %dma_wait3A_186 : memref<1x!tpu.dma_semaphore, #tpu.memory_space<semaphore_mem>> -> memref<!tpu.dma_semaphore, #tpu.memory_space<semaphore_mem>>
    tpu.wait_indirect_dma semaphore(%dma_wait3A_187 : memref<!tpu.dma_semaphore, #tpu.memory_space<semaphore_mem>>) src(%dma_wait3A_185 : memref<1000000x64xf32, #tpu.memory_space<hbm>>) dst(%dma_wait3A_179 : memref<400x64xf32, #tpu.memory_space<vmem>>)
    %add3A_188 = arith.constant 400 : i32
    %add3A_189 = arith.addi %mul3A_2, %add3A_188 : i32
    %dma_wait3A_190 = arith.constant 1 : i32
    %dma_wait3A_191 = arith.constant 1 : i32
    %dma_wait3A_192 = arith.constant 0 : i32
    %dma_wait3A_193 = tpu.memref_slice %arg7[%dma_wait3A_190, %dma_wait3A_192] : memref<4x400xi32, #tpu.memory_space<vmem>> -> memref<1x400xi32, #tpu.memory_space<vmem>>
    %dma_wait3A_194 = tpu.memref_squeeze %dma_wait3A_193 : memref<1x400xi32, #tpu.memory_space<vmem>> -> memref<400xi32, #tpu.memory_space<vmem>>
    %dma_wait3A_195 = tpu.memref_slice %arg3[%add3A_189] : memref<3276800xi32, #tpu.memory_space<hbm>> -> memref<400xi32, #tpu.memory_space<hbm>>
    %dma_wait3A_196 = tpu.memref_slice %arg11[%dma_wait3A_191] : memref<4x!tpu.dma_semaphore, #tpu.memory_space<semaphore_mem>> -> memref<1x!tpu.dma_semaphore, #tpu.memory_space<semaphore_mem>>
    %dma_wait3A_197 = tpu.memref_squeeze %dma_wait3A_196 : memref<1x!tpu.dma_semaphore, #tpu.memory_space<semaphore_mem>> -> memref<!tpu.dma_semaphore, #tpu.memory_space<semaphore_mem>>
    %dma_wait3A_198 = arith.constant 0 : i32
    %dma_wait3A_199 = tpu.memref_slice %arg7[%dma_wait3A_190, %dma_wait3A_198] : memref<4x400xi32, #tpu.memory_space<vmem>> -> memref<1x400xi32, #tpu.memory_space<vmem>>
    %dma_wait3A_200 = tpu.memref_squeeze %dma_wait3A_199 : memref<1x400xi32, #tpu.memory_space<vmem>> -> memref<400xi32, #tpu.memory_space<vmem>>
    %dma_wait3A_201 = tpu.memref_slice %arg3[%add3A_189] : memref<3276800xi32, #tpu.memory_space<hbm>> -> memref<400xi32, #tpu.memory_space<hbm>>
    tpu.wait_dma2 semaphore(%dma_wait3A_197 : memref<!tpu.dma_semaphore, #tpu.memory_space<semaphore_mem>>) src(%dma_wait3A_201 : memref<400xi32, #tpu.memory_space<hbm>>) dst(%dma_wait3A_200 : memref<400xi32, #tpu.memory_space<vmem>>)
    %dma_start3A_202 = arith.constant 1 : i32
    %dma_start3A_203 = arith.constant 1 : i32
    %dma_start3A_204 = arith.constant 1 : i32
    %dma_start3A_205 = arith.constant 0 : i32
    %dma_start3A_206 = arith.constant 0 : i32
    %dma_start3A_207 = tpu.memref_slice %arg8[%dma_start3A_202, %dma_start3A_205, %dma_start3A_206] : memref<4x400x64xf32, #tpu.memory_space<vmem>> -> memref<1x400x64xf32, #tpu.memory_space<vmem>>
    %dma_start3A_208 = tpu.memref_squeeze %dma_start3A_207 : memref<1x400x64xf32, #tpu.memory_space<vmem>> -> memref<400x64xf32, #tpu.memory_space<vmem>>
    %dma_start3A_209 = arith.constant 0 : i32
    %dma_start3A_210 = tpu.memref_slice %arg7[%dma_start3A_203, %dma_start3A_209] : memref<4x400xi32, #tpu.memory_space<vmem>> -> memref<1x400xi32, #tpu.memory_space<vmem>>
    %dma_start3A_211 = tpu.memref_squeeze %dma_start3A_210 : memref<1x400xi32, #tpu.memory_space<vmem>> -> memref<400xi32, #tpu.memory_space<vmem>>
    %dma_start3A_212 = arith.constant 0 : i32
    %dma_start3A_213 = arith.constant 0 : i32
    %dma_start3A_214 = tpu.memref_slice %arg5[%dma_start3A_212, %dma_start3A_213] : memref<6553600x64xf32, #tpu.memory_space<hbm>> -> memref<6553600x64xf32, #tpu.memory_space<hbm>>
    %dma_start3A_215 = tpu.memref_slice %arg12[%dma_start3A_204] : memref<4x!tpu.dma_semaphore, #tpu.memory_space<semaphore_mem>> -> memref<1x!tpu.dma_semaphore, #tpu.memory_space<semaphore_mem>>
    %dma_start3A_216 = tpu.memref_squeeze %dma_start3A_215 : memref<1x!tpu.dma_semaphore, #tpu.memory_space<semaphore_mem>> -> memref<!tpu.dma_semaphore, #tpu.memory_space<semaphore_mem>>
    tpu.enqueue_indirect_dma source(%dma_start3A_208 : memref<400x64xf32, #tpu.memory_space<vmem>>) target(%dma_start3A_214 : memref<6553600x64xf32, #tpu.memory_space<hbm>>) offsets(%dma_start3A_211 : memref<400xi32, #tpu.memory_space<vmem>>) semaphore(%dma_start3A_216 : memref<!tpu.dma_semaphore, #tpu.memory_space<semaphore_mem>>)
    %add3A_217 = arith.constant 1200 : i32
    %add3A_218 = arith.addi %mul3A_2, %add3A_217 : i32
    %dma_start3A_219 = arith.constant 3 : i32
    %dma_start3A_220 = arith.constant 3 : i32
    %dma_start3A_221 = arith.constant 0 : i32
    %dma_start3A_222 = tpu.memref_slice %arg6[%dma_start3A_219, %dma_start3A_221] : memref<4x400xi32, #tpu.memory_space<vmem>> -> memref<1x400xi32, #tpu.memory_space<vmem>>
    %dma_start3A_223 = tpu.memref_squeeze %dma_start3A_222 : memref<1x400xi32, #tpu.memory_space<vmem>> -> memref<400xi32, #tpu.memory_space<vmem>>
    %dma_start3A_224 = tpu.memref_slice %arg2[%add3A_218] : memref<3276800xi32, #tpu.memory_space<hbm>> -> memref<400xi32, #tpu.memory_space<hbm>>
    %dma_start3A_225 = tpu.memref_slice %arg10[%dma_start3A_220] : memref<4x!tpu.dma_semaphore, #tpu.memory_space<semaphore_mem>> -> memref<1x!tpu.dma_semaphore, #tpu.memory_space<semaphore_mem>>
    %dma_start3A_226 = tpu.memref_squeeze %dma_start3A_225 : memref<1x!tpu.dma_semaphore, #tpu.memory_space<semaphore_mem>> -> memref<!tpu.dma_semaphore, #tpu.memory_space<semaphore_mem>>
    %dma_start3A_227 = arith.constant 0 : i32
    %dma_start3A_228 = tpu.memref_slice %arg6[%dma_start3A_219, %dma_start3A_227] : memref<4x400xi32, #tpu.memory_space<vmem>> -> memref<1x400xi32, #tpu.memory_space<vmem>>
    %dma_start3A_229 = tpu.memref_squeeze %dma_start3A_228 : memref<1x400xi32, #tpu.memory_space<vmem>> -> memref<400xi32, #tpu.memory_space<vmem>>
    %dma_start3A_230 = tpu.memref_slice %arg2[%add3A_218] : memref<3276800xi32, #tpu.memory_space<hbm>> -> memref<400xi32, #tpu.memory_space<hbm>>
    tpu.enqueue_dma source(%dma_start3A_230 : memref<400xi32, #tpu.memory_space<hbm>>) target(%dma_start3A_229 : memref<400xi32, #tpu.memory_space<vmem>>) target_semaphore(%dma_start3A_226 : memref<!tpu.dma_semaphore, #tpu.memory_space<semaphore_mem>>)
    %add3A_231 = arith.constant 800 : i32
    %add3A_232 = arith.addi %mul3A_2, %add3A_231 : i32
    %dma_wait3A_233 = arith.constant 2 : i32
    %dma_wait3A_234 = arith.constant 2 : i32
    %dma_wait3A_235 = arith.constant 0 : i32
    %dma_wait3A_236 = tpu.memref_slice %arg6[%dma_wait3A_233, %dma_wait3A_235] : memref<4x400xi32, #tpu.memory_space<vmem>> -> memref<1x400xi32, #tpu.memory_space<vmem>>
    %dma_wait3A_237 = tpu.memref_squeeze %dma_wait3A_236 : memref<1x400xi32, #tpu.memory_space<vmem>> -> memref<400xi32, #tpu.memory_space<vmem>>
    %dma_wait3A_238 = tpu.memref_slice %arg2[%add3A_232] : memref<3276800xi32, #tpu.memory_space<hbm>> -> memref<400xi32, #tpu.memory_space<hbm>>
    %dma_wait3A_239 = tpu.memref_slice %arg10[%dma_wait3A_234] : memref<4x!tpu.dma_semaphore, #tpu.memory_space<semaphore_mem>> -> memref<1x!tpu.dma_semaphore, #tpu.memory_space<semaphore_mem>>
    %dma_wait3A_240 = tpu.memref_squeeze %dma_wait3A_239 : memref<1x!tpu.dma_semaphore, #tpu.memory_space<semaphore_mem>> -> memref<!tpu.dma_semaphore, #tpu.memory_space<semaphore_mem>>
    %dma_wait3A_241 = arith.constant 0 : i32
    %dma_wait3A_242 = tpu.memref_slice %arg6[%dma_wait3A_233, %dma_wait3A_241] : memref<4x400xi32, #tpu.memory_space<vmem>> -> memref<1x400xi32, #tpu.memory_space<vmem>>
    %dma_wait3A_243 = tpu.memref_squeeze %dma_wait3A_242 : memref<1x400xi32, #tpu.memory_space<vmem>> -> memref<400xi32, #tpu.memory_space<vmem>>
    %dma_wait3A_244 = tpu.memref_slice %arg2[%add3A_232] : memref<3276800xi32, #tpu.memory_space<hbm>> -> memref<400xi32, #tpu.memory_space<hbm>>
    tpu.wait_dma2 semaphore(%dma_wait3A_240 : memref<!tpu.dma_semaphore, #tpu.memory_space<semaphore_mem>>) src(%dma_wait3A_244 : memref<400xi32, #tpu.memory_space<hbm>>) dst(%dma_wait3A_243 : memref<400xi32, #tpu.memory_space<vmem>>)
    %add3A_245 = arith.constant 800 : i32
    %add3A_246 = arith.addi %mul3A_2, %add3A_245 : i32
    %dma_start3A_247 = arith.constant 2 : i32
    %dma_start3A_248 = arith.constant 2 : i32
    %dma_start3A_249 = arith.constant 0 : i32
    %dma_start3A_250 = tpu.memref_slice %arg7[%dma_start3A_247, %dma_start3A_249] : memref<4x400xi32, #tpu.memory_space<vmem>> -> memref<1x400xi32, #tpu.memory_space<vmem>>
    %dma_start3A_251 = tpu.memref_squeeze %dma_start3A_250 : memref<1x400xi32, #tpu.memory_space<vmem>> -> memref<400xi32, #tpu.memory_space<vmem>>
    %dma_start3A_252 = tpu.memref_slice %arg3[%add3A_246] : memref<3276800xi32, #tpu.memory_space<hbm>> -> memref<400xi32, #tpu.memory_space<hbm>>
    %dma_start3A_253 = tpu.memref_slice %arg11[%dma_start3A_248] : memref<4x!tpu.dma_semaphore, #tpu.memory_space<semaphore_mem>> -> memref<1x!tpu.dma_semaphore, #tpu.memory_space<semaphore_mem>>
    %dma_start3A_254 = tpu.memref_squeeze %dma_start3A_253 : memref<1x!tpu.dma_semaphore, #tpu.memory_space<semaphore_mem>> -> memref<!tpu.dma_semaphore, #tpu.memory_space<semaphore_mem>>
    %dma_start3A_255 = arith.constant 0 : i32
    %dma_start3A_256 = tpu.memref_slice %arg7[%dma_start3A_247, %dma_start3A_255] : memref<4x400xi32, #tpu.memory_space<vmem>> -> memref<1x400xi32, #tpu.memory_space<vmem>>
    %dma_start3A_257 = tpu.memref_squeeze %dma_start3A_256 : memref<1x400xi32, #tpu.memory_space<vmem>> -> memref<400xi32, #tpu.memory_space<vmem>>
    %dma_start3A_258 = tpu.memref_slice %arg3[%add3A_246] : memref<3276800xi32, #tpu.memory_space<hbm>> -> memref<400xi32, #tpu.memory_space<hbm>>
    tpu.enqueue_dma source(%dma_start3A_258 : memref<400xi32, #tpu.memory_space<hbm>>) target(%dma_start3A_257 : memref<400xi32, #tpu.memory_space<vmem>>) target_semaphore(%dma_start3A_254 : memref<!tpu.dma_semaphore, #tpu.memory_space<semaphore_mem>>)
    %dma_start3A_259 = arith.constant 2 : i32
    %dma_start3A_260 = arith.constant 2 : i32
    %dma_start3A_261 = arith.constant 2 : i32
    %dma_start3A_262 = arith.constant 0 : i32
    %dma_start3A_263 = arith.constant 0 : i32
    %dma_start3A_264 = tpu.memref_slice %arg8[%dma_start3A_260, %dma_start3A_262, %dma_start3A_263] : memref<4x400x64xf32, #tpu.memory_space<vmem>> -> memref<1x400x64xf32, #tpu.memory_space<vmem>>
    %dma_start3A_265 = tpu.memref_squeeze %dma_start3A_264 : memref<1x400x64xf32, #tpu.memory_space<vmem>> -> memref<400x64xf32, #tpu.memory_space<vmem>>
    %dma_start3A_266 = arith.constant 0 : i32
    %dma_start3A_267 = tpu.memref_slice %arg6[%dma_start3A_259, %dma_start3A_266] : memref<4x400xi32, #tpu.memory_space<vmem>> -> memref<1x400xi32, #tpu.memory_space<vmem>>
    %dma_start3A_268 = tpu.memref_squeeze %dma_start3A_267 : memref<1x400xi32, #tpu.memory_space<vmem>> -> memref<400xi32, #tpu.memory_space<vmem>>
    %dma_start3A_269 = arith.constant 0 : i32
    %dma_start3A_270 = arith.constant 0 : i32
    %dma_start3A_271 = tpu.memref_slice %arg4[%dma_start3A_269, %dma_start3A_270] : memref<1000000x64xf32, #tpu.memory_space<hbm>> -> memref<1000000x64xf32, #tpu.memory_space<hbm>>
    %dma_start3A_272 = tpu.memref_slice %arg9[%dma_start3A_261] : memref<4x!tpu.dma_semaphore, #tpu.memory_space<semaphore_mem>> -> memref<1x!tpu.dma_semaphore, #tpu.memory_space<semaphore_mem>>
    %dma_start3A_273 = tpu.memref_squeeze %dma_start3A_272 : memref<1x!tpu.dma_semaphore, #tpu.memory_space<semaphore_mem>> -> memref<!tpu.dma_semaphore, #tpu.memory_space<semaphore_mem>>
    tpu.enqueue_indirect_dma source(%dma_start3A_271 : memref<1000000x64xf32, #tpu.memory_space<hbm>>) target(%dma_start3A_265 : memref<400x64xf32, #tpu.memory_space<vmem>>) offsets(%dma_start3A_268 : memref<400xi32, #tpu.memory_space<vmem>>) semaphore(%dma_start3A_273 : memref<!tpu.dma_semaphore, #tpu.memory_space<semaphore_mem>>)
    %dma_wait3A_274 = arith.constant 2 : i32
    %dma_wait3A_275 = arith.constant 2 : i32
    %dma_wait3A_276 = arith.constant 2 : i32
    %dma_wait3A_277 = arith.constant 0 : i32
    %dma_wait3A_278 = arith.constant 0 : i32
    %dma_wait3A_279 = tpu.memref_slice %arg8[%dma_wait3A_275, %dma_wait3A_277, %dma_wait3A_278] : memref<4x400x64xf32, #tpu.memory_space<vmem>> -> memref<1x400x64xf32, #tpu.memory_space<vmem>>
    %dma_wait3A_280 = tpu.memref_squeeze %dma_wait3A_279 : memref<1x400x64xf32, #tpu.memory_space<vmem>> -> memref<400x64xf32, #tpu.memory_space<vmem>>
    %dma_wait3A_281 = arith.constant 0 : i32
    %dma_wait3A_282 = tpu.memref_slice %arg6[%dma_wait3A_274, %dma_wait3A_281] : memref<4x400xi32, #tpu.memory_space<vmem>> -> memref<1x400xi32, #tpu.memory_space<vmem>>
    %dma_wait3A_283 = tpu.memref_squeeze %dma_wait3A_282 : memref<1x400xi32, #tpu.memory_space<vmem>> -> memref<400xi32, #tpu.memory_space<vmem>>
    %dma_wait3A_284 = arith.constant 0 : i32
    %dma_wait3A_285 = arith.constant 0 : i32
    %dma_wait3A_286 = tpu.memref_slice %arg4[%dma_wait3A_284, %dma_wait3A_285] : memref<1000000x64xf32, #tpu.memory_space<hbm>> -> memref<1000000x64xf32, #tpu.memory_space<hbm>>
    %dma_wait3A_287 = tpu.memref_slice %arg9[%dma_wait3A_276] : memref<4x!tpu.dma_semaphore, #tpu.memory_space<semaphore_mem>> -> memref<1x!tpu.dma_semaphore, #tpu.memory_space<semaphore_mem>>
    %dma_wait3A_288 = tpu.memref_squeeze %dma_wait3A_287 : memref<1x!tpu.dma_semaphore, #tpu.memory_space<semaphore_mem>> -> memref<!tpu.dma_semaphore, #tpu.memory_space<semaphore_mem>>
    tpu.wait_indirect_dma semaphore(%dma_wait3A_288 : memref<!tpu.dma_semaphore, #tpu.memory_space<semaphore_mem>>) src(%dma_wait3A_286 : memref<1000000x64xf32, #tpu.memory_space<hbm>>) dst(%dma_wait3A_280 : memref<400x64xf32, #tpu.memory_space<vmem>>)
    %add3A_289 = arith.constant 800 : i32
    %add3A_290 = arith.addi %mul3A_2, %add3A_289 : i32
    %dma_wait3A_291 = arith.constant 2 : i32
    %dma_wait3A_292 = arith.constant 2 : i32
    %dma_wait3A_293 = arith.constant 0 : i32
    %dma_wait3A_294 = tpu.memref_slice %arg7[%dma_wait3A_291, %dma_wait3A_293] : memref<4x400xi32, #tpu.memory_space<vmem>> -> memref<1x400xi32, #tpu.memory_space<vmem>>
    %dma_wait3A_295 = tpu.memref_squeeze %dma_wait3A_294 : memref<1x400xi32, #tpu.memory_space<vmem>> -> memref<400xi32, #tpu.memory_space<vmem>>
    %dma_wait3A_296 = tpu.memref_slice %arg3[%add3A_290] : memref<3276800xi32, #tpu.memory_space<hbm>> -> memref<400xi32, #tpu.memory_space<hbm>>
    %dma_wait3A_297 = tpu.memref_slice %arg11[%dma_wait3A_292] : memref<4x!tpu.dma_semaphore, #tpu.memory_space<semaphore_mem>> -> memref<1x!tpu.dma_semaphore, #tpu.memory_space<semaphore_mem>>
    %dma_wait3A_298 = tpu.memref_squeeze %dma_wait3A_297 : memref<1x!tpu.dma_semaphore, #tpu.memory_space<semaphore_mem>> -> memref<!tpu.dma_semaphore, #tpu.memory_space<semaphore_mem>>
    %dma_wait3A_299 = arith.constant 0 : i32
    %dma_wait3A_300 = tpu.memref_slice %arg7[%dma_wait3A_291, %dma_wait3A_299] : memref<4x400xi32, #tpu.memory_space<vmem>> -> memref<1x400xi32, #tpu.memory_space<vmem>>
    %dma_wait3A_301 = tpu.memref_squeeze %dma_wait3A_300 : memref<1x400xi32, #tpu.memory_space<vmem>> -> memref<400xi32, #tpu.memory_space<vmem>>
    %dma_wait3A_302 = tpu.memref_slice %arg3[%add3A_290] : memref<3276800xi32, #tpu.memory_space<hbm>> -> memref<400xi32, #tpu.memory_space<hbm>>
    tpu.wait_dma2 semaphore(%dma_wait3A_298 : memref<!tpu.dma_semaphore, #tpu.memory_space<semaphore_mem>>) src(%dma_wait3A_302 : memref<400xi32, #tpu.memory_space<hbm>>) dst(%dma_wait3A_301 : memref<400xi32, #tpu.memory_space<vmem>>)
    %dma_start3A_303 = arith.constant 2 : i32
    %dma_start3A_304 = arith.constant 2 : i32
    %dma_start3A_305 = arith.constant 2 : i32
    %dma_start3A_306 = arith.constant 0 : i32
    %dma_start3A_307 = arith.constant 0 : i32
    %dma_start3A_308 = tpu.memref_slice %arg8[%dma_start3A_303, %dma_start3A_306, %dma_start3A_307] : memref<4x400x64xf32, #tpu.memory_space<vmem>> -> memref<1x400x64xf32, #tpu.memory_space<vmem>>
    %dma_start3A_309 = tpu.memref_squeeze %dma_start3A_308 : memref<1x400x64xf32, #tpu.memory_space<vmem>> -> memref<400x64xf32, #tpu.memory_space<vmem>>
    %dma_start3A_310 = arith.constant 0 : i32
    %dma_start3A_311 = tpu.memref_slice %arg7[%dma_start3A_304, %dma_start3A_310] : memref<4x400xi32, #tpu.memory_space<vmem>> -> memref<1x400xi32, #tpu.memory_space<vmem>>
    %dma_start3A_312 = tpu.memref_squeeze %dma_start3A_311 : memref<1x400xi32, #tpu.memory_space<vmem>> -> memref<400xi32, #tpu.memory_space<vmem>>
    %dma_start3A_313 = arith.constant 0 : i32
    %dma_start3A_314 = arith.constant 0 : i32
    %dma_start3A_315 = tpu.memref_slice %arg5[%dma_start3A_313, %dma_start3A_314] : memref<6553600x64xf32, #tpu.memory_space<hbm>> -> memref<6553600x64xf32, #tpu.memory_space<hbm>>
    %dma_start3A_316 = tpu.memref_slice %arg12[%dma_start3A_305] : memref<4x!tpu.dma_semaphore, #tpu.memory_space<semaphore_mem>> -> memref<1x!tpu.dma_semaphore, #tpu.memory_space<semaphore_mem>>
    %dma_start3A_317 = tpu.memref_squeeze %dma_start3A_316 : memref<1x!tpu.dma_semaphore, #tpu.memory_space<semaphore_mem>> -> memref<!tpu.dma_semaphore, #tpu.memory_space<semaphore_mem>>
    tpu.enqueue_indirect_dma source(%dma_start3A_309 : memref<400x64xf32, #tpu.memory_space<vmem>>) target(%dma_start3A_315 : memref<6553600x64xf32, #tpu.memory_space<hbm>>) offsets(%dma_start3A_312 : memref<400xi32, #tpu.memory_space<vmem>>) semaphore(%dma_start3A_317 : memref<!tpu.dma_semaphore, #tpu.memory_space<semaphore_mem>>)
    %add3A_318 = arith.constant 1600 : i32
    %add3A_319 = arith.addi %mul3A_2, %add3A_318 : i32
    %dma_start3A_320 = arith.constant 0 : i32
    %dma_start3A_321 = arith.constant 0 : i32
    %dma_start3A_322 = arith.constant 0 : i32
    %dma_start3A_323 = tpu.memref_slice %arg6[%dma_start3A_320, %dma_start3A_322] : memref<4x400xi32, #tpu.memory_space<vmem>> -> memref<1x400xi32, #tpu.memory_space<vmem>>
    %dma_start3A_324 = tpu.memref_squeeze %dma_start3A_323 : memref<1x400xi32, #tpu.memory_space<vmem>> -> memref<400xi32, #tpu.memory_space<vmem>>
    %dma_start3A_325 = tpu.memref_slice %arg2[%add3A_319] : memref<3276800xi32, #tpu.memory_space<hbm>> -> memref<400xi32, #tpu.memory_space<hbm>>
    %dma_start3A_326 = tpu.memref_slice %arg10[%dma_start3A_321] : memref<4x!tpu.dma_semaphore, #tpu.memory_space<semaphore_mem>> -> memref<1x!tpu.dma_semaphore, #tpu.memory_space<semaphore_mem>>
    %dma_start3A_327 = tpu.memref_squeeze %dma_start3A_326 : memref<1x!tpu.dma_semaphore, #tpu.memory_space<semaphore_mem>> -> memref<!tpu.dma_semaphore, #tpu.memory_space<semaphore_mem>>
    %dma_start3A_328 = arith.constant 0 : i32
    %dma_start3A_329 = tpu.memref_slice %arg6[%dma_start3A_320, %dma_start3A_328] : memref<4x400xi32, #tpu.memory_space<vmem>> -> memref<1x400xi32, #tpu.memory_space<vmem>>
    %dma_start3A_330 = tpu.memref_squeeze %dma_start3A_329 : memref<1x400xi32, #tpu.memory_space<vmem>> -> memref<400xi32, #tpu.memory_space<vmem>>
    %dma_start3A_331 = tpu.memref_slice %arg2[%add3A_319] : memref<3276800xi32, #tpu.memory_space<hbm>> -> memref<400xi32, #tpu.memory_space<hbm>>
    tpu.enqueue_dma source(%dma_start3A_331 : memref<400xi32, #tpu.memory_space<hbm>>) target(%dma_start3A_330 : memref<400xi32, #tpu.memory_space<vmem>>) target_semaphore(%dma_start3A_327 : memref<!tpu.dma_semaphore, #tpu.memory_space<semaphore_mem>>)
    %add3A_332 = arith.constant 1200 : i32
    %add3A_333 = arith.addi %mul3A_2, %add3A_332 : i32
    %dma_wait3A_334 = arith.constant 3 : i32
    %dma_wait3A_335 = arith.constant 3 : i32
    %dma_wait3A_336 = arith.constant 0 : i32
    %dma_wait3A_337 = tpu.memref_slice %arg6[%dma_wait3A_334, %dma_wait3A_336] : memref<4x400xi32, #tpu.memory_space<vmem>> -> memref<1x400xi32, #tpu.memory_space<vmem>>
    %dma_wait3A_338 = tpu.memref_squeeze %dma_wait3A_337 : memref<1x400xi32, #tpu.memory_space<vmem>> -> memref<400xi32, #tpu.memory_space<vmem>>
    %dma_wait3A_339 = tpu.memref_slice %arg2[%add3A_333] : memref<3276800xi32, #tpu.memory_space<hbm>> -> memref<400xi32, #tpu.memory_space<hbm>>
    %dma_wait3A_340 = tpu.memref_slice %arg10[%dma_wait3A_335] : memref<4x!tpu.dma_semaphore, #tpu.memory_space<semaphore_mem>> -> memref<1x!tpu.dma_semaphore, #tpu.memory_space<semaphore_mem>>
    %dma_wait3A_341 = tpu.memref_squeeze %dma_wait3A_340 : memref<1x!tpu.dma_semaphore, #tpu.memory_space<semaphore_mem>> -> memref<!tpu.dma_semaphore, #tpu.memory_space<semaphore_mem>>
    %dma_wait3A_342 = arith.constant 0 : i32
    %dma_wait3A_343 = tpu.memref_slice %arg6[%dma_wait3A_334, %dma_wait3A_342] : memref<4x400xi32, #tpu.memory_space<vmem>> -> memref<1x400xi32, #tpu.memory_space<vmem>>
    %dma_wait3A_344 = tpu.memref_squeeze %dma_wait3A_343 : memref<1x400xi32, #tpu.memory_space<vmem>> -> memref<400xi32, #tpu.memory_space<vmem>>
    %dma_wait3A_345 = tpu.memref_slice %arg2[%add3A_333] : memref<3276800xi32, #tpu.memory_space<hbm>> -> memref<400xi32, #tpu.memory_space<hbm>>
    tpu.wait_dma2 semaphore(%dma_wait3A_341 : memref<!tpu.dma_semaphore, #tpu.memory_space<semaphore_mem>>) src(%dma_wait3A_345 : memref<400xi32, #tpu.memory_space<hbm>>) dst(%dma_wait3A_344 : memref<400xi32, #tpu.memory_space<vmem>>)
    %add3A_346 = arith.constant 1200 : i32
    %add3A_347 = arith.addi %mul3A_2, %add3A_346 : i32
    %dma_start3A_348 = arith.constant 3 : i32
    %dma_start3A_349 = arith.constant 3 : i32
    %dma_start3A_350 = arith.constant 0 : i32
    %dma_start3A_351 = tpu.memref_slice %arg7[%dma_start3A_348, %dma_start3A_350] : memref<4x400xi32, #tpu.memory_space<vmem>> -> memref<1x400xi32, #tpu.memory_space<vmem>>
    %dma_start3A_352 = tpu.memref_squeeze %dma_start3A_351 : memref<1x400xi32, #tpu.memory_space<vmem>> -> memref<400xi32, #tpu.memory_space<vmem>>
    %dma_start3A_353 = tpu.memref_slice %arg3[%add3A_347] : memref<3276800xi32, #tpu.memory_space<hbm>> -> memref<400xi32, #tpu.memory_space<hbm>>
    %dma_start3A_354 = tpu.memref_slice %arg11[%dma_start3A_349] : memref<4x!tpu.dma_semaphore, #tpu.memory_space<semaphore_mem>> -> memref<1x!tpu.dma_semaphore, #tpu.memory_space<semaphore_mem>>
    %dma_start3A_355 = tpu.memref_squeeze %dma_start3A_354 : memref<1x!tpu.dma_semaphore, #tpu.memory_space<semaphore_mem>> -> memref<!tpu.dma_semaphore, #tpu.memory_space<semaphore_mem>>
    %dma_start3A_356 = arith.constant 0 : i32
    %dma_start3A_357 = tpu.memref_slice %arg7[%dma_start3A_348, %dma_start3A_356] : memref<4x400xi32, #tpu.memory_space<vmem>> -> memref<1x400xi32, #tpu.memory_space<vmem>>
    %dma_start3A_358 = tpu.memref_squeeze %dma_start3A_357 : memref<1x400xi32, #tpu.memory_space<vmem>> -> memref<400xi32, #tpu.memory_space<vmem>>
    %dma_start3A_359 = tpu.memref_slice %arg3[%add3A_347] : memref<3276800xi32, #tpu.memory_space<hbm>> -> memref<400xi32, #tpu.memory_space<hbm>>
    tpu.enqueue_dma source(%dma_start3A_359 : memref<400xi32, #tpu.memory_space<hbm>>) target(%dma_start3A_358 : memref<400xi32, #tpu.memory_space<vmem>>) target_semaphore(%dma_start3A_355 : memref<!tpu.dma_semaphore, #tpu.memory_space<semaphore_mem>>)
    %dma_start3A_360 = arith.constant 3 : i32
    %dma_start3A_361 = arith.constant 3 : i32
    %dma_start3A_362 = arith.constant 3 : i32
    %dma_start3A_363 = arith.constant 0 : i32
    %dma_start3A_364 = arith.constant 0 : i32
    %dma_start3A_365 = tpu.memref_slice %arg8[%dma_start3A_361, %dma_start3A_363, %dma_start3A_364] : memref<4x400x64xf32, #tpu.memory_space<vmem>> -> memref<1x400x64xf32, #tpu.memory_space<vmem>>
    %dma_start3A_366 = tpu.memref_squeeze %dma_start3A_365 : memref<1x400x64xf32, #tpu.memory_space<vmem>> -> memref<400x64xf32, #tpu.memory_space<vmem>>
    %dma_start3A_367 = arith.constant 0 : i32
    %dma_start3A_368 = tpu.memref_slice %arg6[%dma_start3A_360, %dma_start3A_367] : memref<4x400xi32, #tpu.memory_space<vmem>> -> memref<1x400xi32, #tpu.memory_space<vmem>>
    %dma_start3A_369 = tpu.memref_squeeze %dma_start3A_368 : memref<1x400xi32, #tpu.memory_space<vmem>> -> memref<400xi32, #tpu.memory_space<vmem>>
    %dma_start3A_370 = arith.constant 0 : i32
    %dma_start3A_371 = arith.constant 0 : i32
    %dma_start3A_372 = tpu.memref_slice %arg4[%dma_start3A_370, %dma_start3A_371] : memref<1000000x64xf32, #tpu.memory_space<hbm>> -> memref<1000000x64xf32, #tpu.memory_space<hbm>>
    %dma_start3A_373 = tpu.memref_slice %arg9[%dma_start3A_362] : memref<4x!tpu.dma_semaphore, #tpu.memory_space<semaphore_mem>> -> memref<1x!tpu.dma_semaphore, #tpu.memory_space<semaphore_mem>>
    %dma_start3A_374 = tpu.memref_squeeze %dma_start3A_373 : memref<1x!tpu.dma_semaphore, #tpu.memory_space<semaphore_mem>> -> memref<!tpu.dma_semaphore, #tpu.memory_space<semaphore_mem>>
    tpu.enqueue_indirect_dma source(%dma_start3A_372 : memref<1000000x64xf32, #tpu.memory_space<hbm>>) target(%dma_start3A_366 : memref<400x64xf32, #tpu.memory_space<vmem>>) offsets(%dma_start3A_369 : memref<400xi32, #tpu.memory_space<vmem>>) semaphore(%dma_start3A_374 : memref<!tpu.dma_semaphore, #tpu.memory_space<semaphore_mem>>)
    %scan3A = arith.constant 0 : i32
    %scan3A_375 = arith.constant 0 : i32
    %scan3A_376 = arith.constant 62 : i32
    %scan3A_377 = arith.addi %scan3A_375, %scan3A_376 : i32
    %scan3A_378 = arith.constant 1 : i32
    scf.for %scan3A_934 = %scan3A_375 to %scan3A_377 step %scan3A_378  : i32 {
      %mul3A_935 = arith.constant 4 : i32
      %mul3A_936 = arith.muli %scan3A_934, %mul3A_935 : i32
      %add3A_937 = arith.constant 3 : i32
      %add3A_938 = arith.addi %add3A_937, %mul3A_936 : i32
      %add3A_939 = arith.constant 0 : i32
      %add3A_940 = arith.addi %add3A_938, %add3A_939 : i32
      %dma_wait3A_941 = arith.constant 3 : i32
      %dma_wait3A_942 = arith.constant 3 : i32
      %dma_wait3A_943 = arith.constant 3 : i32
      %dma_wait3A_944 = arith.constant 0 : i32
      %dma_wait3A_945 = arith.constant 0 : i32
      %dma_wait3A_946 = tpu.memref_slice %arg8[%dma_wait3A_942, %dma_wait3A_944, %dma_wait3A_945] : memref<4x400x64xf32, #tpu.memory_space<vmem>> -> memref<1x400x64xf32, #tpu.memory_space<vmem>>
      %dma_wait3A_947 = tpu.memref_squeeze %dma_wait3A_946 : memref<1x400x64xf32, #tpu.memory_space<vmem>> -> memref<400x64xf32, #tpu.memory_space<vmem>>
      %dma_wait3A_948 = arith.constant 0 : i32
      %dma_wait3A_949 = tpu.memref_slice %arg6[%dma_wait3A_941, %dma_wait3A_948] : memref<4x400xi32, #tpu.memory_space<vmem>> -> memref<1x400xi32, #tpu.memory_space<vmem>>
      %dma_wait3A_950 = tpu.memref_squeeze %dma_wait3A_949 : memref<1x400xi32, #tpu.memory_space<vmem>> -> memref<400xi32, #tpu.memory_space<vmem>>
      %dma_wait3A_951 = arith.constant 0 : i32
      %dma_wait3A_952 = arith.constant 0 : i32
      %dma_wait3A_953 = tpu.memref_slice %arg4[%dma_wait3A_951, %dma_wait3A_952] : memref<1000000x64xf32, #tpu.memory_space<hbm>> -> memref<1000000x64xf32, #tpu.memory_space<hbm>>
      %dma_wait3A_954 = tpu.memref_slice %arg9[%dma_wait3A_943] : memref<4x!tpu.dma_semaphore, #tpu.memory_space<semaphore_mem>> -> memref<1x!tpu.dma_semaphore, #tpu.memory_space<semaphore_mem>>
      %dma_wait3A_955 = tpu.memref_squeeze %dma_wait3A_954 : memref<1x!tpu.dma_semaphore, #tpu.memory_space<semaphore_mem>> -> memref<!tpu.dma_semaphore, #tpu.memory_space<semaphore_mem>>
      tpu.wait_indirect_dma semaphore(%dma_wait3A_955 : memref<!tpu.dma_semaphore, #tpu.memory_space<semaphore_mem>>) src(%dma_wait3A_953 : memref<1000000x64xf32, #tpu.memory_space<hbm>>) dst(%dma_wait3A_947 : memref<400x64xf32, #tpu.memory_space<vmem>>)
      %mul3A_956 = arith.constant 400 : i32
      %mul3A_957 = arith.muli %add3A_940, %mul3A_956 : i32
      %add3A_958 = arith.addi %mul3A_2, %mul3A_957 : i32
      %dma_wait3A_959 = arith.constant 3 : i32
      %dma_wait3A_960 = arith.constant 3 : i32
      %dma_wait3A_961 = arith.constant 0 : i32
      %dma_wait3A_962 = tpu.memref_slice %arg7[%dma_wait3A_959, %dma_wait3A_961] : memref<4x400xi32, #tpu.memory_space<vmem>> -> memref<1x400xi32, #tpu.memory_space<vmem>>
      %dma_wait3A_963 = tpu.memref_squeeze %dma_wait3A_962 : memref<1x400xi32, #tpu.memory_space<vmem>> -> memref<400xi32, #tpu.memory_space<vmem>>
      %dma_wait3A_964 = tpu.memref_slice %arg3[%add3A_958] : memref<3276800xi32, #tpu.memory_space<hbm>> -> memref<400xi32, #tpu.memory_space<hbm>>
      %dma_wait3A_965 = tpu.memref_slice %arg11[%dma_wait3A_960] : memref<4x!tpu.dma_semaphore, #tpu.memory_space<semaphore_mem>> -> memref<1x!tpu.dma_semaphore, #tpu.memory_space<semaphore_mem>>
      %dma_wait3A_966 = tpu.memref_squeeze %dma_wait3A_965 : memref<1x!tpu.dma_semaphore, #tpu.memory_space<semaphore_mem>> -> memref<!tpu.dma_semaphore, #tpu.memory_space<semaphore_mem>>
      %dma_wait3A_967 = arith.constant 0 : i32
      %dma_wait3A_968 = tpu.memref_slice %arg7[%dma_wait3A_959, %dma_wait3A_967] : memref<4x400xi32, #tpu.memory_space<vmem>> -> memref<1x400xi32, #tpu.memory_space<vmem>>
      %dma_wait3A_969 = tpu.memref_squeeze %dma_wait3A_968 : memref<1x400xi32, #tpu.memory_space<vmem>> -> memref<400xi32, #tpu.memory_space<vmem>>
      %dma_wait3A_970 = tpu.memref_slice %arg3[%add3A_958] : memref<3276800xi32, #tpu.memory_space<hbm>> -> memref<400xi32, #tpu.memory_space<hbm>>
      tpu.wait_dma2 semaphore(%dma_wait3A_966 : memref<!tpu.dma_semaphore, #tpu.memory_space<semaphore_mem>>) src(%dma_wait3A_970 : memref<400xi32, #tpu.memory_space<hbm>>) dst(%dma_wait3A_969 : memref<400xi32, #tpu.memory_space<vmem>>)
      %dma_start3A_971 = arith.constant 3 : i32
      %dma_start3A_972 = arith.constant 3 : i32
      %dma_start3A_973 = arith.constant 3 : i32
      %dma_start3A_974 = arith.constant 0 : i32
      %dma_start3A_975 = arith.constant 0 : i32
      %dma_start3A_976 = tpu.memref_slice %arg8[%dma_start3A_971, %dma_start3A_974, %dma_start3A_975] : memref<4x400x64xf32, #tpu.memory_space<vmem>> -> memref<1x400x64xf32, #tpu.memory_space<vmem>>
      %dma_start3A_977 = tpu.memref_squeeze %dma_start3A_976 : memref<1x400x64xf32, #tpu.memory_space<vmem>> -> memref<400x64xf32, #tpu.memory_space<vmem>>
      %dma_start3A_978 = arith.constant 0 : i32
      %dma_start3A_979 = tpu.memref_slice %arg7[%dma_start3A_972, %dma_start3A_978] : memref<4x400xi32, #tpu.memory_space<vmem>> -> memref<1x400xi32, #tpu.memory_space<vmem>>
      %dma_start3A_980 = tpu.memref_squeeze %dma_start3A_979 : memref<1x400xi32, #tpu.memory_space<vmem>> -> memref<400xi32, #tpu.memory_space<vmem>>
      %dma_start3A_981 = arith.constant 0 : i32
      %dma_start3A_982 = arith.constant 0 : i32
      %dma_start3A_983 = tpu.memref_slice %arg5[%dma_start3A_981, %dma_start3A_982] : memref<6553600x64xf32, #tpu.memory_space<hbm>> -> memref<6553600x64xf32, #tpu.memory_space<hbm>>
      %dma_start3A_984 = tpu.memref_slice %arg12[%dma_start3A_973] : memref<4x!tpu.dma_semaphore, #tpu.memory_space<semaphore_mem>> -> memref<1x!tpu.dma_semaphore, #tpu.memory_space<semaphore_mem>>
      %dma_start3A_985 = tpu.memref_squeeze %dma_start3A_984 : memref<1x!tpu.dma_semaphore, #tpu.memory_space<semaphore_mem>> -> memref<!tpu.dma_semaphore, #tpu.memory_space<semaphore_mem>>
      tpu.enqueue_indirect_dma source(%dma_start3A_977 : memref<400x64xf32, #tpu.memory_space<vmem>>) target(%dma_start3A_983 : memref<6553600x64xf32, #tpu.memory_space<hbm>>) offsets(%dma_start3A_980 : memref<400xi32, #tpu.memory_space<vmem>>) semaphore(%dma_start3A_985 : memref<!tpu.dma_semaphore, #tpu.memory_space<semaphore_mem>>)
      %add3A_986 = arith.constant 2 : i32
      %add3A_987 = arith.addi %add3A_940, %add3A_986 : i32
      %mul3A_988 = arith.constant 400 : i32
      %mul3A_989 = arith.muli %add3A_987, %mul3A_988 : i32
      %add3A_990 = arith.addi %mul3A_2, %mul3A_989 : i32
      %dma_start3A_991 = arith.constant 1 : i32
      %dma_start3A_992 = arith.constant 1 : i32
      %dma_start3A_993 = arith.constant 0 : i32
      %dma_start3A_994 = tpu.memref_slice %arg6[%dma_start3A_991, %dma_start3A_993] : memref<4x400xi32, #tpu.memory_space<vmem>> -> memref<1x400xi32, #tpu.memory_space<vmem>>
      %dma_start3A_995 = tpu.memref_squeeze %dma_start3A_994 : memref<1x400xi32, #tpu.memory_space<vmem>> -> memref<400xi32, #tpu.memory_space<vmem>>
      %dma_start3A_996 = tpu.memref_slice %arg2[%add3A_990] : memref<3276800xi32, #tpu.memory_space<hbm>> -> memref<400xi32, #tpu.memory_space<hbm>>
      %dma_start3A_997 = tpu.memref_slice %arg10[%dma_start3A_992] : memref<4x!tpu.dma_semaphore, #tpu.memory_space<semaphore_mem>> -> memref<1x!tpu.dma_semaphore, #tpu.memory_space<semaphore_mem>>
      %dma_start3A_998 = tpu.memref_squeeze %dma_start3A_997 : memref<1x!tpu.dma_semaphore, #tpu.memory_space<semaphore_mem>> -> memref<!tpu.dma_semaphore, #tpu.memory_space<semaphore_mem>>
      %dma_start3A_999 = arith.constant 0 : i32
      %dma_start3A_1000 = tpu.memref_slice %arg6[%dma_start3A_991, %dma_start3A_999] : memref<4x400xi32, #tpu.memory_space<vmem>> -> memref<1x400xi32, #tpu.memory_space<vmem>>
      %dma_start3A_1001 = tpu.memref_squeeze %dma_start3A_1000 : memref<1x400xi32, #tpu.memory_space<vmem>> -> memref<400xi32, #tpu.memory_space<vmem>>
      %dma_start3A_1002 = tpu.memref_slice %arg2[%add3A_990] : memref<3276800xi32, #tpu.memory_space<hbm>> -> memref<400xi32, #tpu.memory_space<hbm>>
      tpu.enqueue_dma source(%dma_start3A_1002 : memref<400xi32, #tpu.memory_space<hbm>>) target(%dma_start3A_1001 : memref<400xi32, #tpu.memory_space<vmem>>) target_semaphore(%dma_start3A_998 : memref<!tpu.dma_semaphore, #tpu.memory_space<semaphore_mem>>)
      %add3A_1003 = arith.constant 1 : i32
      %add3A_1004 = arith.addi %add3A_940, %add3A_1003 : i32
      %mul3A_1005 = arith.constant 400 : i32
      %mul3A_1006 = arith.muli %add3A_1004, %mul3A_1005 : i32
      %add3A_1007 = arith.addi %mul3A_2, %mul3A_1006 : i32
      %dma_wait3A_1008 = arith.constant 0 : i32
      %dma_wait3A_1009 = arith.constant 0 : i32
      %dma_wait3A_1010 = arith.constant 0 : i32
      %dma_wait3A_1011 = tpu.memref_slice %arg6[%dma_wait3A_1008, %dma_wait3A_1010] : memref<4x400xi32, #tpu.memory_space<vmem>> -> memref<1x400xi32, #tpu.memory_space<vmem>>
      %dma_wait3A_1012 = tpu.memref_squeeze %dma_wait3A_1011 : memref<1x400xi32, #tpu.memory_space<vmem>> -> memref<400xi32, #tpu.memory_space<vmem>>
      %dma_wait3A_1013 = tpu.memref_slice %arg2[%add3A_1007] : memref<3276800xi32, #tpu.memory_space<hbm>> -> memref<400xi32, #tpu.memory_space<hbm>>
      %dma_wait3A_1014 = tpu.memref_slice %arg10[%dma_wait3A_1009] : memref<4x!tpu.dma_semaphore, #tpu.memory_space<semaphore_mem>> -> memref<1x!tpu.dma_semaphore, #tpu.memory_space<semaphore_mem>>
      %dma_wait3A_1015 = tpu.memref_squeeze %dma_wait3A_1014 : memref<1x!tpu.dma_semaphore, #tpu.memory_space<semaphore_mem>> -> memref<!tpu.dma_semaphore, #tpu.memory_space<semaphore_mem>>
      %dma_wait3A_1016 = arith.constant 0 : i32
      %dma_wait3A_1017 = tpu.memref_slice %arg6[%dma_wait3A_1008, %dma_wait3A_1016] : memref<4x400xi32, #tpu.memory_space<vmem>> -> memref<1x400xi32, #tpu.memory_space<vmem>>
      %dma_wait3A_1018 = tpu.memref_squeeze %dma_wait3A_1017 : memref<1x400xi32, #tpu.memory_space<vmem>> -> memref<400xi32, #tpu.memory_space<vmem>>
      %dma_wait3A_1019 = tpu.memref_slice %arg2[%add3A_1007] : memref<3276800xi32, #tpu.memory_space<hbm>> -> memref<400xi32, #tpu.memory_space<hbm>>
      tpu.wait_dma2 semaphore(%dma_wait3A_1015 : memref<!tpu.dma_semaphore, #tpu.memory_space<semaphore_mem>>) src(%dma_wait3A_1019 : memref<400xi32, #tpu.memory_space<hbm>>) dst(%dma_wait3A_1018 : memref<400xi32, #tpu.memory_space<vmem>>)
      %dma_wait3A_1020 = arith.constant 0 : i32
      %dma_wait3A_1021 = arith.constant 0 : i32
      %dma_wait3A_1022 = arith.constant 0 : i32
      %dma_wait3A_1023 = arith.constant 0 : i32
      %dma_wait3A_1024 = arith.constant 0 : i32
      %dma_wait3A_1025 = tpu.memref_slice %arg8[%dma_wait3A_1020, %dma_wait3A_1023, %dma_wait3A_1024] : memref<4x400x64xf32, #tpu.memory_space<vmem>> -> memref<1x400x64xf32, #tpu.memory_space<vmem>>
      %dma_wait3A_1026 = tpu.memref_squeeze %dma_wait3A_1025 : memref<1x400x64xf32, #tpu.memory_space<vmem>> -> memref<400x64xf32, #tpu.memory_space<vmem>>
      %dma_wait3A_1027 = arith.constant 0 : i32
      %dma_wait3A_1028 = tpu.memref_slice %arg7[%dma_wait3A_1021, %dma_wait3A_1027] : memref<4x400xi32, #tpu.memory_space<vmem>> -> memref<1x400xi32, #tpu.memory_space<vmem>>
      %dma_wait3A_1029 = tpu.memref_squeeze %dma_wait3A_1028 : memref<1x400xi32, #tpu.memory_space<vmem>> -> memref<400xi32, #tpu.memory_space<vmem>>
      %dma_wait3A_1030 = arith.constant 0 : i32
      %dma_wait3A_1031 = arith.constant 0 : i32
      %dma_wait3A_1032 = tpu.memref_slice %arg5[%dma_wait3A_1030, %dma_wait3A_1031] : memref<6553600x64xf32, #tpu.memory_space<hbm>> -> memref<6553600x64xf32, #tpu.memory_space<hbm>>
      %dma_wait3A_1033 = tpu.memref_slice %arg12[%dma_wait3A_1022] : memref<4x!tpu.dma_semaphore, #tpu.memory_space<semaphore_mem>> -> memref<1x!tpu.dma_semaphore, #tpu.memory_space<semaphore_mem>>
      %dma_wait3A_1034 = tpu.memref_squeeze %dma_wait3A_1033 : memref<1x!tpu.dma_semaphore, #tpu.memory_space<semaphore_mem>> -> memref<!tpu.dma_semaphore, #tpu.memory_space<semaphore_mem>>
      tpu.wait_indirect_dma semaphore(%dma_wait3A_1034 : memref<!tpu.dma_semaphore, #tpu.memory_space<semaphore_mem>>) src(%dma_wait3A_1026 : memref<400x64xf32, #tpu.memory_space<vmem>>) dst(%dma_wait3A_1032 : memref<6553600x64xf32, #tpu.memory_space<hbm>>)
      %add3A_1035 = arith.constant 1 : i32
      %add3A_1036 = arith.addi %add3A_940, %add3A_1035 : i32
      %mul3A_1037 = arith.constant 400 : i32
      %mul3A_1038 = arith.muli %add3A_1036, %mul3A_1037 : i32
      %add3A_1039 = arith.addi %mul3A_2, %mul3A_1038 : i32
      %dma_start3A_1040 = arith.constant 0 : i32
      %dma_start3A_1041 = arith.constant 0 : i32
      %dma_start3A_1042 = arith.constant 0 : i32
      %dma_start3A_1043 = tpu.memref_slice %arg7[%dma_start3A_1040, %dma_start3A_1042] : memref<4x400xi32, #tpu.memory_space<vmem>> -> memref<1x400xi32, #tpu.memory_space<vmem>>
      %dma_start3A_1044 = tpu.memref_squeeze %dma_start3A_1043 : memref<1x400xi32, #tpu.memory_space<vmem>> -> memref<400xi32, #tpu.memory_space<vmem>>
      %dma_start3A_1045 = tpu.memref_slice %arg3[%add3A_1039] : memref<3276800xi32, #tpu.memory_space<hbm>> -> memref<400xi32, #tpu.memory_space<hbm>>
      %dma_start3A_1046 = tpu.memref_slice %arg11[%dma_start3A_1041] : memref<4x!tpu.dma_semaphore, #tpu.memory_space<semaphore_mem>> -> memref<1x!tpu.dma_semaphore, #tpu.memory_space<semaphore_mem>>
      %dma_start3A_1047 = tpu.memref_squeeze %dma_start3A_1046 : memref<1x!tpu.dma_semaphore, #tpu.memory_space<semaphore_mem>> -> memref<!tpu.dma_semaphore, #tpu.memory_space<semaphore_mem>>
      %dma_start3A_1048 = arith.constant 0 : i32
      %dma_start3A_1049 = tpu.memref_slice %arg7[%dma_start3A_1040, %dma_start3A_1048] : memref<4x400xi32, #tpu.memory_space<vmem>> -> memref<1x400xi32, #tpu.memory_space<vmem>>
      %dma_start3A_1050 = tpu.memref_squeeze %dma_start3A_1049 : memref<1x400xi32, #tpu.memory_space<vmem>> -> memref<400xi32, #tpu.memory_space<vmem>>
      %dma_start3A_1051 = tpu.memref_slice %arg3[%add3A_1039] : memref<3276800xi32, #tpu.memory_space<hbm>> -> memref<400xi32, #tpu.memory_space<hbm>>
      tpu.enqueue_dma source(%dma_start3A_1051 : memref<400xi32, #tpu.memory_space<hbm>>) target(%dma_start3A_1050 : memref<400xi32, #tpu.memory_space<vmem>>) target_semaphore(%dma_start3A_1047 : memref<!tpu.dma_semaphore, #tpu.memory_space<semaphore_mem>>)
      %dma_start3A_1052 = arith.constant 0 : i32
      %dma_start3A_1053 = arith.constant 0 : i32
      %dma_start3A_1054 = arith.constant 0 : i32
      %dma_start3A_1055 = arith.constant 0 : i32
      %dma_start3A_1056 = arith.constant 0 : i32
      %dma_start3A_1057 = tpu.memref_slice %arg8[%dma_start3A_1053, %dma_start3A_1055, %dma_start3A_1056] : memref<4x400x64xf32, #tpu.memory_space<vmem>> -> memref<1x400x64xf32, #tpu.memory_space<vmem>>
      %dma_start3A_1058 = tpu.memref_squeeze %dma_start3A_1057 : memref<1x400x64xf32, #tpu.memory_space<vmem>> -> memref<400x64xf32, #tpu.memory_space<vmem>>
      %dma_start3A_1059 = arith.constant 0 : i32
      %dma_start3A_1060 = tpu.memref_slice %arg6[%dma_start3A_1052, %dma_start3A_1059] : memref<4x400xi32, #tpu.memory_space<vmem>> -> memref<1x400xi32, #tpu.memory_space<vmem>>
      %dma_start3A_1061 = tpu.memref_squeeze %dma_start3A_1060 : memref<1x400xi32, #tpu.memory_space<vmem>> -> memref<400xi32, #tpu.memory_space<vmem>>
      %dma_start3A_1062 = arith.constant 0 : i32
      %dma_start3A_1063 = arith.constant 0 : i32
      %dma_start3A_1064 = tpu.memref_slice %arg4[%dma_start3A_1062, %dma_start3A_1063] : memref<1000000x64xf32, #tpu.memory_space<hbm>> -> memref<1000000x64xf32, #tpu.memory_space<hbm>>
      %dma_start3A_1065 = tpu.memref_slice %arg9[%dma_start3A_1054] : memref<4x!tpu.dma_semaphore, #tpu.memory_space<semaphore_mem>> -> memref<1x!tpu.dma_semaphore, #tpu.memory_space<semaphore_mem>>
      %dma_start3A_1066 = tpu.memref_squeeze %dma_start3A_1065 : memref<1x!tpu.dma_semaphore, #tpu.memory_space<semaphore_mem>> -> memref<!tpu.dma_semaphore, #tpu.memory_space<semaphore_mem>>
      tpu.enqueue_indirect_dma source(%dma_start3A_1064 : memref<1000000x64xf32, #tpu.memory_space<hbm>>) target(%dma_start3A_1058 : memref<400x64xf32, #tpu.memory_space<vmem>>) offsets(%dma_start3A_1061 : memref<400xi32, #tpu.memory_space<vmem>>) semaphore(%dma_start3A_1066 : memref<!tpu.dma_semaphore, #tpu.memory_space<semaphore_mem>>)
      %add3A_1067 = arith.constant 1 : i32
      %add3A_1068 = arith.addi %add3A_938, %add3A_1067 : i32
      %dma_wait3A_1069 = arith.constant 0 : i32
      %dma_wait3A_1070 = arith.constant 0 : i32
      %dma_wait3A_1071 = arith.constant 0 : i32
      %dma_wait3A_1072 = arith.constant 0 : i32
      %dma_wait3A_1073 = arith.constant 0 : i32
      %dma_wait3A_1074 = tpu.memref_slice %arg8[%dma_wait3A_1070, %dma_wait3A_1072, %dma_wait3A_1073] : memref<4x400x64xf32, #tpu.memory_space<vmem>> -> memref<1x400x64xf32, #tpu.memory_space<vmem>>
      %dma_wait3A_1075 = tpu.memref_squeeze %dma_wait3A_1074 : memref<1x400x64xf32, #tpu.memory_space<vmem>> -> memref<400x64xf32, #tpu.memory_space<vmem>>
      %dma_wait3A_1076 = arith.constant 0 : i32
      %dma_wait3A_1077 = tpu.memref_slice %arg6[%dma_wait3A_1069, %dma_wait3A_1076] : memref<4x400xi32, #tpu.memory_space<vmem>> -> memref<1x400xi32, #tpu.memory_space<vmem>>
      %dma_wait3A_1078 = tpu.memref_squeeze %dma_wait3A_1077 : memref<1x400xi32, #tpu.memory_space<vmem>> -> memref<400xi32, #tpu.memory_space<vmem>>
      %dma_wait3A_1079 = arith.constant 0 : i32
      %dma_wait3A_1080 = arith.constant 0 : i32
      %dma_wait3A_1081 = tpu.memref_slice %arg4[%dma_wait3A_1079, %dma_wait3A_1080] : memref<1000000x64xf32, #tpu.memory_space<hbm>> -> memref<1000000x64xf32, #tpu.memory_space<hbm>>
      %dma_wait3A_1082 = tpu.memref_slice %arg9[%dma_wait3A_1071] : memref<4x!tpu.dma_semaphore, #tpu.memory_space<semaphore_mem>> -> memref<1x!tpu.dma_semaphore, #tpu.memory_space<semaphore_mem>>
      %dma_wait3A_1083 = tpu.memref_squeeze %dma_wait3A_1082 : memref<1x!tpu.dma_semaphore, #tpu.memory_space<semaphore_mem>> -> memref<!tpu.dma_semaphore, #tpu.memory_space<semaphore_mem>>
      tpu.wait_indirect_dma semaphore(%dma_wait3A_1083 : memref<!tpu.dma_semaphore, #tpu.memory_space<semaphore_mem>>) src(%dma_wait3A_1081 : memref<1000000x64xf32, #tpu.memory_space<hbm>>) dst(%dma_wait3A_1075 : memref<400x64xf32, #tpu.memory_space<vmem>>)
      %mul3A_1084 = arith.constant 400 : i32
      %mul3A_1085 = arith.muli %add3A_1068, %mul3A_1084 : i32
      %add3A_1086 = arith.addi %mul3A_2, %mul3A_1085 : i32
      %dma_wait3A_1087 = arith.constant 0 : i32
      %dma_wait3A_1088 = arith.constant 0 : i32
      %dma_wait3A_1089 = arith.constant 0 : i32
      %dma_wait3A_1090 = tpu.memref_slice %arg7[%dma_wait3A_1087, %dma_wait3A_1089] : memref<4x400xi32, #tpu.memory_space<vmem>> -> memref<1x400xi32, #tpu.memory_space<vmem>>
      %dma_wait3A_1091 = tpu.memref_squeeze %dma_wait3A_1090 : memref<1x400xi32, #tpu.memory_space<vmem>> -> memref<400xi32, #tpu.memory_space<vmem>>
      %dma_wait3A_1092 = tpu.memref_slice %arg3[%add3A_1086] : memref<3276800xi32, #tpu.memory_space<hbm>> -> memref<400xi32, #tpu.memory_space<hbm>>
      %dma_wait3A_1093 = tpu.memref_slice %arg11[%dma_wait3A_1088] : memref<4x!tpu.dma_semaphore, #tpu.memory_space<semaphore_mem>> -> memref<1x!tpu.dma_semaphore, #tpu.memory_space<semaphore_mem>>
      %dma_wait3A_1094 = tpu.memref_squeeze %dma_wait3A_1093 : memref<1x!tpu.dma_semaphore, #tpu.memory_space<semaphore_mem>> -> memref<!tpu.dma_semaphore, #tpu.memory_space<semaphore_mem>>
      %dma_wait3A_1095 = arith.constant 0 : i32
      %dma_wait3A_1096 = tpu.memref_slice %arg7[%dma_wait3A_1087, %dma_wait3A_1095] : memref<4x400xi32, #tpu.memory_space<vmem>> -> memref<1x400xi32, #tpu.memory_space<vmem>>
      %dma_wait3A_1097 = tpu.memref_squeeze %dma_wait3A_1096 : memref<1x400xi32, #tpu.memory_space<vmem>> -> memref<400xi32, #tpu.memory_space<vmem>>
      %dma_wait3A_1098 = tpu.memref_slice %arg3[%add3A_1086] : memref<3276800xi32, #tpu.memory_space<hbm>> -> memref<400xi32, #tpu.memory_space<hbm>>
      tpu.wait_dma2 semaphore(%dma_wait3A_1094 : memref<!tpu.dma_semaphore, #tpu.memory_space<semaphore_mem>>) src(%dma_wait3A_1098 : memref<400xi32, #tpu.memory_space<hbm>>) dst(%dma_wait3A_1097 : memref<400xi32, #tpu.memory_space<vmem>>)
      %dma_start3A_1099 = arith.constant 0 : i32
      %dma_start3A_1100 = arith.constant 0 : i32
      %dma_start3A_1101 = arith.constant 0 : i32
      %dma_start3A_1102 = arith.constant 0 : i32
      %dma_start3A_1103 = arith.constant 0 : i32
      %dma_start3A_1104 = tpu.memref_slice %arg8[%dma_start3A_1099, %dma_start3A_1102, %dma_start3A_1103] : memref<4x400x64xf32, #tpu.memory_space<vmem>> -> memref<1x400x64xf32, #tpu.memory_space<vmem>>
      %dma_start3A_1105 = tpu.memref_squeeze %dma_start3A_1104 : memref<1x400x64xf32, #tpu.memory_space<vmem>> -> memref<400x64xf32, #tpu.memory_space<vmem>>
      %dma_start3A_1106 = arith.constant 0 : i32
      %dma_start3A_1107 = tpu.memref_slice %arg7[%dma_start3A_1100, %dma_start3A_1106] : memref<4x400xi32, #tpu.memory_space<vmem>> -> memref<1x400xi32, #tpu.memory_space<vmem>>
      %dma_start3A_1108 = tpu.memref_squeeze %dma_start3A_1107 : memref<1x400xi32, #tpu.memory_space<vmem>> -> memref<400xi32, #tpu.memory_space<vmem>>
      %dma_start3A_1109 = arith.constant 0 : i32
      %dma_start3A_1110 = arith.constant 0 : i32
      %dma_start3A_1111 = tpu.memref_slice %arg5[%dma_start3A_1109, %dma_start3A_1110] : memref<6553600x64xf32, #tpu.memory_space<hbm>> -> memref<6553600x64xf32, #tpu.memory_space<hbm>>
      %dma_start3A_1112 = tpu.memref_slice %arg12[%dma_start3A_1101] : memref<4x!tpu.dma_semaphore, #tpu.memory_space<semaphore_mem>> -> memref<1x!tpu.dma_semaphore, #tpu.memory_space<semaphore_mem>>
      %dma_start3A_1113 = tpu.memref_squeeze %dma_start3A_1112 : memref<1x!tpu.dma_semaphore, #tpu.memory_space<semaphore_mem>> -> memref<!tpu.dma_semaphore, #tpu.memory_space<semaphore_mem>>
      tpu.enqueue_indirect_dma source(%dma_start3A_1105 : memref<400x64xf32, #tpu.memory_space<vmem>>) target(%dma_start3A_1111 : memref<6553600x64xf32, #tpu.memory_space<hbm>>) offsets(%dma_start3A_1108 : memref<400xi32, #tpu.memory_space<vmem>>) semaphore(%dma_start3A_1113 : memref<!tpu.dma_semaphore, #tpu.memory_space<semaphore_mem>>)
      %add3A_1114 = arith.constant 2 : i32
      %add3A_1115 = arith.addi %add3A_1068, %add3A_1114 : i32
      %mul3A_1116 = arith.constant 400 : i32
      %mul3A_1117 = arith.muli %add3A_1115, %mul3A_1116 : i32
      %add3A_1118 = arith.addi %mul3A_2, %mul3A_1117 : i32
      %dma_start3A_1119 = arith.constant 2 : i32
      %dma_start3A_1120 = arith.constant 2 : i32
      %dma_start3A_1121 = arith.constant 0 : i32
      %dma_start3A_1122 = tpu.memref_slice %arg6[%dma_start3A_1119, %dma_start3A_1121] : memref<4x400xi32, #tpu.memory_space<vmem>> -> memref<1x400xi32, #tpu.memory_space<vmem>>
      %dma_start3A_1123 = tpu.memref_squeeze %dma_start3A_1122 : memref<1x400xi32, #tpu.memory_space<vmem>> -> memref<400xi32, #tpu.memory_space<vmem>>
      %dma_start3A_1124 = tpu.memref_slice %arg2[%add3A_1118] : memref<3276800xi32, #tpu.memory_space<hbm>> -> memref<400xi32, #tpu.memory_space<hbm>>
      %dma_start3A_1125 = tpu.memref_slice %arg10[%dma_start3A_1120] : memref<4x!tpu.dma_semaphore, #tpu.memory_space<semaphore_mem>> -> memref<1x!tpu.dma_semaphore, #tpu.memory_space<semaphore_mem>>
      %dma_start3A_1126 = tpu.memref_squeeze %dma_start3A_1125 : memref<1x!tpu.dma_semaphore, #tpu.memory_space<semaphore_mem>> -> memref<!tpu.dma_semaphore, #tpu.memory_space<semaphore_mem>>
      %dma_start3A_1127 = arith.constant 0 : i32
      %dma_start3A_1128 = tpu.memref_slice %arg6[%dma_start3A_1119, %dma_start3A_1127] : memref<4x400xi32, #tpu.memory_space<vmem>> -> memref<1x400xi32, #tpu.memory_space<vmem>>
      %dma_start3A_1129 = tpu.memref_squeeze %dma_start3A_1128 : memref<1x400xi32, #tpu.memory_space<vmem>> -> memref<400xi32, #tpu.memory_space<vmem>>
      %dma_start3A_1130 = tpu.memref_slice %arg2[%add3A_1118] : memref<3276800xi32, #tpu.memory_space<hbm>> -> memref<400xi32, #tpu.memory_space<hbm>>
      tpu.enqueue_dma source(%dma_start3A_1130 : memref<400xi32, #tpu.memory_space<hbm>>) target(%dma_start3A_1129 : memref<400xi32, #tpu.memory_space<vmem>>) target_semaphore(%dma_start3A_1126 : memref<!tpu.dma_semaphore, #tpu.memory_space<semaphore_mem>>)
      %add3A_1131 = arith.constant 1 : i32
      %add3A_1132 = arith.addi %add3A_1068, %add3A_1131 : i32
      %mul3A_1133 = arith.constant 400 : i32
      %mul3A_1134 = arith.muli %add3A_1132, %mul3A_1133 : i32
      %add3A_1135 = arith.addi %mul3A_2, %mul3A_1134 : i32
      %dma_wait3A_1136 = arith.constant 1 : i32
      %dma_wait3A_1137 = arith.constant 1 : i32
      %dma_wait3A_1138 = arith.constant 0 : i32
      %dma_wait3A_1139 = tpu.memref_slice %arg6[%dma_wait3A_1136, %dma_wait3A_1138] : memref<4x400xi32, #tpu.memory_space<vmem>> -> memref<1x400xi32, #tpu.memory_space<vmem>>
      %dma_wait3A_1140 = tpu.memref_squeeze %dma_wait3A_1139 : memref<1x400xi32, #tpu.memory_space<vmem>> -> memref<400xi32, #tpu.memory_space<vmem>>
      %dma_wait3A_1141 = tpu.memref_slice %arg2[%add3A_1135] : memref<3276800xi32, #tpu.memory_space<hbm>> -> memref<400xi32, #tpu.memory_space<hbm>>
      %dma_wait3A_1142 = tpu.memref_slice %arg10[%dma_wait3A_1137] : memref<4x!tpu.dma_semaphore, #tpu.memory_space<semaphore_mem>> -> memref<1x!tpu.dma_semaphore, #tpu.memory_space<semaphore_mem>>
      %dma_wait3A_1143 = tpu.memref_squeeze %dma_wait3A_1142 : memref<1x!tpu.dma_semaphore, #tpu.memory_space<semaphore_mem>> -> memref<!tpu.dma_semaphore, #tpu.memory_space<semaphore_mem>>
      %dma_wait3A_1144 = arith.constant 0 : i32
      %dma_wait3A_1145 = tpu.memref_slice %arg6[%dma_wait3A_1136, %dma_wait3A_1144] : memref<4x400xi32, #tpu.memory_space<vmem>> -> memref<1x400xi32, #tpu.memory_space<vmem>>
      %dma_wait3A_1146 = tpu.memref_squeeze %dma_wait3A_1145 : memref<1x400xi32, #tpu.memory_space<vmem>> -> memref<400xi32, #tpu.memory_space<vmem>>
      %dma_wait3A_1147 = tpu.memref_slice %arg2[%add3A_1135] : memref<3276800xi32, #tpu.memory_space<hbm>> -> memref<400xi32, #tpu.memory_space<hbm>>
      tpu.wait_dma2 semaphore(%dma_wait3A_1143 : memref<!tpu.dma_semaphore, #tpu.memory_space<semaphore_mem>>) src(%dma_wait3A_1147 : memref<400xi32, #tpu.memory_space<hbm>>) dst(%dma_wait3A_1146 : memref<400xi32, #tpu.memory_space<vmem>>)
      %dma_wait3A_1148 = arith.constant 1 : i32
      %dma_wait3A_1149 = arith.constant 1 : i32
      %dma_wait3A_1150 = arith.constant 1 : i32
      %dma_wait3A_1151 = arith.constant 0 : i32
      %dma_wait3A_1152 = arith.constant 0 : i32
      %dma_wait3A_1153 = tpu.memref_slice %arg8[%dma_wait3A_1148, %dma_wait3A_1151, %dma_wait3A_1152] : memref<4x400x64xf32, #tpu.memory_space<vmem>> -> memref<1x400x64xf32, #tpu.memory_space<vmem>>
      %dma_wait3A_1154 = tpu.memref_squeeze %dma_wait3A_1153 : memref<1x400x64xf32, #tpu.memory_space<vmem>> -> memref<400x64xf32, #tpu.memory_space<vmem>>
      %dma_wait3A_1155 = arith.constant 0 : i32
      %dma_wait3A_1156 = tpu.memref_slice %arg7[%dma_wait3A_1149, %dma_wait3A_1155] : memref<4x400xi32, #tpu.memory_space<vmem>> -> memref<1x400xi32, #tpu.memory_space<vmem>>
      %dma_wait3A_1157 = tpu.memref_squeeze %dma_wait3A_1156 : memref<1x400xi32, #tpu.memory_space<vmem>> -> memref<400xi32, #tpu.memory_space<vmem>>
      %dma_wait3A_1158 = arith.constant 0 : i32
      %dma_wait3A_1159 = arith.constant 0 : i32
      %dma_wait3A_1160 = tpu.memref_slice %arg5[%dma_wait3A_1158, %dma_wait3A_1159] : memref<6553600x64xf32, #tpu.memory_space<hbm>> -> memref<6553600x64xf32, #tpu.memory_space<hbm>>
      %dma_wait3A_1161 = tpu.memref_slice %arg12[%dma_wait3A_1150] : memref<4x!tpu.dma_semaphore, #tpu.memory_space<semaphore_mem>> -> memref<1x!tpu.dma_semaphore, #tpu.memory_space<semaphore_mem>>
      %dma_wait3A_1162 = tpu.memref_squeeze %dma_wait3A_1161 : memref<1x!tpu.dma_semaphore, #tpu.memory_space<semaphore_mem>> -> memref<!tpu.dma_semaphore, #tpu.memory_space<semaphore_mem>>
      tpu.wait_indirect_dma semaphore(%dma_wait3A_1162 : memref<!tpu.dma_semaphore, #tpu.memory_space<semaphore_mem>>) src(%dma_wait3A_1154 : memref<400x64xf32, #tpu.memory_space<vmem>>) dst(%dma_wait3A_1160 : memref<6553600x64xf32, #tpu.memory_space<hbm>>)
      %add3A_1163 = arith.constant 1 : i32
      %add3A_1164 = arith.addi %add3A_1068, %add3A_1163 : i32
      %mul3A_1165 = arith.constant 400 : i32
      %mul3A_1166 = arith.muli %add3A_1164, %mul3A_1165 : i32
      %add3A_1167 = arith.addi %mul3A_2, %mul3A_1166 : i32
      %dma_start3A_1168 = arith.constant 1 : i32
      %dma_start3A_1169 = arith.constant 1 : i32
      %dma_start3A_1170 = arith.constant 0 : i32
      %dma_start3A_1171 = tpu.memref_slice %arg7[%dma_start3A_1168, %dma_start3A_1170] : memref<4x400xi32, #tpu.memory_space<vmem>> -> memref<1x400xi32, #tpu.memory_space<vmem>>
      %dma_start3A_1172 = tpu.memref_squeeze %dma_start3A_1171 : memref<1x400xi32, #tpu.memory_space<vmem>> -> memref<400xi32, #tpu.memory_space<vmem>>
      %dma_start3A_1173 = tpu.memref_slice %arg3[%add3A_1167] : memref<3276800xi32, #tpu.memory_space<hbm>> -> memref<400xi32, #tpu.memory_space<hbm>>
      %dma_start3A_1174 = tpu.memref_slice %arg11[%dma_start3A_1169] : memref<4x!tpu.dma_semaphore, #tpu.memory_space<semaphore_mem>> -> memref<1x!tpu.dma_semaphore, #tpu.memory_space<semaphore_mem>>
      %dma_start3A_1175 = tpu.memref_squeeze %dma_start3A_1174 : memref<1x!tpu.dma_semaphore, #tpu.memory_space<semaphore_mem>> -> memref<!tpu.dma_semaphore, #tpu.memory_space<semaphore_mem>>
      %dma_start3A_1176 = arith.constant 0 : i32
      %dma_start3A_1177 = tpu.memref_slice %arg7[%dma_start3A_1168, %dma_start3A_1176] : memref<4x400xi32, #tpu.memory_space<vmem>> -> memref<1x400xi32, #tpu.memory_space<vmem>>
      %dma_start3A_1178 = tpu.memref_squeeze %dma_start3A_1177 : memref<1x400xi32, #tpu.memory_space<vmem>> -> memref<400xi32, #tpu.memory_space<vmem>>
      %dma_start3A_1179 = tpu.memref_slice %arg3[%add3A_1167] : memref<3276800xi32, #tpu.memory_space<hbm>> -> memref<400xi32, #tpu.memory_space<hbm>>
      tpu.enqueue_dma source(%dma_start3A_1179 : memref<400xi32, #tpu.memory_space<hbm>>) target(%dma_start3A_1178 : memref<400xi32, #tpu.memory_space<vmem>>) target_semaphore(%dma_start3A_1175 : memref<!tpu.dma_semaphore, #tpu.memory_space<semaphore_mem>>)
      %dma_start3A_1180 = arith.constant 1 : i32
      %dma_start3A_1181 = arith.constant 1 : i32
      %dma_start3A_1182 = arith.constant 1 : i32
      %dma_start3A_1183 = arith.constant 0 : i32
      %dma_start3A_1184 = arith.constant 0 : i32
      %dma_start3A_1185 = tpu.memref_slice %arg8[%dma_start3A_1181, %dma_start3A_1183, %dma_start3A_1184] : memref<4x400x64xf32, #tpu.memory_space<vmem>> -> memref<1x400x64xf32, #tpu.memory_space<vmem>>
      %dma_start3A_1186 = tpu.memref_squeeze %dma_start3A_1185 : memref<1x400x64xf32, #tpu.memory_space<vmem>> -> memref<400x64xf32, #tpu.memory_space<vmem>>
      %dma_start3A_1187 = arith.constant 0 : i32
      %dma_start3A_1188 = tpu.memref_slice %arg6[%dma_start3A_1180, %dma_start3A_1187] : memref<4x400xi32, #tpu.memory_space<vmem>> -> memref<1x400xi32, #tpu.memory_space<vmem>>
      %dma_start3A_1189 = tpu.memref_squeeze %dma_start3A_1188 : memref<1x400xi32, #tpu.memory_space<vmem>> -> memref<400xi32, #tpu.memory_space<vmem>>
      %dma_start3A_1190 = arith.constant 0 : i32
      %dma_start3A_1191 = arith.constant 0 : i32
      %dma_start3A_1192 = tpu.memref_slice %arg4[%dma_start3A_1190, %dma_start3A_1191] : memref<1000000x64xf32, #tpu.memory_space<hbm>> -> memref<1000000x64xf32, #tpu.memory_space<hbm>>
      %dma_start3A_1193 = tpu.memref_slice %arg9[%dma_start3A_1182] : memref<4x!tpu.dma_semaphore, #tpu.memory_space<semaphore_mem>> -> memref<1x!tpu.dma_semaphore, #tpu.memory_space<semaphore_mem>>
      %dma_start3A_1194 = tpu.memref_squeeze %dma_start3A_1193 : memref<1x!tpu.dma_semaphore, #tpu.memory_space<semaphore_mem>> -> memref<!tpu.dma_semaphore, #tpu.memory_space<semaphore_mem>>
      tpu.enqueue_indirect_dma source(%dma_start3A_1192 : memref<1000000x64xf32, #tpu.memory_space<hbm>>) target(%dma_start3A_1186 : memref<400x64xf32, #tpu.memory_space<vmem>>) offsets(%dma_start3A_1189 : memref<400xi32, #tpu.memory_space<vmem>>) semaphore(%dma_start3A_1194 : memref<!tpu.dma_semaphore, #tpu.memory_space<semaphore_mem>>)
      %add3A_1195 = arith.constant 2 : i32
      %add3A_1196 = arith.addi %add3A_938, %add3A_1195 : i32
      %dma_wait3A_1197 = arith.constant 1 : i32
      %dma_wait3A_1198 = arith.constant 1 : i32
      %dma_wait3A_1199 = arith.constant 1 : i32
      %dma_wait3A_1200 = arith.constant 0 : i32
      %dma_wait3A_1201 = arith.constant 0 : i32
      %dma_wait3A_1202 = tpu.memref_slice %arg8[%dma_wait3A_1198, %dma_wait3A_1200, %dma_wait3A_1201] : memref<4x400x64xf32, #tpu.memory_space<vmem>> -> memref<1x400x64xf32, #tpu.memory_space<vmem>>
      %dma_wait3A_1203 = tpu.memref_squeeze %dma_wait3A_1202 : memref<1x400x64xf32, #tpu.memory_space<vmem>> -> memref<400x64xf32, #tpu.memory_space<vmem>>
      %dma_wait3A_1204 = arith.constant 0 : i32
      %dma_wait3A_1205 = tpu.memref_slice %arg6[%dma_wait3A_1197, %dma_wait3A_1204] : memref<4x400xi32, #tpu.memory_space<vmem>> -> memref<1x400xi32, #tpu.memory_space<vmem>>
      %dma_wait3A_1206 = tpu.memref_squeeze %dma_wait3A_1205 : memref<1x400xi32, #tpu.memory_space<vmem>> -> memref<400xi32, #tpu.memory_space<vmem>>
      %dma_wait3A_1207 = arith.constant 0 : i32
      %dma_wait3A_1208 = arith.constant 0 : i32
      %dma_wait3A_1209 = tpu.memref_slice %arg4[%dma_wait3A_1207, %dma_wait3A_1208] : memref<1000000x64xf32, #tpu.memory_space<hbm>> -> memref<1000000x64xf32, #tpu.memory_space<hbm>>
      %dma_wait3A_1210 = tpu.memref_slice %arg9[%dma_wait3A_1199] : memref<4x!tpu.dma_semaphore, #tpu.memory_space<semaphore_mem>> -> memref<1x!tpu.dma_semaphore, #tpu.memory_space<semaphore_mem>>
      %dma_wait3A_1211 = tpu.memref_squeeze %dma_wait3A_1210 : memref<1x!tpu.dma_semaphore, #tpu.memory_space<semaphore_mem>> -> memref<!tpu.dma_semaphore, #tpu.memory_space<semaphore_mem>>
      tpu.wait_indirect_dma semaphore(%dma_wait3A_1211 : memref<!tpu.dma_semaphore, #tpu.memory_space<semaphore_mem>>) src(%dma_wait3A_1209 : memref<1000000x64xf32, #tpu.memory_space<hbm>>) dst(%dma_wait3A_1203 : memref<400x64xf32, #tpu.memory_space<vmem>>)
      %mul3A_1212 = arith.constant 400 : i32
      %mul3A_1213 = arith.muli %add3A_1196, %mul3A_1212 : i32
      %add3A_1214 = arith.addi %mul3A_2, %mul3A_1213 : i32
      %dma_wait3A_1215 = arith.constant 1 : i32
      %dma_wait3A_1216 = arith.constant 1 : i32
      %dma_wait3A_1217 = arith.constant 0 : i32
      %dma_wait3A_1218 = tpu.memref_slice %arg7[%dma_wait3A_1215, %dma_wait3A_1217] : memref<4x400xi32, #tpu.memory_space<vmem>> -> memref<1x400xi32, #tpu.memory_space<vmem>>
      %dma_wait3A_1219 = tpu.memref_squeeze %dma_wait3A_1218 : memref<1x400xi32, #tpu.memory_space<vmem>> -> memref<400xi32, #tpu.memory_space<vmem>>
      %dma_wait3A_1220 = tpu.memref_slice %arg3[%add3A_1214] : memref<3276800xi32, #tpu.memory_space<hbm>> -> memref<400xi32, #tpu.memory_space<hbm>>
      %dma_wait3A_1221 = tpu.memref_slice %arg11[%dma_wait3A_1216] : memref<4x!tpu.dma_semaphore, #tpu.memory_space<semaphore_mem>> -> memref<1x!tpu.dma_semaphore, #tpu.memory_space<semaphore_mem>>
      %dma_wait3A_1222 = tpu.memref_squeeze %dma_wait3A_1221 : memref<1x!tpu.dma_semaphore, #tpu.memory_space<semaphore_mem>> -> memref<!tpu.dma_semaphore, #tpu.memory_space<semaphore_mem>>
      %dma_wait3A_1223 = arith.constant 0 : i32
      %dma_wait3A_1224 = tpu.memref_slice %arg7[%dma_wait3A_1215, %dma_wait3A_1223] : memref<4x400xi32, #tpu.memory_space<vmem>> -> memref<1x400xi32, #tpu.memory_space<vmem>>
      %dma_wait3A_1225 = tpu.memref_squeeze %dma_wait3A_1224 : memref<1x400xi32, #tpu.memory_space<vmem>> -> memref<400xi32, #tpu.memory_space<vmem>>
      %dma_wait3A_1226 = tpu.memref_slice %arg3[%add3A_1214] : memref<3276800xi32, #tpu.memory_space<hbm>> -> memref<400xi32, #tpu.memory_space<hbm>>
      tpu.wait_dma2 semaphore(%dma_wait3A_1222 : memref<!tpu.dma_semaphore, #tpu.memory_space<semaphore_mem>>) src(%dma_wait3A_1226 : memref<400xi32, #tpu.memory_space<hbm>>) dst(%dma_wait3A_1225 : memref<400xi32, #tpu.memory_space<vmem>>)
      %dma_start3A_1227 = arith.constant 1 : i32
      %dma_start3A_1228 = arith.constant 1 : i32
      %dma_start3A_1229 = arith.constant 1 : i32
      %dma_start3A_1230 = arith.constant 0 : i32
      %dma_start3A_1231 = arith.constant 0 : i32
      %dma_start3A_1232 = tpu.memref_slice %arg8[%dma_start3A_1227, %dma_start3A_1230, %dma_start3A_1231] : memref<4x400x64xf32, #tpu.memory_space<vmem>> -> memref<1x400x64xf32, #tpu.memory_space<vmem>>
      %dma_start3A_1233 = tpu.memref_squeeze %dma_start3A_1232 : memref<1x400x64xf32, #tpu.memory_space<vmem>> -> memref<400x64xf32, #tpu.memory_space<vmem>>
      %dma_start3A_1234 = arith.constant 0 : i32
      %dma_start3A_1235 = tpu.memref_slice %arg7[%dma_start3A_1228, %dma_start3A_1234] : memref<4x400xi32, #tpu.memory_space<vmem>> -> memref<1x400xi32, #tpu.memory_space<vmem>>
      %dma_start3A_1236 = tpu.memref_squeeze %dma_start3A_1235 : memref<1x400xi32, #tpu.memory_space<vmem>> -> memref<400xi32, #tpu.memory_space<vmem>>
      %dma_start3A_1237 = arith.constant 0 : i32
      %dma_start3A_1238 = arith.constant 0 : i32
      %dma_start3A_1239 = tpu.memref_slice %arg5[%dma_start3A_1237, %dma_start3A_1238] : memref<6553600x64xf32, #tpu.memory_space<hbm>> -> memref<6553600x64xf32, #tpu.memory_space<hbm>>
      %dma_start3A_1240 = tpu.memref_slice %arg12[%dma_start3A_1229] : memref<4x!tpu.dma_semaphore, #tpu.memory_space<semaphore_mem>> -> memref<1x!tpu.dma_semaphore, #tpu.memory_space<semaphore_mem>>
      %dma_start3A_1241 = tpu.memref_squeeze %dma_start3A_1240 : memref<1x!tpu.dma_semaphore, #tpu.memory_space<semaphore_mem>> -> memref<!tpu.dma_semaphore, #tpu.memory_space<semaphore_mem>>
      tpu.enqueue_indirect_dma source(%dma_start3A_1233 : memref<400x64xf32, #tpu.memory_space<vmem>>) target(%dma_start3A_1239 : memref<6553600x64xf32, #tpu.memory_space<hbm>>) offsets(%dma_start3A_1236 : memref<400xi32, #tpu.memory_space<vmem>>) semaphore(%dma_start3A_1241 : memref<!tpu.dma_semaphore, #tpu.memory_space<semaphore_mem>>)
      %add3A_1242 = arith.constant 2 : i32
      %add3A_1243 = arith.addi %add3A_1196, %add3A_1242 : i32
      %mul3A_1244 = arith.constant 400 : i32
      %mul3A_1245 = arith.muli %add3A_1243, %mul3A_1244 : i32
      %add3A_1246 = arith.addi %mul3A_2, %mul3A_1245 : i32
      %dma_start3A_1247 = arith.constant 3 : i32
      %dma_start3A_1248 = arith.constant 3 : i32
      %dma_start3A_1249 = arith.constant 0 : i32
      %dma_start3A_1250 = tpu.memref_slice %arg6[%dma_start3A_1247, %dma_start3A_1249] : memref<4x400xi32, #tpu.memory_space<vmem>> -> memref<1x400xi32, #tpu.memory_space<vmem>>
      %dma_start3A_1251 = tpu.memref_squeeze %dma_start3A_1250 : memref<1x400xi32, #tpu.memory_space<vmem>> -> memref<400xi32, #tpu.memory_space<vmem>>
      %dma_start3A_1252 = tpu.memref_slice %arg2[%add3A_1246] : memref<3276800xi32, #tpu.memory_space<hbm>> -> memref<400xi32, #tpu.memory_space<hbm>>
      %dma_start3A_1253 = tpu.memref_slice %arg10[%dma_start3A_1248] : memref<4x!tpu.dma_semaphore, #tpu.memory_space<semaphore_mem>> -> memref<1x!tpu.dma_semaphore, #tpu.memory_space<semaphore_mem>>
      %dma_start3A_1254 = tpu.memref_squeeze %dma_start3A_1253 : memref<1x!tpu.dma_semaphore, #tpu.memory_space<semaphore_mem>> -> memref<!tpu.dma_semaphore, #tpu.memory_space<semaphore_mem>>
      %dma_start3A_1255 = arith.constant 0 : i32
      %dma_start3A_1256 = tpu.memref_slice %arg6[%dma_start3A_1247, %dma_start3A_1255] : memref<4x400xi32, #tpu.memory_space<vmem>> -> memref<1x400xi32, #tpu.memory_space<vmem>>
      %dma_start3A_1257 = tpu.memref_squeeze %dma_start3A_1256 : memref<1x400xi32, #tpu.memory_space<vmem>> -> memref<400xi32, #tpu.memory_space<vmem>>
      %dma_start3A_1258 = tpu.memref_slice %arg2[%add3A_1246] : memref<3276800xi32, #tpu.memory_space<hbm>> -> memref<400xi32, #tpu.memory_space<hbm>>
      tpu.enqueue_dma source(%dma_start3A_1258 : memref<400xi32, #tpu.memory_space<hbm>>) target(%dma_start3A_1257 : memref<400xi32, #tpu.memory_space<vmem>>) target_semaphore(%dma_start3A_1254 : memref<!tpu.dma_semaphore, #tpu.memory_space<semaphore_mem>>)
      %add3A_1259 = arith.constant 1 : i32
      %add3A_1260 = arith.addi %add3A_1196, %add3A_1259 : i32
      %mul3A_1261 = arith.constant 400 : i32
      %mul3A_1262 = arith.muli %add3A_1260, %mul3A_1261 : i32
      %add3A_1263 = arith.addi %mul3A_2, %mul3A_1262 : i32
      %dma_wait3A_1264 = arith.constant 2 : i32
      %dma_wait3A_1265 = arith.constant 2 : i32
      %dma_wait3A_1266 = arith.constant 0 : i32
      %dma_wait3A_1267 = tpu.memref_slice %arg6[%dma_wait3A_1264, %dma_wait3A_1266] : memref<4x400xi32, #tpu.memory_space<vmem>> -> memref<1x400xi32, #tpu.memory_space<vmem>>
      %dma_wait3A_1268 = tpu.memref_squeeze %dma_wait3A_1267 : memref<1x400xi32, #tpu.memory_space<vmem>> -> memref<400xi32, #tpu.memory_space<vmem>>
      %dma_wait3A_1269 = tpu.memref_slice %arg2[%add3A_1263] : memref<3276800xi32, #tpu.memory_space<hbm>> -> memref<400xi32, #tpu.memory_space<hbm>>
      %dma_wait3A_1270 = tpu.memref_slice %arg10[%dma_wait3A_1265] : memref<4x!tpu.dma_semaphore, #tpu.memory_space<semaphore_mem>> -> memref<1x!tpu.dma_semaphore, #tpu.memory_space<semaphore_mem>>
      %dma_wait3A_1271 = tpu.memref_squeeze %dma_wait3A_1270 : memref<1x!tpu.dma_semaphore, #tpu.memory_space<semaphore_mem>> -> memref<!tpu.dma_semaphore, #tpu.memory_space<semaphore_mem>>
      %dma_wait3A_1272 = arith.constant 0 : i32
      %dma_wait3A_1273 = tpu.memref_slice %arg6[%dma_wait3A_1264, %dma_wait3A_1272] : memref<4x400xi32, #tpu.memory_space<vmem>> -> memref<1x400xi32, #tpu.memory_space<vmem>>
      %dma_wait3A_1274 = tpu.memref_squeeze %dma_wait3A_1273 : memref<1x400xi32, #tpu.memory_space<vmem>> -> memref<400xi32, #tpu.memory_space<vmem>>
      %dma_wait3A_1275 = tpu.memref_slice %arg2[%add3A_1263] : memref<3276800xi32, #tpu.memory_space<hbm>> -> memref<400xi32, #tpu.memory_space<hbm>>
      tpu.wait_dma2 semaphore(%dma_wait3A_1271 : memref<!tpu.dma_semaphore, #tpu.memory_space<semaphore_mem>>) src(%dma_wait3A_1275 : memref<400xi32, #tpu.memory_space<hbm>>) dst(%dma_wait3A_1274 : memref<400xi32, #tpu.memory_space<vmem>>)
      %dma_wait3A_1276 = arith.constant 2 : i32
      %dma_wait3A_1277 = arith.constant 2 : i32
      %dma_wait3A_1278 = arith.constant 2 : i32
      %dma_wait3A_1279 = arith.constant 0 : i32
      %dma_wait3A_1280 = arith.constant 0 : i32
      %dma_wait3A_1281 = tpu.memref_slice %arg8[%dma_wait3A_1276, %dma_wait3A_1279, %dma_wait3A_1280] : memref<4x400x64xf32, #tpu.memory_space<vmem>> -> memref<1x400x64xf32, #tpu.memory_space<vmem>>
      %dma_wait3A_1282 = tpu.memref_squeeze %dma_wait3A_1281 : memref<1x400x64xf32, #tpu.memory_space<vmem>> -> memref<400x64xf32, #tpu.memory_space<vmem>>
      %dma_wait3A_1283 = arith.constant 0 : i32
      %dma_wait3A_1284 = tpu.memref_slice %arg7[%dma_wait3A_1277, %dma_wait3A_1283] : memref<4x400xi32, #tpu.memory_space<vmem>> -> memref<1x400xi32, #tpu.memory_space<vmem>>
      %dma_wait3A_1285 = tpu.memref_squeeze %dma_wait3A_1284 : memref<1x400xi32, #tpu.memory_space<vmem>> -> memref<400xi32, #tpu.memory_space<vmem>>
      %dma_wait3A_1286 = arith.constant 0 : i32
      %dma_wait3A_1287 = arith.constant 0 : i32
      %dma_wait3A_1288 = tpu.memref_slice %arg5[%dma_wait3A_1286, %dma_wait3A_1287] : memref<6553600x64xf32, #tpu.memory_space<hbm>> -> memref<6553600x64xf32, #tpu.memory_space<hbm>>
      %dma_wait3A_1289 = tpu.memref_slice %arg12[%dma_wait3A_1278] : memref<4x!tpu.dma_semaphore, #tpu.memory_space<semaphore_mem>> -> memref<1x!tpu.dma_semaphore, #tpu.memory_space<semaphore_mem>>
      %dma_wait3A_1290 = tpu.memref_squeeze %dma_wait3A_1289 : memref<1x!tpu.dma_semaphore, #tpu.memory_space<semaphore_mem>> -> memref<!tpu.dma_semaphore, #tpu.memory_space<semaphore_mem>>
      tpu.wait_indirect_dma semaphore(%dma_wait3A_1290 : memref<!tpu.dma_semaphore, #tpu.memory_space<semaphore_mem>>) src(%dma_wait3A_1282 : memref<400x64xf32, #tpu.memory_space<vmem>>) dst(%dma_wait3A_1288 : memref<6553600x64xf32, #tpu.memory_space<hbm>>)
      %add3A_1291 = arith.constant 1 : i32
      %add3A_1292 = arith.addi %add3A_1196, %add3A_1291 : i32
      %mul3A_1293 = arith.constant 400 : i32
      %mul3A_1294 = arith.muli %add3A_1292, %mul3A_1293 : i32
      %add3A_1295 = arith.addi %mul3A_2, %mul3A_1294 : i32
      %dma_start3A_1296 = arith.constant 2 : i32
      %dma_start3A_1297 = arith.constant 2 : i32
      %dma_start3A_1298 = arith.constant 0 : i32
      %dma_start3A_1299 = tpu.memref_slice %arg7[%dma_start3A_1296, %dma_start3A_1298] : memref<4x400xi32, #tpu.memory_space<vmem>> -> memref<1x400xi32, #tpu.memory_space<vmem>>
      %dma_start3A_1300 = tpu.memref_squeeze %dma_start3A_1299 : memref<1x400xi32, #tpu.memory_space<vmem>> -> memref<400xi32, #tpu.memory_space<vmem>>
      %dma_start3A_1301 = tpu.memref_slice %arg3[%add3A_1295] : memref<3276800xi32, #tpu.memory_space<hbm>> -> memref<400xi32, #tpu.memory_space<hbm>>
      %dma_start3A_1302 = tpu.memref_slice %arg11[%dma_start3A_1297] : memref<4x!tpu.dma_semaphore, #tpu.memory_space<semaphore_mem>> -> memref<1x!tpu.dma_semaphore, #tpu.memory_space<semaphore_mem>>
      %dma_start3A_1303 = tpu.memref_squeeze %dma_start3A_1302 : memref<1x!tpu.dma_semaphore, #tpu.memory_space<semaphore_mem>> -> memref<!tpu.dma_semaphore, #tpu.memory_space<semaphore_mem>>
      %dma_start3A_1304 = arith.constant 0 : i32
      %dma_start3A_1305 = tpu.memref_slice %arg7[%dma_start3A_1296, %dma_start3A_1304] : memref<4x400xi32, #tpu.memory_space<vmem>> -> memref<1x400xi32, #tpu.memory_space<vmem>>
      %dma_start3A_1306 = tpu.memref_squeeze %dma_start3A_1305 : memref<1x400xi32, #tpu.memory_space<vmem>> -> memref<400xi32, #tpu.memory_space<vmem>>
      %dma_start3A_1307 = tpu.memref_slice %arg3[%add3A_1295] : memref<3276800xi32, #tpu.memory_space<hbm>> -> memref<400xi32, #tpu.memory_space<hbm>>
      tpu.enqueue_dma source(%dma_start3A_1307 : memref<400xi32, #tpu.memory_space<hbm>>) target(%dma_start3A_1306 : memref<400xi32, #tpu.memory_space<vmem>>) target_semaphore(%dma_start3A_1303 : memref<!tpu.dma_semaphore, #tpu.memory_space<semaphore_mem>>)
      %dma_start3A_1308 = arith.constant 2 : i32
      %dma_start3A_1309 = arith.constant 2 : i32
      %dma_start3A_1310 = arith.constant 2 : i32
      %dma_start3A_1311 = arith.constant 0 : i32
      %dma_start3A_1312 = arith.constant 0 : i32
      %dma_start3A_1313 = tpu.memref_slice %arg8[%dma_start3A_1309, %dma_start3A_1311, %dma_start3A_1312] : memref<4x400x64xf32, #tpu.memory_space<vmem>> -> memref<1x400x64xf32, #tpu.memory_space<vmem>>
      %dma_start3A_1314 = tpu.memref_squeeze %dma_start3A_1313 : memref<1x400x64xf32, #tpu.memory_space<vmem>> -> memref<400x64xf32, #tpu.memory_space<vmem>>
      %dma_start3A_1315 = arith.constant 0 : i32
      %dma_start3A_1316 = tpu.memref_slice %arg6[%dma_start3A_1308, %dma_start3A_1315] : memref<4x400xi32, #tpu.memory_space<vmem>> -> memref<1x400xi32, #tpu.memory_space<vmem>>
      %dma_start3A_1317 = tpu.memref_squeeze %dma_start3A_1316 : memref<1x400xi32, #tpu.memory_space<vmem>> -> memref<400xi32, #tpu.memory_space<vmem>>
      %dma_start3A_1318 = arith.constant 0 : i32
      %dma_start3A_1319 = arith.constant 0 : i32
      %dma_start3A_1320 = tpu.memref_slice %arg4[%dma_start3A_1318, %dma_start3A_1319] : memref<1000000x64xf32, #tpu.memory_space<hbm>> -> memref<1000000x64xf32, #tpu.memory_space<hbm>>
      %dma_start3A_1321 = tpu.memref_slice %arg9[%dma_start3A_1310] : memref<4x!tpu.dma_semaphore, #tpu.memory_space<semaphore_mem>> -> memref<1x!tpu.dma_semaphore, #tpu.memory_space<semaphore_mem>>
      %dma_start3A_1322 = tpu.memref_squeeze %dma_start3A_1321 : memref<1x!tpu.dma_semaphore, #tpu.memory_space<semaphore_mem>> -> memref<!tpu.dma_semaphore, #tpu.memory_space<semaphore_mem>>
      tpu.enqueue_indirect_dma source(%dma_start3A_1320 : memref<1000000x64xf32, #tpu.memory_space<hbm>>) target(%dma_start3A_1314 : memref<400x64xf32, #tpu.memory_space<vmem>>) offsets(%dma_start3A_1317 : memref<400xi32, #tpu.memory_space<vmem>>) semaphore(%dma_start3A_1322 : memref<!tpu.dma_semaphore, #tpu.memory_space<semaphore_mem>>)
      %add3A_1323 = arith.constant 3 : i32
      %add3A_1324 = arith.addi %add3A_938, %add3A_1323 : i32
      %dma_wait3A_1325 = arith.constant 2 : i32
      %dma_wait3A_1326 = arith.constant 2 : i32
      %dma_wait3A_1327 = arith.constant 2 : i32
      %dma_wait3A_1328 = arith.constant 0 : i32
      %dma_wait3A_1329 = arith.constant 0 : i32
      %dma_wait3A_1330 = tpu.memref_slice %arg8[%dma_wait3A_1326, %dma_wait3A_1328, %dma_wait3A_1329] : memref<4x400x64xf32, #tpu.memory_space<vmem>> -> memref<1x400x64xf32, #tpu.memory_space<vmem>>
      %dma_wait3A_1331 = tpu.memref_squeeze %dma_wait3A_1330 : memref<1x400x64xf32, #tpu.memory_space<vmem>> -> memref<400x64xf32, #tpu.memory_space<vmem>>
      %dma_wait3A_1332 = arith.constant 0 : i32
      %dma_wait3A_1333 = tpu.memref_slice %arg6[%dma_wait3A_1325, %dma_wait3A_1332] : memref<4x400xi32, #tpu.memory_space<vmem>> -> memref<1x400xi32, #tpu.memory_space<vmem>>
      %dma_wait3A_1334 = tpu.memref_squeeze %dma_wait3A_1333 : memref<1x400xi32, #tpu.memory_space<vmem>> -> memref<400xi32, #tpu.memory_space<vmem>>
      %dma_wait3A_1335 = arith.constant 0 : i32
      %dma_wait3A_1336 = arith.constant 0 : i32
      %dma_wait3A_1337 = tpu.memref_slice %arg4[%dma_wait3A_1335, %dma_wait3A_1336] : memref<1000000x64xf32, #tpu.memory_space<hbm>> -> memref<1000000x64xf32, #tpu.memory_space<hbm>>
      %dma_wait3A_1338 = tpu.memref_slice %arg9[%dma_wait3A_1327] : memref<4x!tpu.dma_semaphore, #tpu.memory_space<semaphore_mem>> -> memref<1x!tpu.dma_semaphore, #tpu.memory_space<semaphore_mem>>
      %dma_wait3A_1339 = tpu.memref_squeeze %dma_wait3A_1338 : memref<1x!tpu.dma_semaphore, #tpu.memory_space<semaphore_mem>> -> memref<!tpu.dma_semaphore, #tpu.memory_space<semaphore_mem>>
      tpu.wait_indirect_dma semaphore(%dma_wait3A_1339 : memref<!tpu.dma_semaphore, #tpu.memory_space<semaphore_mem>>) src(%dma_wait3A_1337 : memref<1000000x64xf32, #tpu.memory_space<hbm>>) dst(%dma_wait3A_1331 : memref<400x64xf32, #tpu.memory_space<vmem>>)
      %mul3A_1340 = arith.constant 400 : i32
      %mul3A_1341 = arith.muli %add3A_1324, %mul3A_1340 : i32
      %add3A_1342 = arith.addi %mul3A_2, %mul3A_1341 : i32
      %dma_wait3A_1343 = arith.constant 2 : i32
      %dma_wait3A_1344 = arith.constant 2 : i32
      %dma_wait3A_1345 = arith.constant 0 : i32
      %dma_wait3A_1346 = tpu.memref_slice %arg7[%dma_wait3A_1343, %dma_wait3A_1345] : memref<4x400xi32, #tpu.memory_space<vmem>> -> memref<1x400xi32, #tpu.memory_space<vmem>>
      %dma_wait3A_1347 = tpu.memref_squeeze %dma_wait3A_1346 : memref<1x400xi32, #tpu.memory_space<vmem>> -> memref<400xi32, #tpu.memory_space<vmem>>
      %dma_wait3A_1348 = tpu.memref_slice %arg3[%add3A_1342] : memref<3276800xi32, #tpu.memory_space<hbm>> -> memref<400xi32, #tpu.memory_space<hbm>>
      %dma_wait3A_1349 = tpu.memref_slice %arg11[%dma_wait3A_1344] : memref<4x!tpu.dma_semaphore, #tpu.memory_space<semaphore_mem>> -> memref<1x!tpu.dma_semaphore, #tpu.memory_space<semaphore_mem>>
      %dma_wait3A_1350 = tpu.memref_squeeze %dma_wait3A_1349 : memref<1x!tpu.dma_semaphore, #tpu.memory_space<semaphore_mem>> -> memref<!tpu.dma_semaphore, #tpu.memory_space<semaphore_mem>>
      %dma_wait3A_1351 = arith.constant 0 : i32
      %dma_wait3A_1352 = tpu.memref_slice %arg7[%dma_wait3A_1343, %dma_wait3A_1351] : memref<4x400xi32, #tpu.memory_space<vmem>> -> memref<1x400xi32, #tpu.memory_space<vmem>>
      %dma_wait3A_1353 = tpu.memref_squeeze %dma_wait3A_1352 : memref<1x400xi32, #tpu.memory_space<vmem>> -> memref<400xi32, #tpu.memory_space<vmem>>
      %dma_wait3A_1354 = tpu.memref_slice %arg3[%add3A_1342] : memref<3276800xi32, #tpu.memory_space<hbm>> -> memref<400xi32, #tpu.memory_space<hbm>>
      tpu.wait_dma2 semaphore(%dma_wait3A_1350 : memref<!tpu.dma_semaphore, #tpu.memory_space<semaphore_mem>>) src(%dma_wait3A_1354 : memref<400xi32, #tpu.memory_space<hbm>>) dst(%dma_wait3A_1353 : memref<400xi32, #tpu.memory_space<vmem>>)
      %dma_start3A_1355 = arith.constant 2 : i32
      %dma_start3A_1356 = arith.constant 2 : i32
      %dma_start3A_1357 = arith.constant 2 : i32
      %dma_start3A_1358 = arith.constant 0 : i32
      %dma_start3A_1359 = arith.constant 0 : i32
      %dma_start3A_1360 = tpu.memref_slice %arg8[%dma_start3A_1355, %dma_start3A_1358, %dma_start3A_1359] : memref<4x400x64xf32, #tpu.memory_space<vmem>> -> memref<1x400x64xf32, #tpu.memory_space<vmem>>
      %dma_start3A_1361 = tpu.memref_squeeze %dma_start3A_1360 : memref<1x400x64xf32, #tpu.memory_space<vmem>> -> memref<400x64xf32, #tpu.memory_space<vmem>>
      %dma_start3A_1362 = arith.constant 0 : i32
      %dma_start3A_1363 = tpu.memref_slice %arg7[%dma_start3A_1356, %dma_start3A_1362] : memref<4x400xi32, #tpu.memory_space<vmem>> -> memref<1x400xi32, #tpu.memory_space<vmem>>
      %dma_start3A_1364 = tpu.memref_squeeze %dma_start3A_1363 : memref<1x400xi32, #tpu.memory_space<vmem>> -> memref<400xi32, #tpu.memory_space<vmem>>
      %dma_start3A_1365 = arith.constant 0 : i32
      %dma_start3A_1366 = arith.constant 0 : i32
      %dma_start3A_1367 = tpu.memref_slice %arg5[%dma_start3A_1365, %dma_start3A_1366] : memref<6553600x64xf32, #tpu.memory_space<hbm>> -> memref<6553600x64xf32, #tpu.memory_space<hbm>>
      %dma_start3A_1368 = tpu.memref_slice %arg12[%dma_start3A_1357] : memref<4x!tpu.dma_semaphore, #tpu.memory_space<semaphore_mem>> -> memref<1x!tpu.dma_semaphore, #tpu.memory_space<semaphore_mem>>
      %dma_start3A_1369 = tpu.memref_squeeze %dma_start3A_1368 : memref<1x!tpu.dma_semaphore, #tpu.memory_space<semaphore_mem>> -> memref<!tpu.dma_semaphore, #tpu.memory_space<semaphore_mem>>
      tpu.enqueue_indirect_dma source(%dma_start3A_1361 : memref<400x64xf32, #tpu.memory_space<vmem>>) target(%dma_start3A_1367 : memref<6553600x64xf32, #tpu.memory_space<hbm>>) offsets(%dma_start3A_1364 : memref<400xi32, #tpu.memory_space<vmem>>) semaphore(%dma_start3A_1369 : memref<!tpu.dma_semaphore, #tpu.memory_space<semaphore_mem>>)
      %add3A_1370 = arith.constant 2 : i32
      %add3A_1371 = arith.addi %add3A_1324, %add3A_1370 : i32
      %mul3A_1372 = arith.constant 400 : i32
      %mul3A_1373 = arith.muli %add3A_1371, %mul3A_1372 : i32
      %add3A_1374 = arith.addi %mul3A_2, %mul3A_1373 : i32
      %dma_start3A_1375 = arith.constant 0 : i32
      %dma_start3A_1376 = arith.constant 0 : i32
      %dma_start3A_1377 = arith.constant 0 : i32
      %dma_start3A_1378 = tpu.memref_slice %arg6[%dma_start3A_1375, %dma_start3A_1377] : memref<4x400xi32, #tpu.memory_space<vmem>> -> memref<1x400xi32, #tpu.memory_space<vmem>>
      %dma_start3A_1379 = tpu.memref_squeeze %dma_start3A_1378 : memref<1x400xi32, #tpu.memory_space<vmem>> -> memref<400xi32, #tpu.memory_space<vmem>>
      %dma_start3A_1380 = tpu.memref_slice %arg2[%add3A_1374] : memref<3276800xi32, #tpu.memory_space<hbm>> -> memref<400xi32, #tpu.memory_space<hbm>>
      %dma_start3A_1381 = tpu.memref_slice %arg10[%dma_start3A_1376] : memref<4x!tpu.dma_semaphore, #tpu.memory_space<semaphore_mem>> -> memref<1x!tpu.dma_semaphore, #tpu.memory_space<semaphore_mem>>
      %dma_start3A_1382 = tpu.memref_squeeze %dma_start3A_1381 : memref<1x!tpu.dma_semaphore, #tpu.memory_space<semaphore_mem>> -> memref<!tpu.dma_semaphore, #tpu.memory_space<semaphore_mem>>
      %dma_start3A_1383 = arith.constant 0 : i32
      %dma_start3A_1384 = tpu.memref_slice %arg6[%dma_start3A_1375, %dma_start3A_1383] : memref<4x400xi32, #tpu.memory_space<vmem>> -> memref<1x400xi32, #tpu.memory_space<vmem>>
      %dma_start3A_1385 = tpu.memref_squeeze %dma_start3A_1384 : memref<1x400xi32, #tpu.memory_space<vmem>> -> memref<400xi32, #tpu.memory_space<vmem>>
      %dma_start3A_1386 = tpu.memref_slice %arg2[%add3A_1374] : memref<3276800xi32, #tpu.memory_space<hbm>> -> memref<400xi32, #tpu.memory_space<hbm>>
      tpu.enqueue_dma source(%dma_start3A_1386 : memref<400xi32, #tpu.memory_space<hbm>>) target(%dma_start3A_1385 : memref<400xi32, #tpu.memory_space<vmem>>) target_semaphore(%dma_start3A_1382 : memref<!tpu.dma_semaphore, #tpu.memory_space<semaphore_mem>>)
      %add3A_1387 = arith.constant 1 : i32
      %add3A_1388 = arith.addi %add3A_1324, %add3A_1387 : i32
      %mul3A_1389 = arith.constant 400 : i32
      %mul3A_1390 = arith.muli %add3A_1388, %mul3A_1389 : i32
      %add3A_1391 = arith.addi %mul3A_2, %mul3A_1390 : i32
      %dma_wait3A_1392 = arith.constant 3 : i32
      %dma_wait3A_1393 = arith.constant 3 : i32
      %dma_wait3A_1394 = arith.constant 0 : i32
      %dma_wait3A_1395 = tpu.memref_slice %arg6[%dma_wait3A_1392, %dma_wait3A_1394] : memref<4x400xi32, #tpu.memory_space<vmem>> -> memref<1x400xi32, #tpu.memory_space<vmem>>
      %dma_wait3A_1396 = tpu.memref_squeeze %dma_wait3A_1395 : memref<1x400xi32, #tpu.memory_space<vmem>> -> memref<400xi32, #tpu.memory_space<vmem>>
      %dma_wait3A_1397 = tpu.memref_slice %arg2[%add3A_1391] : memref<3276800xi32, #tpu.memory_space<hbm>> -> memref<400xi32, #tpu.memory_space<hbm>>
      %dma_wait3A_1398 = tpu.memref_slice %arg10[%dma_wait3A_1393] : memref<4x!tpu.dma_semaphore, #tpu.memory_space<semaphore_mem>> -> memref<1x!tpu.dma_semaphore, #tpu.memory_space<semaphore_mem>>
      %dma_wait3A_1399 = tpu.memref_squeeze %dma_wait3A_1398 : memref<1x!tpu.dma_semaphore, #tpu.memory_space<semaphore_mem>> -> memref<!tpu.dma_semaphore, #tpu.memory_space<semaphore_mem>>
      %dma_wait3A_1400 = arith.constant 0 : i32
      %dma_wait3A_1401 = tpu.memref_slice %arg6[%dma_wait3A_1392, %dma_wait3A_1400] : memref<4x400xi32, #tpu.memory_space<vmem>> -> memref<1x400xi32, #tpu.memory_space<vmem>>
      %dma_wait3A_1402 = tpu.memref_squeeze %dma_wait3A_1401 : memref<1x400xi32, #tpu.memory_space<vmem>> -> memref<400xi32, #tpu.memory_space<vmem>>
      %dma_wait3A_1403 = tpu.memref_slice %arg2[%add3A_1391] : memref<3276800xi32, #tpu.memory_space<hbm>> -> memref<400xi32, #tpu.memory_space<hbm>>
      tpu.wait_dma2 semaphore(%dma_wait3A_1399 : memref<!tpu.dma_semaphore, #tpu.memory_space<semaphore_mem>>) src(%dma_wait3A_1403 : memref<400xi32, #tpu.memory_space<hbm>>) dst(%dma_wait3A_1402 : memref<400xi32, #tpu.memory_space<vmem>>)
      %dma_wait3A_1404 = arith.constant 3 : i32
      %dma_wait3A_1405 = arith.constant 3 : i32
      %dma_wait3A_1406 = arith.constant 3 : i32
      %dma_wait3A_1407 = arith.constant 0 : i32
      %dma_wait3A_1408 = arith.constant 0 : i32
      %dma_wait3A_1409 = tpu.memref_slice %arg8[%dma_wait3A_1404, %dma_wait3A_1407, %dma_wait3A_1408] : memref<4x400x64xf32, #tpu.memory_space<vmem>> -> memref<1x400x64xf32, #tpu.memory_space<vmem>>
      %dma_wait3A_1410 = tpu.memref_squeeze %dma_wait3A_1409 : memref<1x400x64xf32, #tpu.memory_space<vmem>> -> memref<400x64xf32, #tpu.memory_space<vmem>>
      %dma_wait3A_1411 = arith.constant 0 : i32
      %dma_wait3A_1412 = tpu.memref_slice %arg7[%dma_wait3A_1405, %dma_wait3A_1411] : memref<4x400xi32, #tpu.memory_space<vmem>> -> memref<1x400xi32, #tpu.memory_space<vmem>>
      %dma_wait3A_1413 = tpu.memref_squeeze %dma_wait3A_1412 : memref<1x400xi32, #tpu.memory_space<vmem>> -> memref<400xi32, #tpu.memory_space<vmem>>
      %dma_wait3A_1414 = arith.constant 0 : i32
      %dma_wait3A_1415 = arith.constant 0 : i32
      %dma_wait3A_1416 = tpu.memref_slice %arg5[%dma_wait3A_1414, %dma_wait3A_1415] : memref<6553600x64xf32, #tpu.memory_space<hbm>> -> memref<6553600x64xf32, #tpu.memory_space<hbm>>
      %dma_wait3A_1417 = tpu.memref_slice %arg12[%dma_wait3A_1406] : memref<4x!tpu.dma_semaphore, #tpu.memory_space<semaphore_mem>> -> memref<1x!tpu.dma_semaphore, #tpu.memory_space<semaphore_mem>>
      %dma_wait3A_1418 = tpu.memref_squeeze %dma_wait3A_1417 : memref<1x!tpu.dma_semaphore, #tpu.memory_space<semaphore_mem>> -> memref<!tpu.dma_semaphore, #tpu.memory_space<semaphore_mem>>
      tpu.wait_indirect_dma semaphore(%dma_wait3A_1418 : memref<!tpu.dma_semaphore, #tpu.memory_space<semaphore_mem>>) src(%dma_wait3A_1410 : memref<400x64xf32, #tpu.memory_space<vmem>>) dst(%dma_wait3A_1416 : memref<6553600x64xf32, #tpu.memory_space<hbm>>)
      %add3A_1419 = arith.constant 1 : i32
      %add3A_1420 = arith.addi %add3A_1324, %add3A_1419 : i32
      %mul3A_1421 = arith.constant 400 : i32
      %mul3A_1422 = arith.muli %add3A_1420, %mul3A_1421 : i32
      %add3A_1423 = arith.addi %mul3A_2, %mul3A_1422 : i32
      %dma_start3A_1424 = arith.constant 3 : i32
      %dma_start3A_1425 = arith.constant 3 : i32
      %dma_start3A_1426 = arith.constant 0 : i32
      %dma_start3A_1427 = tpu.memref_slice %arg7[%dma_start3A_1424, %dma_start3A_1426] : memref<4x400xi32, #tpu.memory_space<vmem>> -> memref<1x400xi32, #tpu.memory_space<vmem>>
      %dma_start3A_1428 = tpu.memref_squeeze %dma_start3A_1427 : memref<1x400xi32, #tpu.memory_space<vmem>> -> memref<400xi32, #tpu.memory_space<vmem>>
      %dma_start3A_1429 = tpu.memref_slice %arg3[%add3A_1423] : memref<3276800xi32, #tpu.memory_space<hbm>> -> memref<400xi32, #tpu.memory_space<hbm>>
      %dma_start3A_1430 = tpu.memref_slice %arg11[%dma_start3A_1425] : memref<4x!tpu.dma_semaphore, #tpu.memory_space<semaphore_mem>> -> memref<1x!tpu.dma_semaphore, #tpu.memory_space<semaphore_mem>>
      %dma_start3A_1431 = tpu.memref_squeeze %dma_start3A_1430 : memref<1x!tpu.dma_semaphore, #tpu.memory_space<semaphore_mem>> -> memref<!tpu.dma_semaphore, #tpu.memory_space<semaphore_mem>>
      %dma_start3A_1432 = arith.constant 0 : i32
      %dma_start3A_1433 = tpu.memref_slice %arg7[%dma_start3A_1424, %dma_start3A_1432] : memref<4x400xi32, #tpu.memory_space<vmem>> -> memref<1x400xi32, #tpu.memory_space<vmem>>
      %dma_start3A_1434 = tpu.memref_squeeze %dma_start3A_1433 : memref<1x400xi32, #tpu.memory_space<vmem>> -> memref<400xi32, #tpu.memory_space<vmem>>
      %dma_start3A_1435 = tpu.memref_slice %arg3[%add3A_1423] : memref<3276800xi32, #tpu.memory_space<hbm>> -> memref<400xi32, #tpu.memory_space<hbm>>
      tpu.enqueue_dma source(%dma_start3A_1435 : memref<400xi32, #tpu.memory_space<hbm>>) target(%dma_start3A_1434 : memref<400xi32, #tpu.memory_space<vmem>>) target_semaphore(%dma_start3A_1431 : memref<!tpu.dma_semaphore, #tpu.memory_space<semaphore_mem>>)
      %dma_start3A_1436 = arith.constant 3 : i32
      %dma_start3A_1437 = arith.constant 3 : i32
      %dma_start3A_1438 = arith.constant 3 : i32
      %dma_start3A_1439 = arith.constant 0 : i32
      %dma_start3A_1440 = arith.constant 0 : i32
      %dma_start3A_1441 = tpu.memref_slice %arg8[%dma_start3A_1437, %dma_start3A_1439, %dma_start3A_1440] : memref<4x400x64xf32, #tpu.memory_space<vmem>> -> memref<1x400x64xf32, #tpu.memory_space<vmem>>
      %dma_start3A_1442 = tpu.memref_squeeze %dma_start3A_1441 : memref<1x400x64xf32, #tpu.memory_space<vmem>> -> memref<400x64xf32, #tpu.memory_space<vmem>>
      %dma_start3A_1443 = arith.constant 0 : i32
      %dma_start3A_1444 = tpu.memref_slice %arg6[%dma_start3A_1436, %dma_start3A_1443] : memref<4x400xi32, #tpu.memory_space<vmem>> -> memref<1x400xi32, #tpu.memory_space<vmem>>
      %dma_start3A_1445 = tpu.memref_squeeze %dma_start3A_1444 : memref<1x400xi32, #tpu.memory_space<vmem>> -> memref<400xi32, #tpu.memory_space<vmem>>
      %dma_start3A_1446 = arith.constant 0 : i32
      %dma_start3A_1447 = arith.constant 0 : i32
      %dma_start3A_1448 = tpu.memref_slice %arg4[%dma_start3A_1446, %dma_start3A_1447] : memref<1000000x64xf32, #tpu.memory_space<hbm>> -> memref<1000000x64xf32, #tpu.memory_space<hbm>>
      %dma_start3A_1449 = tpu.memref_slice %arg9[%dma_start3A_1438] : memref<4x!tpu.dma_semaphore, #tpu.memory_space<semaphore_mem>> -> memref<1x!tpu.dma_semaphore, #tpu.memory_space<semaphore_mem>>
      %dma_start3A_1450 = tpu.memref_squeeze %dma_start3A_1449 : memref<1x!tpu.dma_semaphore, #tpu.memory_space<semaphore_mem>> -> memref<!tpu.dma_semaphore, #tpu.memory_space<semaphore_mem>>
      tpu.enqueue_indirect_dma source(%dma_start3A_1448 : memref<1000000x64xf32, #tpu.memory_space<hbm>>) target(%dma_start3A_1442 : memref<400x64xf32, #tpu.memory_space<vmem>>) offsets(%dma_start3A_1445 : memref<400xi32, #tpu.memory_space<vmem>>) semaphore(%dma_start3A_1450 : memref<!tpu.dma_semaphore, #tpu.memory_space<semaphore_mem>>)
    }
    %scan3A_379 = arith.constant 62 : i32
    %dma_wait3A_380 = arith.constant 3 : i32
    %dma_wait3A_381 = arith.constant 3 : i32
    %dma_wait3A_382 = arith.constant 3 : i32
    %dma_wait3A_383 = arith.constant 0 : i32
    %dma_wait3A_384 = arith.constant 0 : i32
    %dma_wait3A_385 = tpu.memref_slice %arg8[%dma_wait3A_381, %dma_wait3A_383, %dma_wait3A_384] : memref<4x400x64xf32, #tpu.memory_space<vmem>> -> memref<1x400x64xf32, #tpu.memory_space<vmem>>
    %dma_wait3A_386 = tpu.memref_squeeze %dma_wait3A_385 : memref<1x400x64xf32, #tpu.memory_space<vmem>> -> memref<400x64xf32, #tpu.memory_space<vmem>>
    %dma_wait3A_387 = arith.constant 0 : i32
    %dma_wait3A_388 = tpu.memref_slice %arg6[%dma_wait3A_380, %dma_wait3A_387] : memref<4x400xi32, #tpu.memory_space<vmem>> -> memref<1x400xi32, #tpu.memory_space<vmem>>
    %dma_wait3A_389 = tpu.memref_squeeze %dma_wait3A_388 : memref<1x400xi32, #tpu.memory_space<vmem>> -> memref<400xi32, #tpu.memory_space<vmem>>
    %dma_wait3A_390 = arith.constant 0 : i32
    %dma_wait3A_391 = arith.constant 0 : i32
    %dma_wait3A_392 = tpu.memref_slice %arg4[%dma_wait3A_390, %dma_wait3A_391] : memref<1000000x64xf32, #tpu.memory_space<hbm>> -> memref<1000000x64xf32, #tpu.memory_space<hbm>>
    %dma_wait3A_393 = tpu.memref_slice %arg9[%dma_wait3A_382] : memref<4x!tpu.dma_semaphore, #tpu.memory_space<semaphore_mem>> -> memref<1x!tpu.dma_semaphore, #tpu.memory_space<semaphore_mem>>
    %dma_wait3A_394 = tpu.memref_squeeze %dma_wait3A_393 : memref<1x!tpu.dma_semaphore, #tpu.memory_space<semaphore_mem>> -> memref<!tpu.dma_semaphore, #tpu.memory_space<semaphore_mem>>
    tpu.wait_indirect_dma semaphore(%dma_wait3A_394 : memref<!tpu.dma_semaphore, #tpu.memory_space<semaphore_mem>>) src(%dma_wait3A_392 : memref<1000000x64xf32, #tpu.memory_space<hbm>>) dst(%dma_wait3A_386 : memref<400x64xf32, #tpu.memory_space<vmem>>)
    %add3A_395 = arith.constant 100400 : i32
    %add3A_396 = arith.addi %mul3A_2, %add3A_395 : i32
    %dma_wait3A_397 = arith.constant 3 : i32
    %dma_wait3A_398 = arith.constant 3 : i32
    %dma_wait3A_399 = arith.constant 0 : i32
    %dma_wait3A_400 = tpu.memref_slice %arg7[%dma_wait3A_397, %dma_wait3A_399] : memref<4x400xi32, #tpu.memory_space<vmem>> -> memref<1x400xi32, #tpu.memory_space<vmem>>
    %dma_wait3A_401 = tpu.memref_squeeze %dma_wait3A_400 : memref<1x400xi32, #tpu.memory_space<vmem>> -> memref<400xi32, #tpu.memory_space<vmem>>
    %dma_wait3A_402 = tpu.memref_slice %arg3[%add3A_396] : memref<3276800xi32, #tpu.memory_space<hbm>> -> memref<400xi32, #tpu.memory_space<hbm>>
    %dma_wait3A_403 = tpu.memref_slice %arg11[%dma_wait3A_398] : memref<4x!tpu.dma_semaphore, #tpu.memory_space<semaphore_mem>> -> memref<1x!tpu.dma_semaphore, #tpu.memory_space<semaphore_mem>>
    %dma_wait3A_404 = tpu.memref_squeeze %dma_wait3A_403 : memref<1x!tpu.dma_semaphore, #tpu.memory_space<semaphore_mem>> -> memref<!tpu.dma_semaphore, #tpu.memory_space<semaphore_mem>>
    %dma_wait3A_405 = arith.constant 0 : i32
    %dma_wait3A_406 = tpu.memref_slice %arg7[%dma_wait3A_397, %dma_wait3A_405] : memref<4x400xi32, #tpu.memory_space<vmem>> -> memref<1x400xi32, #tpu.memory_space<vmem>>
    %dma_wait3A_407 = tpu.memref_squeeze %dma_wait3A_406 : memref<1x400xi32, #tpu.memory_space<vmem>> -> memref<400xi32, #tpu.memory_space<vmem>>
    %dma_wait3A_408 = tpu.memref_slice %arg3[%add3A_396] : memref<3276800xi32, #tpu.memory_space<hbm>> -> memref<400xi32, #tpu.memory_space<hbm>>
    tpu.wait_dma2 semaphore(%dma_wait3A_404 : memref<!tpu.dma_semaphore, #tpu.memory_space<semaphore_mem>>) src(%dma_wait3A_408 : memref<400xi32, #tpu.memory_space<hbm>>) dst(%dma_wait3A_407 : memref<400xi32, #tpu.memory_space<vmem>>)
    %dma_start3A_409 = arith.constant 3 : i32
    %dma_start3A_410 = arith.constant 3 : i32
    %dma_start3A_411 = arith.constant 3 : i32
    %dma_start3A_412 = arith.constant 0 : i32
    %dma_start3A_413 = arith.constant 0 : i32
    %dma_start3A_414 = tpu.memref_slice %arg8[%dma_start3A_409, %dma_start3A_412, %dma_start3A_413] : memref<4x400x64xf32, #tpu.memory_space<vmem>> -> memref<1x400x64xf32, #tpu.memory_space<vmem>>
    %dma_start3A_415 = tpu.memref_squeeze %dma_start3A_414 : memref<1x400x64xf32, #tpu.memory_space<vmem>> -> memref<400x64xf32, #tpu.memory_space<vmem>>
    %dma_start3A_416 = arith.constant 0 : i32
    %dma_start3A_417 = tpu.memref_slice %arg7[%dma_start3A_410, %dma_start3A_416] : memref<4x400xi32, #tpu.memory_space<vmem>> -> memref<1x400xi32, #tpu.memory_space<vmem>>
    %dma_start3A_418 = tpu.memref_squeeze %dma_start3A_417 : memref<1x400xi32, #tpu.memory_space<vmem>> -> memref<400xi32, #tpu.memory_space<vmem>>
    %dma_start3A_419 = arith.constant 0 : i32
    %dma_start3A_420 = arith.constant 0 : i32
    %dma_start3A_421 = tpu.memref_slice %arg5[%dma_start3A_419, %dma_start3A_420] : memref<6553600x64xf32, #tpu.memory_space<hbm>> -> memref<6553600x64xf32, #tpu.memory_space<hbm>>
    %dma_start3A_422 = tpu.memref_slice %arg12[%dma_start3A_411] : memref<4x!tpu.dma_semaphore, #tpu.memory_space<semaphore_mem>> -> memref<1x!tpu.dma_semaphore, #tpu.memory_space<semaphore_mem>>
    %dma_start3A_423 = tpu.memref_squeeze %dma_start3A_422 : memref<1x!tpu.dma_semaphore, #tpu.memory_space<semaphore_mem>> -> memref<!tpu.dma_semaphore, #tpu.memory_space<semaphore_mem>>
    tpu.enqueue_indirect_dma source(%dma_start3A_415 : memref<400x64xf32, #tpu.memory_space<vmem>>) target(%dma_start3A_421 : memref<6553600x64xf32, #tpu.memory_space<hbm>>) offsets(%dma_start3A_418 : memref<400xi32, #tpu.memory_space<vmem>>) semaphore(%dma_start3A_423 : memref<!tpu.dma_semaphore, #tpu.memory_space<semaphore_mem>>)
    %add3A_424 = arith.constant 101200 : i32
    %add3A_425 = arith.addi %mul3A_2, %add3A_424 : i32
    %dma_start3A_426 = arith.constant 1 : i32
    %dma_start3A_427 = arith.constant 1 : i32
    %dma_start3A_428 = arith.constant 0 : i32
    %dma_start3A_429 = tpu.memref_slice %arg6[%dma_start3A_426, %dma_start3A_428] : memref<4x400xi32, #tpu.memory_space<vmem>> -> memref<1x400xi32, #tpu.memory_space<vmem>>
    %dma_start3A_430 = tpu.memref_squeeze %dma_start3A_429 : memref<1x400xi32, #tpu.memory_space<vmem>> -> memref<400xi32, #tpu.memory_space<vmem>>
    %dma_start3A_431 = tpu.memref_slice %arg2[%add3A_425] : memref<3276800xi32, #tpu.memory_space<hbm>> -> memref<400xi32, #tpu.memory_space<hbm>>
    %dma_start3A_432 = tpu.memref_slice %arg10[%dma_start3A_427] : memref<4x!tpu.dma_semaphore, #tpu.memory_space<semaphore_mem>> -> memref<1x!tpu.dma_semaphore, #tpu.memory_space<semaphore_mem>>
    %dma_start3A_433 = tpu.memref_squeeze %dma_start3A_432 : memref<1x!tpu.dma_semaphore, #tpu.memory_space<semaphore_mem>> -> memref<!tpu.dma_semaphore, #tpu.memory_space<semaphore_mem>>
    %dma_start3A_434 = arith.constant 0 : i32
    %dma_start3A_435 = tpu.memref_slice %arg6[%dma_start3A_426, %dma_start3A_434] : memref<4x400xi32, #tpu.memory_space<vmem>> -> memref<1x400xi32, #tpu.memory_space<vmem>>
    %dma_start3A_436 = tpu.memref_squeeze %dma_start3A_435 : memref<1x400xi32, #tpu.memory_space<vmem>> -> memref<400xi32, #tpu.memory_space<vmem>>
    %dma_start3A_437 = tpu.memref_slice %arg2[%add3A_425] : memref<3276800xi32, #tpu.memory_space<hbm>> -> memref<400xi32, #tpu.memory_space<hbm>>
    tpu.enqueue_dma source(%dma_start3A_437 : memref<400xi32, #tpu.memory_space<hbm>>) target(%dma_start3A_436 : memref<400xi32, #tpu.memory_space<vmem>>) target_semaphore(%dma_start3A_433 : memref<!tpu.dma_semaphore, #tpu.memory_space<semaphore_mem>>)
    %add3A_438 = arith.constant 100800 : i32
    %add3A_439 = arith.addi %mul3A_2, %add3A_438 : i32
    %dma_wait3A_440 = arith.constant 0 : i32
    %dma_wait3A_441 = arith.constant 0 : i32
    %dma_wait3A_442 = arith.constant 0 : i32
    %dma_wait3A_443 = tpu.memref_slice %arg6[%dma_wait3A_440, %dma_wait3A_442] : memref<4x400xi32, #tpu.memory_space<vmem>> -> memref<1x400xi32, #tpu.memory_space<vmem>>
    %dma_wait3A_444 = tpu.memref_squeeze %dma_wait3A_443 : memref<1x400xi32, #tpu.memory_space<vmem>> -> memref<400xi32, #tpu.memory_space<vmem>>
    %dma_wait3A_445 = tpu.memref_slice %arg2[%add3A_439] : memref<3276800xi32, #tpu.memory_space<hbm>> -> memref<400xi32, #tpu.memory_space<hbm>>
    %dma_wait3A_446 = tpu.memref_slice %arg10[%dma_wait3A_441] : memref<4x!tpu.dma_semaphore, #tpu.memory_space<semaphore_mem>> -> memref<1x!tpu.dma_semaphore, #tpu.memory_space<semaphore_mem>>
    %dma_wait3A_447 = tpu.memref_squeeze %dma_wait3A_446 : memref<1x!tpu.dma_semaphore, #tpu.memory_space<semaphore_mem>> -> memref<!tpu.dma_semaphore, #tpu.memory_space<semaphore_mem>>
    %dma_wait3A_448 = arith.constant 0 : i32
    %dma_wait3A_449 = tpu.memref_slice %arg6[%dma_wait3A_440, %dma_wait3A_448] : memref<4x400xi32, #tpu.memory_space<vmem>> -> memref<1x400xi32, #tpu.memory_space<vmem>>
    %dma_wait3A_450 = tpu.memref_squeeze %dma_wait3A_449 : memref<1x400xi32, #tpu.memory_space<vmem>> -> memref<400xi32, #tpu.memory_space<vmem>>
    %dma_wait3A_451 = tpu.memref_slice %arg2[%add3A_439] : memref<3276800xi32, #tpu.memory_space<hbm>> -> memref<400xi32, #tpu.memory_space<hbm>>
    tpu.wait_dma2 semaphore(%dma_wait3A_447 : memref<!tpu.dma_semaphore, #tpu.memory_space<semaphore_mem>>) src(%dma_wait3A_451 : memref<400xi32, #tpu.memory_space<hbm>>) dst(%dma_wait3A_450 : memref<400xi32, #tpu.memory_space<vmem>>)
    %dma_wait3A_452 = arith.constant 0 : i32
    %dma_wait3A_453 = arith.constant 0 : i32
    %dma_wait3A_454 = arith.constant 0 : i32
    %dma_wait3A_455 = arith.constant 0 : i32
    %dma_wait3A_456 = arith.constant 0 : i32
    %dma_wait3A_457 = tpu.memref_slice %arg8[%dma_wait3A_452, %dma_wait3A_455, %dma_wait3A_456] : memref<4x400x64xf32, #tpu.memory_space<vmem>> -> memref<1x400x64xf32, #tpu.memory_space<vmem>>
    %dma_wait3A_458 = tpu.memref_squeeze %dma_wait3A_457 : memref<1x400x64xf32, #tpu.memory_space<vmem>> -> memref<400x64xf32, #tpu.memory_space<vmem>>
    %dma_wait3A_459 = arith.constant 0 : i32
    %dma_wait3A_460 = tpu.memref_slice %arg7[%dma_wait3A_453, %dma_wait3A_459] : memref<4x400xi32, #tpu.memory_space<vmem>> -> memref<1x400xi32, #tpu.memory_space<vmem>>
    %dma_wait3A_461 = tpu.memref_squeeze %dma_wait3A_460 : memref<1x400xi32, #tpu.memory_space<vmem>> -> memref<400xi32, #tpu.memory_space<vmem>>
    %dma_wait3A_462 = arith.constant 0 : i32
    %dma_wait3A_463 = arith.constant 0 : i32
    %dma_wait3A_464 = tpu.memref_slice %arg5[%dma_wait3A_462, %dma_wait3A_463] : memref<6553600x64xf32, #tpu.memory_space<hbm>> -> memref<6553600x64xf32, #tpu.memory_space<hbm>>
    %dma_wait3A_465 = tpu.memref_slice %arg12[%dma_wait3A_454] : memref<4x!tpu.dma_semaphore, #tpu.memory_space<semaphore_mem>> -> memref<1x!tpu.dma_semaphore, #tpu.memory_space<semaphore_mem>>
    %dma_wait3A_466 = tpu.memref_squeeze %dma_wait3A_465 : memref<1x!tpu.dma_semaphore, #tpu.memory_space<semaphore_mem>> -> memref<!tpu.dma_semaphore, #tpu.memory_space<semaphore_mem>>
    tpu.wait_indirect_dma semaphore(%dma_wait3A_466 : memref<!tpu.dma_semaphore, #tpu.memory_space<semaphore_mem>>) src(%dma_wait3A_458 : memref<400x64xf32, #tpu.memory_space<vmem>>) dst(%dma_wait3A_464 : memref<6553600x64xf32, #tpu.memory_space<hbm>>)
    %add3A_467 = arith.constant 100800 : i32
    %add3A_468 = arith.addi %mul3A_2, %add3A_467 : i32
    %dma_start3A_469 = arith.constant 0 : i32
    %dma_start3A_470 = arith.constant 0 : i32
    %dma_start3A_471 = arith.constant 0 : i32
    %dma_start3A_472 = tpu.memref_slice %arg7[%dma_start3A_469, %dma_start3A_471] : memref<4x400xi32, #tpu.memory_space<vmem>> -> memref<1x400xi32, #tpu.memory_space<vmem>>
    %dma_start3A_473 = tpu.memref_squeeze %dma_start3A_472 : memref<1x400xi32, #tpu.memory_space<vmem>> -> memref<400xi32, #tpu.memory_space<vmem>>
    %dma_start3A_474 = tpu.memref_slice %arg3[%add3A_468] : memref<3276800xi32, #tpu.memory_space<hbm>> -> memref<400xi32, #tpu.memory_space<hbm>>
    %dma_start3A_475 = tpu.memref_slice %arg11[%dma_start3A_470] : memref<4x!tpu.dma_semaphore, #tpu.memory_space<semaphore_mem>> -> memref<1x!tpu.dma_semaphore, #tpu.memory_space<semaphore_mem>>
    %dma_start3A_476 = tpu.memref_squeeze %dma_start3A_475 : memref<1x!tpu.dma_semaphore, #tpu.memory_space<semaphore_mem>> -> memref<!tpu.dma_semaphore, #tpu.memory_space<semaphore_mem>>
    %dma_start3A_477 = arith.constant 0 : i32
    %dma_start3A_478 = tpu.memref_slice %arg7[%dma_start3A_469, %dma_start3A_477] : memref<4x400xi32, #tpu.memory_space<vmem>> -> memref<1x400xi32, #tpu.memory_space<vmem>>
    %dma_start3A_479 = tpu.memref_squeeze %dma_start3A_478 : memref<1x400xi32, #tpu.memory_space<vmem>> -> memref<400xi32, #tpu.memory_space<vmem>>
    %dma_start3A_480 = tpu.memref_slice %arg3[%add3A_468] : memref<3276800xi32, #tpu.memory_space<hbm>> -> memref<400xi32, #tpu.memory_space<hbm>>
    tpu.enqueue_dma source(%dma_start3A_480 : memref<400xi32, #tpu.memory_space<hbm>>) target(%dma_start3A_479 : memref<400xi32, #tpu.memory_space<vmem>>) target_semaphore(%dma_start3A_476 : memref<!tpu.dma_semaphore, #tpu.memory_space<semaphore_mem>>)
    %dma_start3A_481 = arith.constant 0 : i32
    %dma_start3A_482 = arith.constant 0 : i32
    %dma_start3A_483 = arith.constant 0 : i32
    %dma_start3A_484 = arith.constant 0 : i32
    %dma_start3A_485 = arith.constant 0 : i32
    %dma_start3A_486 = tpu.memref_slice %arg8[%dma_start3A_482, %dma_start3A_484, %dma_start3A_485] : memref<4x400x64xf32, #tpu.memory_space<vmem>> -> memref<1x400x64xf32, #tpu.memory_space<vmem>>
    %dma_start3A_487 = tpu.memref_squeeze %dma_start3A_486 : memref<1x400x64xf32, #tpu.memory_space<vmem>> -> memref<400x64xf32, #tpu.memory_space<vmem>>
    %dma_start3A_488 = arith.constant 0 : i32
    %dma_start3A_489 = tpu.memref_slice %arg6[%dma_start3A_481, %dma_start3A_488] : memref<4x400xi32, #tpu.memory_space<vmem>> -> memref<1x400xi32, #tpu.memory_space<vmem>>
    %dma_start3A_490 = tpu.memref_squeeze %dma_start3A_489 : memref<1x400xi32, #tpu.memory_space<vmem>> -> memref<400xi32, #tpu.memory_space<vmem>>
    %dma_start3A_491 = arith.constant 0 : i32
    %dma_start3A_492 = arith.constant 0 : i32
    %dma_start3A_493 = tpu.memref_slice %arg4[%dma_start3A_491, %dma_start3A_492] : memref<1000000x64xf32, #tpu.memory_space<hbm>> -> memref<1000000x64xf32, #tpu.memory_space<hbm>>
    %dma_start3A_494 = tpu.memref_slice %arg9[%dma_start3A_483] : memref<4x!tpu.dma_semaphore, #tpu.memory_space<semaphore_mem>> -> memref<1x!tpu.dma_semaphore, #tpu.memory_space<semaphore_mem>>
    %dma_start3A_495 = tpu.memref_squeeze %dma_start3A_494 : memref<1x!tpu.dma_semaphore, #tpu.memory_space<semaphore_mem>> -> memref<!tpu.dma_semaphore, #tpu.memory_space<semaphore_mem>>
    tpu.enqueue_indirect_dma source(%dma_start3A_493 : memref<1000000x64xf32, #tpu.memory_space<hbm>>) target(%dma_start3A_487 : memref<400x64xf32, #tpu.memory_space<vmem>>) offsets(%dma_start3A_490 : memref<400xi32, #tpu.memory_space<vmem>>) semaphore(%dma_start3A_495 : memref<!tpu.dma_semaphore, #tpu.memory_space<semaphore_mem>>)
    %dma_wait3A_496 = arith.constant 0 : i32
    %dma_wait3A_497 = arith.constant 0 : i32
    %dma_wait3A_498 = arith.constant 0 : i32
    %dma_wait3A_499 = arith.constant 0 : i32
    %dma_wait3A_500 = arith.constant 0 : i32
    %dma_wait3A_501 = tpu.memref_slice %arg8[%dma_wait3A_497, %dma_wait3A_499, %dma_wait3A_500] : memref<4x400x64xf32, #tpu.memory_space<vmem>> -> memref<1x400x64xf32, #tpu.memory_space<vmem>>
    %dma_wait3A_502 = tpu.memref_squeeze %dma_wait3A_501 : memref<1x400x64xf32, #tpu.memory_space<vmem>> -> memref<400x64xf32, #tpu.memory_space<vmem>>
    %dma_wait3A_503 = arith.constant 0 : i32
    %dma_wait3A_504 = tpu.memref_slice %arg6[%dma_wait3A_496, %dma_wait3A_503] : memref<4x400xi32, #tpu.memory_space<vmem>> -> memref<1x400xi32, #tpu.memory_space<vmem>>
    %dma_wait3A_505 = tpu.memref_squeeze %dma_wait3A_504 : memref<1x400xi32, #tpu.memory_space<vmem>> -> memref<400xi32, #tpu.memory_space<vmem>>
    %dma_wait3A_506 = arith.constant 0 : i32
    %dma_wait3A_507 = arith.constant 0 : i32
    %dma_wait3A_508 = tpu.memref_slice %arg4[%dma_wait3A_506, %dma_wait3A_507] : memref<1000000x64xf32, #tpu.memory_space<hbm>> -> memref<1000000x64xf32, #tpu.memory_space<hbm>>
    %dma_wait3A_509 = tpu.memref_slice %arg9[%dma_wait3A_498] : memref<4x!tpu.dma_semaphore, #tpu.memory_space<semaphore_mem>> -> memref<1x!tpu.dma_semaphore, #tpu.memory_space<semaphore_mem>>
    %dma_wait3A_510 = tpu.memref_squeeze %dma_wait3A_509 : memref<1x!tpu.dma_semaphore, #tpu.memory_space<semaphore_mem>> -> memref<!tpu.dma_semaphore, #tpu.memory_space<semaphore_mem>>
    tpu.wait_indirect_dma semaphore(%dma_wait3A_510 : memref<!tpu.dma_semaphore, #tpu.memory_space<semaphore_mem>>) src(%dma_wait3A_508 : memref<1000000x64xf32, #tpu.memory_space<hbm>>) dst(%dma_wait3A_502 : memref<400x64xf32, #tpu.memory_space<vmem>>)
    %add3A_511 = arith.constant 100800 : i32
    %add3A_512 = arith.addi %mul3A_2, %add3A_511 : i32
    %dma_wait3A_513 = arith.constant 0 : i32
    %dma_wait3A_514 = arith.constant 0 : i32
    %dma_wait3A_515 = arith.constant 0 : i32
    %dma_wait3A_516 = tpu.memref_slice %arg7[%dma_wait3A_513, %dma_wait3A_515] : memref<4x400xi32, #tpu.memory_space<vmem>> -> memref<1x400xi32, #tpu.memory_space<vmem>>
    %dma_wait3A_517 = tpu.memref_squeeze %dma_wait3A_516 : memref<1x400xi32, #tpu.memory_space<vmem>> -> memref<400xi32, #tpu.memory_space<vmem>>
    %dma_wait3A_518 = tpu.memref_slice %arg3[%add3A_512] : memref<3276800xi32, #tpu.memory_space<hbm>> -> memref<400xi32, #tpu.memory_space<hbm>>
    %dma_wait3A_519 = tpu.memref_slice %arg11[%dma_wait3A_514] : memref<4x!tpu.dma_semaphore, #tpu.memory_space<semaphore_mem>> -> memref<1x!tpu.dma_semaphore, #tpu.memory_space<semaphore_mem>>
    %dma_wait3A_520 = tpu.memref_squeeze %dma_wait3A_519 : memref<1x!tpu.dma_semaphore, #tpu.memory_space<semaphore_mem>> -> memref<!tpu.dma_semaphore, #tpu.memory_space<semaphore_mem>>
    %dma_wait3A_521 = arith.constant 0 : i32
    %dma_wait3A_522 = tpu.memref_slice %arg7[%dma_wait3A_513, %dma_wait3A_521] : memref<4x400xi32, #tpu.memory_space<vmem>> -> memref<1x400xi32, #tpu.memory_space<vmem>>
    %dma_wait3A_523 = tpu.memref_squeeze %dma_wait3A_522 : memref<1x400xi32, #tpu.memory_space<vmem>> -> memref<400xi32, #tpu.memory_space<vmem>>
    %dma_wait3A_524 = tpu.memref_slice %arg3[%add3A_512] : memref<3276800xi32, #tpu.memory_space<hbm>> -> memref<400xi32, #tpu.memory_space<hbm>>
    tpu.wait_dma2 semaphore(%dma_wait3A_520 : memref<!tpu.dma_semaphore, #tpu.memory_space<semaphore_mem>>) src(%dma_wait3A_524 : memref<400xi32, #tpu.memory_space<hbm>>) dst(%dma_wait3A_523 : memref<400xi32, #tpu.memory_space<vmem>>)
    %dma_start3A_525 = arith.constant 0 : i32
    %dma_start3A_526 = arith.constant 0 : i32
    %dma_start3A_527 = arith.constant 0 : i32
    %dma_start3A_528 = arith.constant 0 : i32
    %dma_start3A_529 = arith.constant 0 : i32
    %dma_start3A_530 = tpu.memref_slice %arg8[%dma_start3A_525, %dma_start3A_528, %dma_start3A_529] : memref<4x400x64xf32, #tpu.memory_space<vmem>> -> memref<1x400x64xf32, #tpu.memory_space<vmem>>
    %dma_start3A_531 = tpu.memref_squeeze %dma_start3A_530 : memref<1x400x64xf32, #tpu.memory_space<vmem>> -> memref<400x64xf32, #tpu.memory_space<vmem>>
    %dma_start3A_532 = arith.constant 0 : i32
    %dma_start3A_533 = tpu.memref_slice %arg7[%dma_start3A_526, %dma_start3A_532] : memref<4x400xi32, #tpu.memory_space<vmem>> -> memref<1x400xi32, #tpu.memory_space<vmem>>
    %dma_start3A_534 = tpu.memref_squeeze %dma_start3A_533 : memref<1x400xi32, #tpu.memory_space<vmem>> -> memref<400xi32, #tpu.memory_space<vmem>>
    %dma_start3A_535 = arith.constant 0 : i32
    %dma_start3A_536 = arith.constant 0 : i32
    %dma_start3A_537 = tpu.memref_slice %arg5[%dma_start3A_535, %dma_start3A_536] : memref<6553600x64xf32, #tpu.memory_space<hbm>> -> memref<6553600x64xf32, #tpu.memory_space<hbm>>
    %dma_start3A_538 = tpu.memref_slice %arg12[%dma_start3A_527] : memref<4x!tpu.dma_semaphore, #tpu.memory_space<semaphore_mem>> -> memref<1x!tpu.dma_semaphore, #tpu.memory_space<semaphore_mem>>
    %dma_start3A_539 = tpu.memref_squeeze %dma_start3A_538 : memref<1x!tpu.dma_semaphore, #tpu.memory_space<semaphore_mem>> -> memref<!tpu.dma_semaphore, #tpu.memory_space<semaphore_mem>>
    tpu.enqueue_indirect_dma source(%dma_start3A_531 : memref<400x64xf32, #tpu.memory_space<vmem>>) target(%dma_start3A_537 : memref<6553600x64xf32, #tpu.memory_space<hbm>>) offsets(%dma_start3A_534 : memref<400xi32, #tpu.memory_space<vmem>>) semaphore(%dma_start3A_539 : memref<!tpu.dma_semaphore, #tpu.memory_space<semaphore_mem>>)
    %add3A_540 = arith.constant 101600 : i32
    %add3A_541 = arith.addi %mul3A_2, %add3A_540 : i32
    %dma_start3A_542 = arith.constant 2 : i32
    %dma_start3A_543 = arith.constant 2 : i32
    %dma_start3A_544 = arith.constant 0 : i32
    %dma_start3A_545 = tpu.memref_slice %arg6[%dma_start3A_542, %dma_start3A_544] : memref<4x400xi32, #tpu.memory_space<vmem>> -> memref<1x400xi32, #tpu.memory_space<vmem>>
    %dma_start3A_546 = tpu.memref_squeeze %dma_start3A_545 : memref<1x400xi32, #tpu.memory_space<vmem>> -> memref<400xi32, #tpu.memory_space<vmem>>
    %dma_start3A_547 = tpu.memref_slice %arg2[%add3A_541] : memref<3276800xi32, #tpu.memory_space<hbm>> -> memref<400xi32, #tpu.memory_space<hbm>>
    %dma_start3A_548 = tpu.memref_slice %arg10[%dma_start3A_543] : memref<4x!tpu.dma_semaphore, #tpu.memory_space<semaphore_mem>> -> memref<1x!tpu.dma_semaphore, #tpu.memory_space<semaphore_mem>>
    %dma_start3A_549 = tpu.memref_squeeze %dma_start3A_548 : memref<1x!tpu.dma_semaphore, #tpu.memory_space<semaphore_mem>> -> memref<!tpu.dma_semaphore, #tpu.memory_space<semaphore_mem>>
    %dma_start3A_550 = arith.constant 0 : i32
    %dma_start3A_551 = tpu.memref_slice %arg6[%dma_start3A_542, %dma_start3A_550] : memref<4x400xi32, #tpu.memory_space<vmem>> -> memref<1x400xi32, #tpu.memory_space<vmem>>
    %dma_start3A_552 = tpu.memref_squeeze %dma_start3A_551 : memref<1x400xi32, #tpu.memory_space<vmem>> -> memref<400xi32, #tpu.memory_space<vmem>>
    %dma_start3A_553 = tpu.memref_slice %arg2[%add3A_541] : memref<3276800xi32, #tpu.memory_space<hbm>> -> memref<400xi32, #tpu.memory_space<hbm>>
    tpu.enqueue_dma source(%dma_start3A_553 : memref<400xi32, #tpu.memory_space<hbm>>) target(%dma_start3A_552 : memref<400xi32, #tpu.memory_space<vmem>>) target_semaphore(%dma_start3A_549 : memref<!tpu.dma_semaphore, #tpu.memory_space<semaphore_mem>>)
    %add3A_554 = arith.constant 101200 : i32
    %add3A_555 = arith.addi %mul3A_2, %add3A_554 : i32
    %dma_wait3A_556 = arith.constant 1 : i32
    %dma_wait3A_557 = arith.constant 1 : i32
    %dma_wait3A_558 = arith.constant 0 : i32
    %dma_wait3A_559 = tpu.memref_slice %arg6[%dma_wait3A_556, %dma_wait3A_558] : memref<4x400xi32, #tpu.memory_space<vmem>> -> memref<1x400xi32, #tpu.memory_space<vmem>>
    %dma_wait3A_560 = tpu.memref_squeeze %dma_wait3A_559 : memref<1x400xi32, #tpu.memory_space<vmem>> -> memref<400xi32, #tpu.memory_space<vmem>>
    %dma_wait3A_561 = tpu.memref_slice %arg2[%add3A_555] : memref<3276800xi32, #tpu.memory_space<hbm>> -> memref<400xi32, #tpu.memory_space<hbm>>
    %dma_wait3A_562 = tpu.memref_slice %arg10[%dma_wait3A_557] : memref<4x!tpu.dma_semaphore, #tpu.memory_space<semaphore_mem>> -> memref<1x!tpu.dma_semaphore, #tpu.memory_space<semaphore_mem>>
    %dma_wait3A_563 = tpu.memref_squeeze %dma_wait3A_562 : memref<1x!tpu.dma_semaphore, #tpu.memory_space<semaphore_mem>> -> memref<!tpu.dma_semaphore, #tpu.memory_space<semaphore_mem>>
    %dma_wait3A_564 = arith.constant 0 : i32
    %dma_wait3A_565 = tpu.memref_slice %arg6[%dma_wait3A_556, %dma_wait3A_564] : memref<4x400xi32, #tpu.memory_space<vmem>> -> memref<1x400xi32, #tpu.memory_space<vmem>>
    %dma_wait3A_566 = tpu.memref_squeeze %dma_wait3A_565 : memref<1x400xi32, #tpu.memory_space<vmem>> -> memref<400xi32, #tpu.memory_space<vmem>>
    %dma_wait3A_567 = tpu.memref_slice %arg2[%add3A_555] : memref<3276800xi32, #tpu.memory_space<hbm>> -> memref<400xi32, #tpu.memory_space<hbm>>
    tpu.wait_dma2 semaphore(%dma_wait3A_563 : memref<!tpu.dma_semaphore, #tpu.memory_space<semaphore_mem>>) src(%dma_wait3A_567 : memref<400xi32, #tpu.memory_space<hbm>>) dst(%dma_wait3A_566 : memref<400xi32, #tpu.memory_space<vmem>>)
    %dma_wait3A_568 = arith.constant 1 : i32
    %dma_wait3A_569 = arith.constant 1 : i32
    %dma_wait3A_570 = arith.constant 1 : i32
    %dma_wait3A_571 = arith.constant 0 : i32
    %dma_wait3A_572 = arith.constant 0 : i32
    %dma_wait3A_573 = tpu.memref_slice %arg8[%dma_wait3A_568, %dma_wait3A_571, %dma_wait3A_572] : memref<4x400x64xf32, #tpu.memory_space<vmem>> -> memref<1x400x64xf32, #tpu.memory_space<vmem>>
    %dma_wait3A_574 = tpu.memref_squeeze %dma_wait3A_573 : memref<1x400x64xf32, #tpu.memory_space<vmem>> -> memref<400x64xf32, #tpu.memory_space<vmem>>
    %dma_wait3A_575 = arith.constant 0 : i32
    %dma_wait3A_576 = tpu.memref_slice %arg7[%dma_wait3A_569, %dma_wait3A_575] : memref<4x400xi32, #tpu.memory_space<vmem>> -> memref<1x400xi32, #tpu.memory_space<vmem>>
    %dma_wait3A_577 = tpu.memref_squeeze %dma_wait3A_576 : memref<1x400xi32, #tpu.memory_space<vmem>> -> memref<400xi32, #tpu.memory_space<vmem>>
    %dma_wait3A_578 = arith.constant 0 : i32
    %dma_wait3A_579 = arith.constant 0 : i32
    %dma_wait3A_580 = tpu.memref_slice %arg5[%dma_wait3A_578, %dma_wait3A_579] : memref<6553600x64xf32, #tpu.memory_space<hbm>> -> memref<6553600x64xf32, #tpu.memory_space<hbm>>
    %dma_wait3A_581 = tpu.memref_slice %arg12[%dma_wait3A_570] : memref<4x!tpu.dma_semaphore, #tpu.memory_space<semaphore_mem>> -> memref<1x!tpu.dma_semaphore, #tpu.memory_space<semaphore_mem>>
    %dma_wait3A_582 = tpu.memref_squeeze %dma_wait3A_581 : memref<1x!tpu.dma_semaphore, #tpu.memory_space<semaphore_mem>> -> memref<!tpu.dma_semaphore, #tpu.memory_space<semaphore_mem>>
    tpu.wait_indirect_dma semaphore(%dma_wait3A_582 : memref<!tpu.dma_semaphore, #tpu.memory_space<semaphore_mem>>) src(%dma_wait3A_574 : memref<400x64xf32, #tpu.memory_space<vmem>>) dst(%dma_wait3A_580 : memref<6553600x64xf32, #tpu.memory_space<hbm>>)
    %add3A_583 = arith.constant 101200 : i32
    %add3A_584 = arith.addi %mul3A_2, %add3A_583 : i32
    %dma_start3A_585 = arith.constant 1 : i32
    %dma_start3A_586 = arith.constant 1 : i32
    %dma_start3A_587 = arith.constant 0 : i32
    %dma_start3A_588 = tpu.memref_slice %arg7[%dma_start3A_585, %dma_start3A_587] : memref<4x400xi32, #tpu.memory_space<vmem>> -> memref<1x400xi32, #tpu.memory_space<vmem>>
    %dma_start3A_589 = tpu.memref_squeeze %dma_start3A_588 : memref<1x400xi32, #tpu.memory_space<vmem>> -> memref<400xi32, #tpu.memory_space<vmem>>
    %dma_start3A_590 = tpu.memref_slice %arg3[%add3A_584] : memref<3276800xi32, #tpu.memory_space<hbm>> -> memref<400xi32, #tpu.memory_space<hbm>>
    %dma_start3A_591 = tpu.memref_slice %arg11[%dma_start3A_586] : memref<4x!tpu.dma_semaphore, #tpu.memory_space<semaphore_mem>> -> memref<1x!tpu.dma_semaphore, #tpu.memory_space<semaphore_mem>>
    %dma_start3A_592 = tpu.memref_squeeze %dma_start3A_591 : memref<1x!tpu.dma_semaphore, #tpu.memory_space<semaphore_mem>> -> memref<!tpu.dma_semaphore, #tpu.memory_space<semaphore_mem>>
    %dma_start3A_593 = arith.constant 0 : i32
    %dma_start3A_594 = tpu.memref_slice %arg7[%dma_start3A_585, %dma_start3A_593] : memref<4x400xi32, #tpu.memory_space<vmem>> -> memref<1x400xi32, #tpu.memory_space<vmem>>
    %dma_start3A_595 = tpu.memref_squeeze %dma_start3A_594 : memref<1x400xi32, #tpu.memory_space<vmem>> -> memref<400xi32, #tpu.memory_space<vmem>>
    %dma_start3A_596 = tpu.memref_slice %arg3[%add3A_584] : memref<3276800xi32, #tpu.memory_space<hbm>> -> memref<400xi32, #tpu.memory_space<hbm>>
    tpu.enqueue_dma source(%dma_start3A_596 : memref<400xi32, #tpu.memory_space<hbm>>) target(%dma_start3A_595 : memref<400xi32, #tpu.memory_space<vmem>>) target_semaphore(%dma_start3A_592 : memref<!tpu.dma_semaphore, #tpu.memory_space<semaphore_mem>>)
    %dma_start3A_597 = arith.constant 1 : i32
    %dma_start3A_598 = arith.constant 1 : i32
    %dma_start3A_599 = arith.constant 1 : i32
    %dma_start3A_600 = arith.constant 0 : i32
    %dma_start3A_601 = arith.constant 0 : i32
    %dma_start3A_602 = tpu.memref_slice %arg8[%dma_start3A_598, %dma_start3A_600, %dma_start3A_601] : memref<4x400x64xf32, #tpu.memory_space<vmem>> -> memref<1x400x64xf32, #tpu.memory_space<vmem>>
    %dma_start3A_603 = tpu.memref_squeeze %dma_start3A_602 : memref<1x400x64xf32, #tpu.memory_space<vmem>> -> memref<400x64xf32, #tpu.memory_space<vmem>>
    %dma_start3A_604 = arith.constant 0 : i32
    %dma_start3A_605 = tpu.memref_slice %arg6[%dma_start3A_597, %dma_start3A_604] : memref<4x400xi32, #tpu.memory_space<vmem>> -> memref<1x400xi32, #tpu.memory_space<vmem>>
    %dma_start3A_606 = tpu.memref_squeeze %dma_start3A_605 : memref<1x400xi32, #tpu.memory_space<vmem>> -> memref<400xi32, #tpu.memory_space<vmem>>
    %dma_start3A_607 = arith.constant 0 : i32
    %dma_start3A_608 = arith.constant 0 : i32
    %dma_start3A_609 = tpu.memref_slice %arg4[%dma_start3A_607, %dma_start3A_608] : memref<1000000x64xf32, #tpu.memory_space<hbm>> -> memref<1000000x64xf32, #tpu.memory_space<hbm>>
    %dma_start3A_610 = tpu.memref_slice %arg9[%dma_start3A_599] : memref<4x!tpu.dma_semaphore, #tpu.memory_space<semaphore_mem>> -> memref<1x!tpu.dma_semaphore, #tpu.memory_space<semaphore_mem>>
    %dma_start3A_611 = tpu.memref_squeeze %dma_start3A_610 : memref<1x!tpu.dma_semaphore, #tpu.memory_space<semaphore_mem>> -> memref<!tpu.dma_semaphore, #tpu.memory_space<semaphore_mem>>
    tpu.enqueue_indirect_dma source(%dma_start3A_609 : memref<1000000x64xf32, #tpu.memory_space<hbm>>) target(%dma_start3A_603 : memref<400x64xf32, #tpu.memory_space<vmem>>) offsets(%dma_start3A_606 : memref<400xi32, #tpu.memory_space<vmem>>) semaphore(%dma_start3A_611 : memref<!tpu.dma_semaphore, #tpu.memory_space<semaphore_mem>>)
    %dma_wait3A_612 = arith.constant 1 : i32
    %dma_wait3A_613 = arith.constant 1 : i32
    %dma_wait3A_614 = arith.constant 1 : i32
    %dma_wait3A_615 = arith.constant 0 : i32
    %dma_wait3A_616 = arith.constant 0 : i32
    %dma_wait3A_617 = tpu.memref_slice %arg8[%dma_wait3A_613, %dma_wait3A_615, %dma_wait3A_616] : memref<4x400x64xf32, #tpu.memory_space<vmem>> -> memref<1x400x64xf32, #tpu.memory_space<vmem>>
    %dma_wait3A_618 = tpu.memref_squeeze %dma_wait3A_617 : memref<1x400x64xf32, #tpu.memory_space<vmem>> -> memref<400x64xf32, #tpu.memory_space<vmem>>
    %dma_wait3A_619 = arith.constant 0 : i32
    %dma_wait3A_620 = tpu.memref_slice %arg6[%dma_wait3A_612, %dma_wait3A_619] : memref<4x400xi32, #tpu.memory_space<vmem>> -> memref<1x400xi32, #tpu.memory_space<vmem>>
    %dma_wait3A_621 = tpu.memref_squeeze %dma_wait3A_620 : memref<1x400xi32, #tpu.memory_space<vmem>> -> memref<400xi32, #tpu.memory_space<vmem>>
    %dma_wait3A_622 = arith.constant 0 : i32
    %dma_wait3A_623 = arith.constant 0 : i32
    %dma_wait3A_624 = tpu.memref_slice %arg4[%dma_wait3A_622, %dma_wait3A_623] : memref<1000000x64xf32, #tpu.memory_space<hbm>> -> memref<1000000x64xf32, #tpu.memory_space<hbm>>
    %dma_wait3A_625 = tpu.memref_slice %arg9[%dma_wait3A_614] : memref<4x!tpu.dma_semaphore, #tpu.memory_space<semaphore_mem>> -> memref<1x!tpu.dma_semaphore, #tpu.memory_space<semaphore_mem>>
    %dma_wait3A_626 = tpu.memref_squeeze %dma_wait3A_625 : memref<1x!tpu.dma_semaphore, #tpu.memory_space<semaphore_mem>> -> memref<!tpu.dma_semaphore, #tpu.memory_space<semaphore_mem>>
    tpu.wait_indirect_dma semaphore(%dma_wait3A_626 : memref<!tpu.dma_semaphore, #tpu.memory_space<semaphore_mem>>) src(%dma_wait3A_624 : memref<1000000x64xf32, #tpu.memory_space<hbm>>) dst(%dma_wait3A_618 : memref<400x64xf32, #tpu.memory_space<vmem>>)
    %add3A_627 = arith.constant 101200 : i32
    %add3A_628 = arith.addi %mul3A_2, %add3A_627 : i32
    %dma_wait3A_629 = arith.constant 1 : i32
    %dma_wait3A_630 = arith.constant 1 : i32
    %dma_wait3A_631 = arith.constant 0 : i32
    %dma_wait3A_632 = tpu.memref_slice %arg7[%dma_wait3A_629, %dma_wait3A_631] : memref<4x400xi32, #tpu.memory_space<vmem>> -> memref<1x400xi32, #tpu.memory_space<vmem>>
    %dma_wait3A_633 = tpu.memref_squeeze %dma_wait3A_632 : memref<1x400xi32, #tpu.memory_space<vmem>> -> memref<400xi32, #tpu.memory_space<vmem>>
    %dma_wait3A_634 = tpu.memref_slice %arg3[%add3A_628] : memref<3276800xi32, #tpu.memory_space<hbm>> -> memref<400xi32, #tpu.memory_space<hbm>>
    %dma_wait3A_635 = tpu.memref_slice %arg11[%dma_wait3A_630] : memref<4x!tpu.dma_semaphore, #tpu.memory_space<semaphore_mem>> -> memref<1x!tpu.dma_semaphore, #tpu.memory_space<semaphore_mem>>
    %dma_wait3A_636 = tpu.memref_squeeze %dma_wait3A_635 : memref<1x!tpu.dma_semaphore, #tpu.memory_space<semaphore_mem>> -> memref<!tpu.dma_semaphore, #tpu.memory_space<semaphore_mem>>
    %dma_wait3A_637 = arith.constant 0 : i32
    %dma_wait3A_638 = tpu.memref_slice %arg7[%dma_wait3A_629, %dma_wait3A_637] : memref<4x400xi32, #tpu.memory_space<vmem>> -> memref<1x400xi32, #tpu.memory_space<vmem>>
    %dma_wait3A_639 = tpu.memref_squeeze %dma_wait3A_638 : memref<1x400xi32, #tpu.memory_space<vmem>> -> memref<400xi32, #tpu.memory_space<vmem>>
    %dma_wait3A_640 = tpu.memref_slice %arg3[%add3A_628] : memref<3276800xi32, #tpu.memory_space<hbm>> -> memref<400xi32, #tpu.memory_space<hbm>>
    tpu.wait_dma2 semaphore(%dma_wait3A_636 : memref<!tpu.dma_semaphore, #tpu.memory_space<semaphore_mem>>) src(%dma_wait3A_640 : memref<400xi32, #tpu.memory_space<hbm>>) dst(%dma_wait3A_639 : memref<400xi32, #tpu.memory_space<vmem>>)
    %dma_start3A_641 = arith.constant 1 : i32
    %dma_start3A_642 = arith.constant 1 : i32
    %dma_start3A_643 = arith.constant 1 : i32
    %dma_start3A_644 = arith.constant 0 : i32
    %dma_start3A_645 = arith.constant 0 : i32
    %dma_start3A_646 = tpu.memref_slice %arg8[%dma_start3A_641, %dma_start3A_644, %dma_start3A_645] : memref<4x400x64xf32, #tpu.memory_space<vmem>> -> memref<1x400x64xf32, #tpu.memory_space<vmem>>
    %dma_start3A_647 = tpu.memref_squeeze %dma_start3A_646 : memref<1x400x64xf32, #tpu.memory_space<vmem>> -> memref<400x64xf32, #tpu.memory_space<vmem>>
    %dma_start3A_648 = arith.constant 0 : i32
    %dma_start3A_649 = tpu.memref_slice %arg7[%dma_start3A_642, %dma_start3A_648] : memref<4x400xi32, #tpu.memory_space<vmem>> -> memref<1x400xi32, #tpu.memory_space<vmem>>
    %dma_start3A_650 = tpu.memref_squeeze %dma_start3A_649 : memref<1x400xi32, #tpu.memory_space<vmem>> -> memref<400xi32, #tpu.memory_space<vmem>>
    %dma_start3A_651 = arith.constant 0 : i32
    %dma_start3A_652 = arith.constant 0 : i32
    %dma_start3A_653 = tpu.memref_slice %arg5[%dma_start3A_651, %dma_start3A_652] : memref<6553600x64xf32, #tpu.memory_space<hbm>> -> memref<6553600x64xf32, #tpu.memory_space<hbm>>
    %dma_start3A_654 = tpu.memref_slice %arg12[%dma_start3A_643] : memref<4x!tpu.dma_semaphore, #tpu.memory_space<semaphore_mem>> -> memref<1x!tpu.dma_semaphore, #tpu.memory_space<semaphore_mem>>
    %dma_start3A_655 = tpu.memref_squeeze %dma_start3A_654 : memref<1x!tpu.dma_semaphore, #tpu.memory_space<semaphore_mem>> -> memref<!tpu.dma_semaphore, #tpu.memory_space<semaphore_mem>>
    tpu.enqueue_indirect_dma source(%dma_start3A_647 : memref<400x64xf32, #tpu.memory_space<vmem>>) target(%dma_start3A_653 : memref<6553600x64xf32, #tpu.memory_space<hbm>>) offsets(%dma_start3A_650 : memref<400xi32, #tpu.memory_space<vmem>>) semaphore(%dma_start3A_655 : memref<!tpu.dma_semaphore, #tpu.memory_space<semaphore_mem>>)
    %add3A_656 = arith.constant 102000 : i32
    %add3A_657 = arith.addi %mul3A_2, %add3A_656 : i32
    %dma_start3A_658 = arith.constant 3 : i32
    %dma_start3A_659 = arith.constant 3 : i32
    %dma_start3A_660 = arith.constant 0 : i32
    %dma_start3A_661 = tpu.memref_slice %arg6[%dma_start3A_658, %dma_start3A_660] : memref<4x400xi32, #tpu.memory_space<vmem>> -> memref<1x400xi32, #tpu.memory_space<vmem>>
    %dma_start3A_662 = tpu.memref_squeeze %dma_start3A_661 : memref<1x400xi32, #tpu.memory_space<vmem>> -> memref<400xi32, #tpu.memory_space<vmem>>
    %dma_start3A_663 = tpu.memref_slice %arg2[%add3A_657] : memref<3276800xi32, #tpu.memory_space<hbm>> -> memref<400xi32, #tpu.memory_space<hbm>>
    %dma_start3A_664 = tpu.memref_slice %arg10[%dma_start3A_659] : memref<4x!tpu.dma_semaphore, #tpu.memory_space<semaphore_mem>> -> memref<1x!tpu.dma_semaphore, #tpu.memory_space<semaphore_mem>>
    %dma_start3A_665 = tpu.memref_squeeze %dma_start3A_664 : memref<1x!tpu.dma_semaphore, #tpu.memory_space<semaphore_mem>> -> memref<!tpu.dma_semaphore, #tpu.memory_space<semaphore_mem>>
    %dma_start3A_666 = arith.constant 0 : i32
    %dma_start3A_667 = tpu.memref_slice %arg6[%dma_start3A_658, %dma_start3A_666] : memref<4x400xi32, #tpu.memory_space<vmem>> -> memref<1x400xi32, #tpu.memory_space<vmem>>
    %dma_start3A_668 = tpu.memref_squeeze %dma_start3A_667 : memref<1x400xi32, #tpu.memory_space<vmem>> -> memref<400xi32, #tpu.memory_space<vmem>>
    %dma_start3A_669 = tpu.memref_slice %arg2[%add3A_657] : memref<3276800xi32, #tpu.memory_space<hbm>> -> memref<400xi32, #tpu.memory_space<hbm>>
    tpu.enqueue_dma source(%dma_start3A_669 : memref<400xi32, #tpu.memory_space<hbm>>) target(%dma_start3A_668 : memref<400xi32, #tpu.memory_space<vmem>>) target_semaphore(%dma_start3A_665 : memref<!tpu.dma_semaphore, #tpu.memory_space<semaphore_mem>>)
    %add3A_670 = arith.constant 101600 : i32
    %add3A_671 = arith.addi %mul3A_2, %add3A_670 : i32
    %dma_wait3A_672 = arith.constant 2 : i32
    %dma_wait3A_673 = arith.constant 2 : i32
    %dma_wait3A_674 = arith.constant 0 : i32
    %dma_wait3A_675 = tpu.memref_slice %arg6[%dma_wait3A_672, %dma_wait3A_674] : memref<4x400xi32, #tpu.memory_space<vmem>> -> memref<1x400xi32, #tpu.memory_space<vmem>>
    %dma_wait3A_676 = tpu.memref_squeeze %dma_wait3A_675 : memref<1x400xi32, #tpu.memory_space<vmem>> -> memref<400xi32, #tpu.memory_space<vmem>>
    %dma_wait3A_677 = tpu.memref_slice %arg2[%add3A_671] : memref<3276800xi32, #tpu.memory_space<hbm>> -> memref<400xi32, #tpu.memory_space<hbm>>
    %dma_wait3A_678 = tpu.memref_slice %arg10[%dma_wait3A_673] : memref<4x!tpu.dma_semaphore, #tpu.memory_space<semaphore_mem>> -> memref<1x!tpu.dma_semaphore, #tpu.memory_space<semaphore_mem>>
    %dma_wait3A_679 = tpu.memref_squeeze %dma_wait3A_678 : memref<1x!tpu.dma_semaphore, #tpu.memory_space<semaphore_mem>> -> memref<!tpu.dma_semaphore, #tpu.memory_space<semaphore_mem>>
    %dma_wait3A_680 = arith.constant 0 : i32
    %dma_wait3A_681 = tpu.memref_slice %arg6[%dma_wait3A_672, %dma_wait3A_680] : memref<4x400xi32, #tpu.memory_space<vmem>> -> memref<1x400xi32, #tpu.memory_space<vmem>>
    %dma_wait3A_682 = tpu.memref_squeeze %dma_wait3A_681 : memref<1x400xi32, #tpu.memory_space<vmem>> -> memref<400xi32, #tpu.memory_space<vmem>>
    %dma_wait3A_683 = tpu.memref_slice %arg2[%add3A_671] : memref<3276800xi32, #tpu.memory_space<hbm>> -> memref<400xi32, #tpu.memory_space<hbm>>
    tpu.wait_dma2 semaphore(%dma_wait3A_679 : memref<!tpu.dma_semaphore, #tpu.memory_space<semaphore_mem>>) src(%dma_wait3A_683 : memref<400xi32, #tpu.memory_space<hbm>>) dst(%dma_wait3A_682 : memref<400xi32, #tpu.memory_space<vmem>>)
    %dma_wait3A_684 = arith.constant 2 : i32
    %dma_wait3A_685 = arith.constant 2 : i32
    %dma_wait3A_686 = arith.constant 2 : i32
    %dma_wait3A_687 = arith.constant 0 : i32
    %dma_wait3A_688 = arith.constant 0 : i32
    %dma_wait3A_689 = tpu.memref_slice %arg8[%dma_wait3A_684, %dma_wait3A_687, %dma_wait3A_688] : memref<4x400x64xf32, #tpu.memory_space<vmem>> -> memref<1x400x64xf32, #tpu.memory_space<vmem>>
    %dma_wait3A_690 = tpu.memref_squeeze %dma_wait3A_689 : memref<1x400x64xf32, #tpu.memory_space<vmem>> -> memref<400x64xf32, #tpu.memory_space<vmem>>
    %dma_wait3A_691 = arith.constant 0 : i32
    %dma_wait3A_692 = tpu.memref_slice %arg7[%dma_wait3A_685, %dma_wait3A_691] : memref<4x400xi32, #tpu.memory_space<vmem>> -> memref<1x400xi32, #tpu.memory_space<vmem>>
    %dma_wait3A_693 = tpu.memref_squeeze %dma_wait3A_692 : memref<1x400xi32, #tpu.memory_space<vmem>> -> memref<400xi32, #tpu.memory_space<vmem>>
    %dma_wait3A_694 = arith.constant 0 : i32
    %dma_wait3A_695 = arith.constant 0 : i32
    %dma_wait3A_696 = tpu.memref_slice %arg5[%dma_wait3A_694, %dma_wait3A_695] : memref<6553600x64xf32, #tpu.memory_space<hbm>> -> memref<6553600x64xf32, #tpu.memory_space<hbm>>
    %dma_wait3A_697 = tpu.memref_slice %arg12[%dma_wait3A_686] : memref<4x!tpu.dma_semaphore, #tpu.memory_space<semaphore_mem>> -> memref<1x!tpu.dma_semaphore, #tpu.memory_space<semaphore_mem>>
    %dma_wait3A_698 = tpu.memref_squeeze %dma_wait3A_697 : memref<1x!tpu.dma_semaphore, #tpu.memory_space<semaphore_mem>> -> memref<!tpu.dma_semaphore, #tpu.memory_space<semaphore_mem>>
    tpu.wait_indirect_dma semaphore(%dma_wait3A_698 : memref<!tpu.dma_semaphore, #tpu.memory_space<semaphore_mem>>) src(%dma_wait3A_690 : memref<400x64xf32, #tpu.memory_space<vmem>>) dst(%dma_wait3A_696 : memref<6553600x64xf32, #tpu.memory_space<hbm>>)
    %add3A_699 = arith.constant 101600 : i32
    %add3A_700 = arith.addi %mul3A_2, %add3A_699 : i32
    %dma_start3A_701 = arith.constant 2 : i32
    %dma_start3A_702 = arith.constant 2 : i32
    %dma_start3A_703 = arith.constant 0 : i32
    %dma_start3A_704 = tpu.memref_slice %arg7[%dma_start3A_701, %dma_start3A_703] : memref<4x400xi32, #tpu.memory_space<vmem>> -> memref<1x400xi32, #tpu.memory_space<vmem>>
    %dma_start3A_705 = tpu.memref_squeeze %dma_start3A_704 : memref<1x400xi32, #tpu.memory_space<vmem>> -> memref<400xi32, #tpu.memory_space<vmem>>
    %dma_start3A_706 = tpu.memref_slice %arg3[%add3A_700] : memref<3276800xi32, #tpu.memory_space<hbm>> -> memref<400xi32, #tpu.memory_space<hbm>>
    %dma_start3A_707 = tpu.memref_slice %arg11[%dma_start3A_702] : memref<4x!tpu.dma_semaphore, #tpu.memory_space<semaphore_mem>> -> memref<1x!tpu.dma_semaphore, #tpu.memory_space<semaphore_mem>>
    %dma_start3A_708 = tpu.memref_squeeze %dma_start3A_707 : memref<1x!tpu.dma_semaphore, #tpu.memory_space<semaphore_mem>> -> memref<!tpu.dma_semaphore, #tpu.memory_space<semaphore_mem>>
    %dma_start3A_709 = arith.constant 0 : i32
    %dma_start3A_710 = tpu.memref_slice %arg7[%dma_start3A_701, %dma_start3A_709] : memref<4x400xi32, #tpu.memory_space<vmem>> -> memref<1x400xi32, #tpu.memory_space<vmem>>
    %dma_start3A_711 = tpu.memref_squeeze %dma_start3A_710 : memref<1x400xi32, #tpu.memory_space<vmem>> -> memref<400xi32, #tpu.memory_space<vmem>>
    %dma_start3A_712 = tpu.memref_slice %arg3[%add3A_700] : memref<3276800xi32, #tpu.memory_space<hbm>> -> memref<400xi32, #tpu.memory_space<hbm>>
    tpu.enqueue_dma source(%dma_start3A_712 : memref<400xi32, #tpu.memory_space<hbm>>) target(%dma_start3A_711 : memref<400xi32, #tpu.memory_space<vmem>>) target_semaphore(%dma_start3A_708 : memref<!tpu.dma_semaphore, #tpu.memory_space<semaphore_mem>>)
    %dma_start3A_713 = arith.constant 2 : i32
    %dma_start3A_714 = arith.constant 2 : i32
    %dma_start3A_715 = arith.constant 2 : i32
    %dma_start3A_716 = arith.constant 0 : i32
    %dma_start3A_717 = arith.constant 0 : i32
    %dma_start3A_718 = tpu.memref_slice %arg8[%dma_start3A_714, %dma_start3A_716, %dma_start3A_717] : memref<4x400x64xf32, #tpu.memory_space<vmem>> -> memref<1x400x64xf32, #tpu.memory_space<vmem>>
    %dma_start3A_719 = tpu.memref_squeeze %dma_start3A_718 : memref<1x400x64xf32, #tpu.memory_space<vmem>> -> memref<400x64xf32, #tpu.memory_space<vmem>>
    %dma_start3A_720 = arith.constant 0 : i32
    %dma_start3A_721 = tpu.memref_slice %arg6[%dma_start3A_713, %dma_start3A_720] : memref<4x400xi32, #tpu.memory_space<vmem>> -> memref<1x400xi32, #tpu.memory_space<vmem>>
    %dma_start3A_722 = tpu.memref_squeeze %dma_start3A_721 : memref<1x400xi32, #tpu.memory_space<vmem>> -> memref<400xi32, #tpu.memory_space<vmem>>
    %dma_start3A_723 = arith.constant 0 : i32
    %dma_start3A_724 = arith.constant 0 : i32
    %dma_start3A_725 = tpu.memref_slice %arg4[%dma_start3A_723, %dma_start3A_724] : memref<1000000x64xf32, #tpu.memory_space<hbm>> -> memref<1000000x64xf32, #tpu.memory_space<hbm>>
    %dma_start3A_726 = tpu.memref_slice %arg9[%dma_start3A_715] : memref<4x!tpu.dma_semaphore, #tpu.memory_space<semaphore_mem>> -> memref<1x!tpu.dma_semaphore, #tpu.memory_space<semaphore_mem>>
    %dma_start3A_727 = tpu.memref_squeeze %dma_start3A_726 : memref<1x!tpu.dma_semaphore, #tpu.memory_space<semaphore_mem>> -> memref<!tpu.dma_semaphore, #tpu.memory_space<semaphore_mem>>
    tpu.enqueue_indirect_dma source(%dma_start3A_725 : memref<1000000x64xf32, #tpu.memory_space<hbm>>) target(%dma_start3A_719 : memref<400x64xf32, #tpu.memory_space<vmem>>) offsets(%dma_start3A_722 : memref<400xi32, #tpu.memory_space<vmem>>) semaphore(%dma_start3A_727 : memref<!tpu.dma_semaphore, #tpu.memory_space<semaphore_mem>>)
    %dma_wait3A_728 = arith.constant 2 : i32
    %dma_wait3A_729 = arith.constant 2 : i32
    %dma_wait3A_730 = arith.constant 2 : i32
    %dma_wait3A_731 = arith.constant 0 : i32
    %dma_wait3A_732 = arith.constant 0 : i32
    %dma_wait3A_733 = tpu.memref_slice %arg8[%dma_wait3A_729, %dma_wait3A_731, %dma_wait3A_732] : memref<4x400x64xf32, #tpu.memory_space<vmem>> -> memref<1x400x64xf32, #tpu.memory_space<vmem>>
    %dma_wait3A_734 = tpu.memref_squeeze %dma_wait3A_733 : memref<1x400x64xf32, #tpu.memory_space<vmem>> -> memref<400x64xf32, #tpu.memory_space<vmem>>
    %dma_wait3A_735 = arith.constant 0 : i32
    %dma_wait3A_736 = tpu.memref_slice %arg6[%dma_wait3A_728, %dma_wait3A_735] : memref<4x400xi32, #tpu.memory_space<vmem>> -> memref<1x400xi32, #tpu.memory_space<vmem>>
    %dma_wait3A_737 = tpu.memref_squeeze %dma_wait3A_736 : memref<1x400xi32, #tpu.memory_space<vmem>> -> memref<400xi32, #tpu.memory_space<vmem>>
    %dma_wait3A_738 = arith.constant 0 : i32
    %dma_wait3A_739 = arith.constant 0 : i32
    %dma_wait3A_740 = tpu.memref_slice %arg4[%dma_wait3A_738, %dma_wait3A_739] : memref<1000000x64xf32, #tpu.memory_space<hbm>> -> memref<1000000x64xf32, #tpu.memory_space<hbm>>
    %dma_wait3A_741 = tpu.memref_slice %arg9[%dma_wait3A_730] : memref<4x!tpu.dma_semaphore, #tpu.memory_space<semaphore_mem>> -> memref<1x!tpu.dma_semaphore, #tpu.memory_space<semaphore_mem>>
    %dma_wait3A_742 = tpu.memref_squeeze %dma_wait3A_741 : memref<1x!tpu.dma_semaphore, #tpu.memory_space<semaphore_mem>> -> memref<!tpu.dma_semaphore, #tpu.memory_space<semaphore_mem>>
    tpu.wait_indirect_dma semaphore(%dma_wait3A_742 : memref<!tpu.dma_semaphore, #tpu.memory_space<semaphore_mem>>) src(%dma_wait3A_740 : memref<1000000x64xf32, #tpu.memory_space<hbm>>) dst(%dma_wait3A_734 : memref<400x64xf32, #tpu.memory_space<vmem>>)
    %add3A_743 = arith.constant 101600 : i32
    %add3A_744 = arith.addi %mul3A_2, %add3A_743 : i32
    %dma_wait3A_745 = arith.constant 2 : i32
    %dma_wait3A_746 = arith.constant 2 : i32
    %dma_wait3A_747 = arith.constant 0 : i32
    %dma_wait3A_748 = tpu.memref_slice %arg7[%dma_wait3A_745, %dma_wait3A_747] : memref<4x400xi32, #tpu.memory_space<vmem>> -> memref<1x400xi32, #tpu.memory_space<vmem>>
    %dma_wait3A_749 = tpu.memref_squeeze %dma_wait3A_748 : memref<1x400xi32, #tpu.memory_space<vmem>> -> memref<400xi32, #tpu.memory_space<vmem>>
    %dma_wait3A_750 = tpu.memref_slice %arg3[%add3A_744] : memref<3276800xi32, #tpu.memory_space<hbm>> -> memref<400xi32, #tpu.memory_space<hbm>>
    %dma_wait3A_751 = tpu.memref_slice %arg11[%dma_wait3A_746] : memref<4x!tpu.dma_semaphore, #tpu.memory_space<semaphore_mem>> -> memref<1x!tpu.dma_semaphore, #tpu.memory_space<semaphore_mem>>
    %dma_wait3A_752 = tpu.memref_squeeze %dma_wait3A_751 : memref<1x!tpu.dma_semaphore, #tpu.memory_space<semaphore_mem>> -> memref<!tpu.dma_semaphore, #tpu.memory_space<semaphore_mem>>
    %dma_wait3A_753 = arith.constant 0 : i32
    %dma_wait3A_754 = tpu.memref_slice %arg7[%dma_wait3A_745, %dma_wait3A_753] : memref<4x400xi32, #tpu.memory_space<vmem>> -> memref<1x400xi32, #tpu.memory_space<vmem>>
    %dma_wait3A_755 = tpu.memref_squeeze %dma_wait3A_754 : memref<1x400xi32, #tpu.memory_space<vmem>> -> memref<400xi32, #tpu.memory_space<vmem>>
    %dma_wait3A_756 = tpu.memref_slice %arg3[%add3A_744] : memref<3276800xi32, #tpu.memory_space<hbm>> -> memref<400xi32, #tpu.memory_space<hbm>>
    tpu.wait_dma2 semaphore(%dma_wait3A_752 : memref<!tpu.dma_semaphore, #tpu.memory_space<semaphore_mem>>) src(%dma_wait3A_756 : memref<400xi32, #tpu.memory_space<hbm>>) dst(%dma_wait3A_755 : memref<400xi32, #tpu.memory_space<vmem>>)
    %dma_start3A_757 = arith.constant 2 : i32
    %dma_start3A_758 = arith.constant 2 : i32
    %dma_start3A_759 = arith.constant 2 : i32
    %dma_start3A_760 = arith.constant 0 : i32
    %dma_start3A_761 = arith.constant 0 : i32
    %dma_start3A_762 = tpu.memref_slice %arg8[%dma_start3A_757, %dma_start3A_760, %dma_start3A_761] : memref<4x400x64xf32, #tpu.memory_space<vmem>> -> memref<1x400x64xf32, #tpu.memory_space<vmem>>
    %dma_start3A_763 = tpu.memref_squeeze %dma_start3A_762 : memref<1x400x64xf32, #tpu.memory_space<vmem>> -> memref<400x64xf32, #tpu.memory_space<vmem>>
    %dma_start3A_764 = arith.constant 0 : i32
    %dma_start3A_765 = tpu.memref_slice %arg7[%dma_start3A_758, %dma_start3A_764] : memref<4x400xi32, #tpu.memory_space<vmem>> -> memref<1x400xi32, #tpu.memory_space<vmem>>
    %dma_start3A_766 = tpu.memref_squeeze %dma_start3A_765 : memref<1x400xi32, #tpu.memory_space<vmem>> -> memref<400xi32, #tpu.memory_space<vmem>>
    %dma_start3A_767 = arith.constant 0 : i32
    %dma_start3A_768 = arith.constant 0 : i32
    %dma_start3A_769 = tpu.memref_slice %arg5[%dma_start3A_767, %dma_start3A_768] : memref<6553600x64xf32, #tpu.memory_space<hbm>> -> memref<6553600x64xf32, #tpu.memory_space<hbm>>
    %dma_start3A_770 = tpu.memref_slice %arg12[%dma_start3A_759] : memref<4x!tpu.dma_semaphore, #tpu.memory_space<semaphore_mem>> -> memref<1x!tpu.dma_semaphore, #tpu.memory_space<semaphore_mem>>
    %dma_start3A_771 = tpu.memref_squeeze %dma_start3A_770 : memref<1x!tpu.dma_semaphore, #tpu.memory_space<semaphore_mem>> -> memref<!tpu.dma_semaphore, #tpu.memory_space<semaphore_mem>>
    tpu.enqueue_indirect_dma source(%dma_start3A_763 : memref<400x64xf32, #tpu.memory_space<vmem>>) target(%dma_start3A_769 : memref<6553600x64xf32, #tpu.memory_space<hbm>>) offsets(%dma_start3A_766 : memref<400xi32, #tpu.memory_space<vmem>>) semaphore(%dma_start3A_771 : memref<!tpu.dma_semaphore, #tpu.memory_space<semaphore_mem>>)
    %add3A_772 = arith.constant 102000 : i32
    %add3A_773 = arith.addi %mul3A_2, %add3A_772 : i32
    %dma_wait3A_774 = arith.constant 3 : i32
    %dma_wait3A_775 = arith.constant 3 : i32
    %dma_wait3A_776 = arith.constant 0 : i32
    %dma_wait3A_777 = tpu.memref_slice %arg6[%dma_wait3A_774, %dma_wait3A_776] : memref<4x400xi32, #tpu.memory_space<vmem>> -> memref<1x400xi32, #tpu.memory_space<vmem>>
    %dma_wait3A_778 = tpu.memref_squeeze %dma_wait3A_777 : memref<1x400xi32, #tpu.memory_space<vmem>> -> memref<400xi32, #tpu.memory_space<vmem>>
    %dma_wait3A_779 = tpu.memref_slice %arg2[%add3A_773] : memref<3276800xi32, #tpu.memory_space<hbm>> -> memref<400xi32, #tpu.memory_space<hbm>>
    %dma_wait3A_780 = tpu.memref_slice %arg10[%dma_wait3A_775] : memref<4x!tpu.dma_semaphore, #tpu.memory_space<semaphore_mem>> -> memref<1x!tpu.dma_semaphore, #tpu.memory_space<semaphore_mem>>
    %dma_wait3A_781 = tpu.memref_squeeze %dma_wait3A_780 : memref<1x!tpu.dma_semaphore, #tpu.memory_space<semaphore_mem>> -> memref<!tpu.dma_semaphore, #tpu.memory_space<semaphore_mem>>
    %dma_wait3A_782 = arith.constant 0 : i32
    %dma_wait3A_783 = tpu.memref_slice %arg6[%dma_wait3A_774, %dma_wait3A_782] : memref<4x400xi32, #tpu.memory_space<vmem>> -> memref<1x400xi32, #tpu.memory_space<vmem>>
    %dma_wait3A_784 = tpu.memref_squeeze %dma_wait3A_783 : memref<1x400xi32, #tpu.memory_space<vmem>> -> memref<400xi32, #tpu.memory_space<vmem>>
    %dma_wait3A_785 = tpu.memref_slice %arg2[%add3A_773] : memref<3276800xi32, #tpu.memory_space<hbm>> -> memref<400xi32, #tpu.memory_space<hbm>>
    tpu.wait_dma2 semaphore(%dma_wait3A_781 : memref<!tpu.dma_semaphore, #tpu.memory_space<semaphore_mem>>) src(%dma_wait3A_785 : memref<400xi32, #tpu.memory_space<hbm>>) dst(%dma_wait3A_784 : memref<400xi32, #tpu.memory_space<vmem>>)
    %dma_wait3A_786 = arith.constant 3 : i32
    %dma_wait3A_787 = arith.constant 3 : i32
    %dma_wait3A_788 = arith.constant 3 : i32
    %dma_wait3A_789 = arith.constant 0 : i32
    %dma_wait3A_790 = arith.constant 0 : i32
    %dma_wait3A_791 = tpu.memref_slice %arg8[%dma_wait3A_786, %dma_wait3A_789, %dma_wait3A_790] : memref<4x400x64xf32, #tpu.memory_space<vmem>> -> memref<1x400x64xf32, #tpu.memory_space<vmem>>
    %dma_wait3A_792 = tpu.memref_squeeze %dma_wait3A_791 : memref<1x400x64xf32, #tpu.memory_space<vmem>> -> memref<400x64xf32, #tpu.memory_space<vmem>>
    %dma_wait3A_793 = arith.constant 0 : i32
    %dma_wait3A_794 = tpu.memref_slice %arg7[%dma_wait3A_787, %dma_wait3A_793] : memref<4x400xi32, #tpu.memory_space<vmem>> -> memref<1x400xi32, #tpu.memory_space<vmem>>
    %dma_wait3A_795 = tpu.memref_squeeze %dma_wait3A_794 : memref<1x400xi32, #tpu.memory_space<vmem>> -> memref<400xi32, #tpu.memory_space<vmem>>
    %dma_wait3A_796 = arith.constant 0 : i32
    %dma_wait3A_797 = arith.constant 0 : i32
    %dma_wait3A_798 = tpu.memref_slice %arg5[%dma_wait3A_796, %dma_wait3A_797] : memref<6553600x64xf32, #tpu.memory_space<hbm>> -> memref<6553600x64xf32, #tpu.memory_space<hbm>>
    %dma_wait3A_799 = tpu.memref_slice %arg12[%dma_wait3A_788] : memref<4x!tpu.dma_semaphore, #tpu.memory_space<semaphore_mem>> -> memref<1x!tpu.dma_semaphore, #tpu.memory_space<semaphore_mem>>
    %dma_wait3A_800 = tpu.memref_squeeze %dma_wait3A_799 : memref<1x!tpu.dma_semaphore, #tpu.memory_space<semaphore_mem>> -> memref<!tpu.dma_semaphore, #tpu.memory_space<semaphore_mem>>
    tpu.wait_indirect_dma semaphore(%dma_wait3A_800 : memref<!tpu.dma_semaphore, #tpu.memory_space<semaphore_mem>>) src(%dma_wait3A_792 : memref<400x64xf32, #tpu.memory_space<vmem>>) dst(%dma_wait3A_798 : memref<6553600x64xf32, #tpu.memory_space<hbm>>)
    %add3A_801 = arith.constant 102000 : i32
    %add3A_802 = arith.addi %mul3A_2, %add3A_801 : i32
    %dma_start3A_803 = arith.constant 3 : i32
    %dma_start3A_804 = arith.constant 3 : i32
    %dma_start3A_805 = arith.constant 0 : i32
    %dma_start3A_806 = tpu.memref_slice %arg7[%dma_start3A_803, %dma_start3A_805] : memref<4x400xi32, #tpu.memory_space<vmem>> -> memref<1x400xi32, #tpu.memory_space<vmem>>
    %dma_start3A_807 = tpu.memref_squeeze %dma_start3A_806 : memref<1x400xi32, #tpu.memory_space<vmem>> -> memref<400xi32, #tpu.memory_space<vmem>>
    %dma_start3A_808 = tpu.memref_slice %arg3[%add3A_802] : memref<3276800xi32, #tpu.memory_space<hbm>> -> memref<400xi32, #tpu.memory_space<hbm>>
    %dma_start3A_809 = tpu.memref_slice %arg11[%dma_start3A_804] : memref<4x!tpu.dma_semaphore, #tpu.memory_space<semaphore_mem>> -> memref<1x!tpu.dma_semaphore, #tpu.memory_space<semaphore_mem>>
    %dma_start3A_810 = tpu.memref_squeeze %dma_start3A_809 : memref<1x!tpu.dma_semaphore, #tpu.memory_space<semaphore_mem>> -> memref<!tpu.dma_semaphore, #tpu.memory_space<semaphore_mem>>
    %dma_start3A_811 = arith.constant 0 : i32
    %dma_start3A_812 = tpu.memref_slice %arg7[%dma_start3A_803, %dma_start3A_811] : memref<4x400xi32, #tpu.memory_space<vmem>> -> memref<1x400xi32, #tpu.memory_space<vmem>>
    %dma_start3A_813 = tpu.memref_squeeze %dma_start3A_812 : memref<1x400xi32, #tpu.memory_space<vmem>> -> memref<400xi32, #tpu.memory_space<vmem>>
    %dma_start3A_814 = tpu.memref_slice %arg3[%add3A_802] : memref<3276800xi32, #tpu.memory_space<hbm>> -> memref<400xi32, #tpu.memory_space<hbm>>
    tpu.enqueue_dma source(%dma_start3A_814 : memref<400xi32, #tpu.memory_space<hbm>>) target(%dma_start3A_813 : memref<400xi32, #tpu.memory_space<vmem>>) target_semaphore(%dma_start3A_810 : memref<!tpu.dma_semaphore, #tpu.memory_space<semaphore_mem>>)
    %dma_start3A_815 = arith.constant 3 : i32
    %dma_start3A_816 = arith.constant 3 : i32
    %dma_start3A_817 = arith.constant 3 : i32
    %dma_start3A_818 = arith.constant 0 : i32
    %dma_start3A_819 = arith.constant 0 : i32
    %dma_start3A_820 = tpu.memref_slice %arg8[%dma_start3A_816, %dma_start3A_818, %dma_start3A_819] : memref<4x400x64xf32, #tpu.memory_space<vmem>> -> memref<1x400x64xf32, #tpu.memory_space<vmem>>
    %dma_start3A_821 = tpu.memref_squeeze %dma_start3A_820 : memref<1x400x64xf32, #tpu.memory_space<vmem>> -> memref<400x64xf32, #tpu.memory_space<vmem>>
    %dma_start3A_822 = arith.constant 0 : i32
    %dma_start3A_823 = tpu.memref_slice %arg6[%dma_start3A_815, %dma_start3A_822] : memref<4x400xi32, #tpu.memory_space<vmem>> -> memref<1x400xi32, #tpu.memory_space<vmem>>
    %dma_start3A_824 = tpu.memref_squeeze %dma_start3A_823 : memref<1x400xi32, #tpu.memory_space<vmem>> -> memref<400xi32, #tpu.memory_space<vmem>>
    %dma_start3A_825 = arith.constant 0 : i32
    %dma_start3A_826 = arith.constant 0 : i32
    %dma_start3A_827 = tpu.memref_slice %arg4[%dma_start3A_825, %dma_start3A_826] : memref<1000000x64xf32, #tpu.memory_space<hbm>> -> memref<1000000x64xf32, #tpu.memory_space<hbm>>
    %dma_start3A_828 = tpu.memref_slice %arg9[%dma_start3A_817] : memref<4x!tpu.dma_semaphore, #tpu.memory_space<semaphore_mem>> -> memref<1x!tpu.dma_semaphore, #tpu.memory_space<semaphore_mem>>
    %dma_start3A_829 = tpu.memref_squeeze %dma_start3A_828 : memref<1x!tpu.dma_semaphore, #tpu.memory_space<semaphore_mem>> -> memref<!tpu.dma_semaphore, #tpu.memory_space<semaphore_mem>>
    tpu.enqueue_indirect_dma source(%dma_start3A_827 : memref<1000000x64xf32, #tpu.memory_space<hbm>>) target(%dma_start3A_821 : memref<400x64xf32, #tpu.memory_space<vmem>>) offsets(%dma_start3A_824 : memref<400xi32, #tpu.memory_space<vmem>>) semaphore(%dma_start3A_829 : memref<!tpu.dma_semaphore, #tpu.memory_space<semaphore_mem>>)
    %dma_wait3A_830 = arith.constant 3 : i32
    %dma_wait3A_831 = arith.constant 3 : i32
    %dma_wait3A_832 = arith.constant 3 : i32
    %dma_wait3A_833 = arith.constant 0 : i32
    %dma_wait3A_834 = arith.constant 0 : i32
    %dma_wait3A_835 = tpu.memref_slice %arg8[%dma_wait3A_831, %dma_wait3A_833, %dma_wait3A_834] : memref<4x400x64xf32, #tpu.memory_space<vmem>> -> memref<1x400x64xf32, #tpu.memory_space<vmem>>
    %dma_wait3A_836 = tpu.memref_squeeze %dma_wait3A_835 : memref<1x400x64xf32, #tpu.memory_space<vmem>> -> memref<400x64xf32, #tpu.memory_space<vmem>>
    %dma_wait3A_837 = arith.constant 0 : i32
    %dma_wait3A_838 = tpu.memref_slice %arg6[%dma_wait3A_830, %dma_wait3A_837] : memref<4x400xi32, #tpu.memory_space<vmem>> -> memref<1x400xi32, #tpu.memory_space<vmem>>
    %dma_wait3A_839 = tpu.memref_squeeze %dma_wait3A_838 : memref<1x400xi32, #tpu.memory_space<vmem>> -> memref<400xi32, #tpu.memory_space<vmem>>
    %dma_wait3A_840 = arith.constant 0 : i32
    %dma_wait3A_841 = arith.constant 0 : i32
    %dma_wait3A_842 = tpu.memref_slice %arg4[%dma_wait3A_840, %dma_wait3A_841] : memref<1000000x64xf32, #tpu.memory_space<hbm>> -> memref<1000000x64xf32, #tpu.memory_space<hbm>>
    %dma_wait3A_843 = tpu.memref_slice %arg9[%dma_wait3A_832] : memref<4x!tpu.dma_semaphore, #tpu.memory_space<semaphore_mem>> -> memref<1x!tpu.dma_semaphore, #tpu.memory_space<semaphore_mem>>
    %dma_wait3A_844 = tpu.memref_squeeze %dma_wait3A_843 : memref<1x!tpu.dma_semaphore, #tpu.memory_space<semaphore_mem>> -> memref<!tpu.dma_semaphore, #tpu.memory_space<semaphore_mem>>
    tpu.wait_indirect_dma semaphore(%dma_wait3A_844 : memref<!tpu.dma_semaphore, #tpu.memory_space<semaphore_mem>>) src(%dma_wait3A_842 : memref<1000000x64xf32, #tpu.memory_space<hbm>>) dst(%dma_wait3A_836 : memref<400x64xf32, #tpu.memory_space<vmem>>)
    %add3A_845 = arith.constant 102000 : i32
    %add3A_846 = arith.addi %mul3A_2, %add3A_845 : i32
    %dma_wait3A_847 = arith.constant 3 : i32
    %dma_wait3A_848 = arith.constant 3 : i32
    %dma_wait3A_849 = arith.constant 0 : i32
    %dma_wait3A_850 = tpu.memref_slice %arg7[%dma_wait3A_847, %dma_wait3A_849] : memref<4x400xi32, #tpu.memory_space<vmem>> -> memref<1x400xi32, #tpu.memory_space<vmem>>
    %dma_wait3A_851 = tpu.memref_squeeze %dma_wait3A_850 : memref<1x400xi32, #tpu.memory_space<vmem>> -> memref<400xi32, #tpu.memory_space<vmem>>
    %dma_wait3A_852 = tpu.memref_slice %arg3[%add3A_846] : memref<3276800xi32, #tpu.memory_space<hbm>> -> memref<400xi32, #tpu.memory_space<hbm>>
    %dma_wait3A_853 = tpu.memref_slice %arg11[%dma_wait3A_848] : memref<4x!tpu.dma_semaphore, #tpu.memory_space<semaphore_mem>> -> memref<1x!tpu.dma_semaphore, #tpu.memory_space<semaphore_mem>>
    %dma_wait3A_854 = tpu.memref_squeeze %dma_wait3A_853 : memref<1x!tpu.dma_semaphore, #tpu.memory_space<semaphore_mem>> -> memref<!tpu.dma_semaphore, #tpu.memory_space<semaphore_mem>>
    %dma_wait3A_855 = arith.constant 0 : i32
    %dma_wait3A_856 = tpu.memref_slice %arg7[%dma_wait3A_847, %dma_wait3A_855] : memref<4x400xi32, #tpu.memory_space<vmem>> -> memref<1x400xi32, #tpu.memory_space<vmem>>
    %dma_wait3A_857 = tpu.memref_squeeze %dma_wait3A_856 : memref<1x400xi32, #tpu.memory_space<vmem>> -> memref<400xi32, #tpu.memory_space<vmem>>
    %dma_wait3A_858 = tpu.memref_slice %arg3[%add3A_846] : memref<3276800xi32, #tpu.memory_space<hbm>> -> memref<400xi32, #tpu.memory_space<hbm>>
    tpu.wait_dma2 semaphore(%dma_wait3A_854 : memref<!tpu.dma_semaphore, #tpu.memory_space<semaphore_mem>>) src(%dma_wait3A_858 : memref<400xi32, #tpu.memory_space<hbm>>) dst(%dma_wait3A_857 : memref<400xi32, #tpu.memory_space<vmem>>)
    %dma_start3A_859 = arith.constant 3 : i32
    %dma_start3A_860 = arith.constant 3 : i32
    %dma_start3A_861 = arith.constant 3 : i32
    %dma_start3A_862 = arith.constant 0 : i32
    %dma_start3A_863 = arith.constant 0 : i32
    %dma_start3A_864 = tpu.memref_slice %arg8[%dma_start3A_859, %dma_start3A_862, %dma_start3A_863] : memref<4x400x64xf32, #tpu.memory_space<vmem>> -> memref<1x400x64xf32, #tpu.memory_space<vmem>>
    %dma_start3A_865 = tpu.memref_squeeze %dma_start3A_864 : memref<1x400x64xf32, #tpu.memory_space<vmem>> -> memref<400x64xf32, #tpu.memory_space<vmem>>
    %dma_start3A_866 = arith.constant 0 : i32
    %dma_start3A_867 = tpu.memref_slice %arg7[%dma_start3A_860, %dma_start3A_866] : memref<4x400xi32, #tpu.memory_space<vmem>> -> memref<1x400xi32, #tpu.memory_space<vmem>>
    %dma_start3A_868 = tpu.memref_squeeze %dma_start3A_867 : memref<1x400xi32, #tpu.memory_space<vmem>> -> memref<400xi32, #tpu.memory_space<vmem>>
    %dma_start3A_869 = arith.constant 0 : i32
    %dma_start3A_870 = arith.constant 0 : i32
    %dma_start3A_871 = tpu.memref_slice %arg5[%dma_start3A_869, %dma_start3A_870] : memref<6553600x64xf32, #tpu.memory_space<hbm>> -> memref<6553600x64xf32, #tpu.memory_space<hbm>>
    %dma_start3A_872 = tpu.memref_slice %arg12[%dma_start3A_861] : memref<4x!tpu.dma_semaphore, #tpu.memory_space<semaphore_mem>> -> memref<1x!tpu.dma_semaphore, #tpu.memory_space<semaphore_mem>>
    %dma_start3A_873 = tpu.memref_squeeze %dma_start3A_872 : memref<1x!tpu.dma_semaphore, #tpu.memory_space<semaphore_mem>> -> memref<!tpu.dma_semaphore, #tpu.memory_space<semaphore_mem>>
    tpu.enqueue_indirect_dma source(%dma_start3A_865 : memref<400x64xf32, #tpu.memory_space<vmem>>) target(%dma_start3A_871 : memref<6553600x64xf32, #tpu.memory_space<hbm>>) offsets(%dma_start3A_868 : memref<400xi32, #tpu.memory_space<vmem>>) semaphore(%dma_start3A_873 : memref<!tpu.dma_semaphore, #tpu.memory_space<semaphore_mem>>)
    %dma_wait3A_874 = arith.constant 0 : i32
    %dma_wait3A_875 = arith.constant 0 : i32
    %dma_wait3A_876 = arith.constant 0 : i32
    %dma_wait3A_877 = arith.constant 0 : i32
    %dma_wait3A_878 = arith.constant 0 : i32
    %dma_wait3A_879 = tpu.memref_slice %arg8[%dma_wait3A_874, %dma_wait3A_877, %dma_wait3A_878] : memref<4x400x64xf32, #tpu.memory_space<vmem>> -> memref<1x400x64xf32, #tpu.memory_space<vmem>>
    %dma_wait3A_880 = tpu.memref_squeeze %dma_wait3A_879 : memref<1x400x64xf32, #tpu.memory_space<vmem>> -> memref<400x64xf32, #tpu.memory_space<vmem>>
    %dma_wait3A_881 = arith.constant 0 : i32
    %dma_wait3A_882 = tpu.memref_slice %arg7[%dma_wait3A_875, %dma_wait3A_881] : memref<4x400xi32, #tpu.memory_space<vmem>> -> memref<1x400xi32, #tpu.memory_space<vmem>>
    %dma_wait3A_883 = tpu.memref_squeeze %dma_wait3A_882 : memref<1x400xi32, #tpu.memory_space<vmem>> -> memref<400xi32, #tpu.memory_space<vmem>>
    %dma_wait3A_884 = arith.constant 0 : i32
    %dma_wait3A_885 = arith.constant 0 : i32
    %dma_wait3A_886 = tpu.memref_slice %arg5[%dma_wait3A_884, %dma_wait3A_885] : memref<6553600x64xf32, #tpu.memory_space<hbm>> -> memref<6553600x64xf32, #tpu.memory_space<hbm>>
    %dma_wait3A_887 = tpu.memref_slice %arg12[%dma_wait3A_876] : memref<4x!tpu.dma_semaphore, #tpu.memory_space<semaphore_mem>> -> memref<1x!tpu.dma_semaphore, #tpu.memory_space<semaphore_mem>>
    %dma_wait3A_888 = tpu.memref_squeeze %dma_wait3A_887 : memref<1x!tpu.dma_semaphore, #tpu.memory_space<semaphore_mem>> -> memref<!tpu.dma_semaphore, #tpu.memory_space<semaphore_mem>>
    tpu.wait_indirect_dma semaphore(%dma_wait3A_888 : memref<!tpu.dma_semaphore, #tpu.memory_space<semaphore_mem>>) src(%dma_wait3A_880 : memref<400x64xf32, #tpu.memory_space<vmem>>) dst(%dma_wait3A_886 : memref<6553600x64xf32, #tpu.memory_space<hbm>>)
    %dma_wait3A_889 = arith.constant 1 : i32
    %dma_wait3A_890 = arith.constant 1 : i32
    %dma_wait3A_891 = arith.constant 1 : i32
    %dma_wait3A_892 = arith.constant 0 : i32
    %dma_wait3A_893 = arith.constant 0 : i32
    %dma_wait3A_894 = tpu.memref_slice %arg8[%dma_wait3A_889, %dma_wait3A_892, %dma_wait3A_893] : memref<4x400x64xf32, #tpu.memory_space<vmem>> -> memref<1x400x64xf32, #tpu.memory_space<vmem>>
    %dma_wait3A_895 = tpu.memref_squeeze %dma_wait3A_894 : memref<1x400x64xf32, #tpu.memory_space<vmem>> -> memref<400x64xf32, #tpu.memory_space<vmem>>
    %dma_wait3A_896 = arith.constant 0 : i32
    %dma_wait3A_897 = tpu.memref_slice %arg7[%dma_wait3A_890, %dma_wait3A_896] : memref<4x400xi32, #tpu.memory_space<vmem>> -> memref<1x400xi32, #tpu.memory_space<vmem>>
    %dma_wait3A_898 = tpu.memref_squeeze %dma_wait3A_897 : memref<1x400xi32, #tpu.memory_space<vmem>> -> memref<400xi32, #tpu.memory_space<vmem>>
    %dma_wait3A_899 = arith.constant 0 : i32
    %dma_wait3A_900 = arith.constant 0 : i32
    %dma_wait3A_901 = tpu.memref_slice %arg5[%dma_wait3A_899, %dma_wait3A_900] : memref<6553600x64xf32, #tpu.memory_space<hbm>> -> memref<6553600x64xf32, #tpu.memory_space<hbm>>
    %dma_wait3A_902 = tpu.memref_slice %arg12[%dma_wait3A_891] : memref<4x!tpu.dma_semaphore, #tpu.memory_space<semaphore_mem>> -> memref<1x!tpu.dma_semaphore, #tpu.memory_space<semaphore_mem>>
    %dma_wait3A_903 = tpu.memref_squeeze %dma_wait3A_902 : memref<1x!tpu.dma_semaphore, #tpu.memory_space<semaphore_mem>> -> memref<!tpu.dma_semaphore, #tpu.memory_space<semaphore_mem>>
    tpu.wait_indirect_dma semaphore(%dma_wait3A_903 : memref<!tpu.dma_semaphore, #tpu.memory_space<semaphore_mem>>) src(%dma_wait3A_895 : memref<400x64xf32, #tpu.memory_space<vmem>>) dst(%dma_wait3A_901 : memref<6553600x64xf32, #tpu.memory_space<hbm>>)
    %dma_wait3A_904 = arith.constant 2 : i32
    %dma_wait3A_905 = arith.constant 2 : i32
    %dma_wait3A_906 = arith.constant 2 : i32
    %dma_wait3A_907 = arith.constant 0 : i32
    %dma_wait3A_908 = arith.constant 0 : i32
    %dma_wait3A_909 = tpu.memref_slice %arg8[%dma_wait3A_904, %dma_wait3A_907, %dma_wait3A_908] : memref<4x400x64xf32, #tpu.memory_space<vmem>> -> memref<1x400x64xf32, #tpu.memory_space<vmem>>
    %dma_wait3A_910 = tpu.memref_squeeze %dma_wait3A_909 : memref<1x400x64xf32, #tpu.memory_space<vmem>> -> memref<400x64xf32, #tpu.memory_space<vmem>>
    %dma_wait3A_911 = arith.constant 0 : i32
    %dma_wait3A_912 = tpu.memref_slice %arg7[%dma_wait3A_905, %dma_wait3A_911] : memref<4x400xi32, #tpu.memory_space<vmem>> -> memref<1x400xi32, #tpu.memory_space<vmem>>
    %dma_wait3A_913 = tpu.memref_squeeze %dma_wait3A_912 : memref<1x400xi32, #tpu.memory_space<vmem>> -> memref<400xi32, #tpu.memory_space<vmem>>
    %dma_wait3A_914 = arith.constant 0 : i32
    %dma_wait3A_915 = arith.constant 0 : i32
    %dma_wait3A_916 = tpu.memref_slice %arg5[%dma_wait3A_914, %dma_wait3A_915] : memref<6553600x64xf32, #tpu.memory_space<hbm>> -> memref<6553600x64xf32, #tpu.memory_space<hbm>>
    %dma_wait3A_917 = tpu.memref_slice %arg12[%dma_wait3A_906] : memref<4x!tpu.dma_semaphore, #tpu.memory_space<semaphore_mem>> -> memref<1x!tpu.dma_semaphore, #tpu.memory_space<semaphore_mem>>
    %dma_wait3A_918 = tpu.memref_squeeze %dma_wait3A_917 : memref<1x!tpu.dma_semaphore, #tpu.memory_space<semaphore_mem>> -> memref<!tpu.dma_semaphore, #tpu.memory_space<semaphore_mem>>
    tpu.wait_indirect_dma semaphore(%dma_wait3A_918 : memref<!tpu.dma_semaphore, #tpu.memory_space<semaphore_mem>>) src(%dma_wait3A_910 : memref<400x64xf32, #tpu.memory_space<vmem>>) dst(%dma_wait3A_916 : memref<6553600x64xf32, #tpu.memory_space<hbm>>)
    %dma_wait3A_919 = arith.constant 3 : i32
    %dma_wait3A_920 = arith.constant 3 : i32
    %dma_wait3A_921 = arith.constant 3 : i32
    %dma_wait3A_922 = arith.constant 0 : i32
    %dma_wait3A_923 = arith.constant 0 : i32
    %dma_wait3A_924 = tpu.memref_slice %arg8[%dma_wait3A_919, %dma_wait3A_922, %dma_wait3A_923] : memref<4x400x64xf32, #tpu.memory_space<vmem>> -> memref<1x400x64xf32, #tpu.memory_space<vmem>>
    %dma_wait3A_925 = tpu.memref_squeeze %dma_wait3A_924 : memref<1x400x64xf32, #tpu.memory_space<vmem>> -> memref<400x64xf32, #tpu.memory_space<vmem>>
    %dma_wait3A_926 = arith.constant 0 : i32
    %dma_wait3A_927 = tpu.memref_slice %arg7[%dma_wait3A_920, %dma_wait3A_926] : memref<4x400xi32, #tpu.memory_space<vmem>> -> memref<1x400xi32, #tpu.memory_space<vmem>>
    %dma_wait3A_928 = tpu.memref_squeeze %dma_wait3A_927 : memref<1x400xi32, #tpu.memory_space<vmem>> -> memref<400xi32, #tpu.memory_space<vmem>>
    %dma_wait3A_929 = arith.constant 0 : i32
    %dma_wait3A_930 = arith.constant 0 : i32
    %dma_wait3A_931 = tpu.memref_slice %arg5[%dma_wait3A_929, %dma_wait3A_930] : memref<6553600x64xf32, #tpu.memory_space<hbm>> -> memref<6553600x64xf32, #tpu.memory_space<hbm>>
    %dma_wait3A_932 = tpu.memref_slice %arg12[%dma_wait3A_921] : memref<4x!tpu.dma_semaphore, #tpu.memory_space<semaphore_mem>> -> memref<1x!tpu.dma_semaphore, #tpu.memory_space<semaphore_mem>>
    %dma_wait3A_933 = tpu.memref_squeeze %dma_wait3A_932 : memref<1x!tpu.dma_semaphore, #tpu.memory_space<semaphore_mem>> -> memref<!tpu.dma_semaphore, #tpu.memory_space<semaphore_mem>>
    tpu.wait_indirect_dma semaphore(%dma_wait3A_933 : memref<!tpu.dma_semaphore, #tpu.memory_space<semaphore_mem>>) src(%dma_wait3A_925 : memref<400x64xf32, #tpu.memory_space<vmem>>) dst(%dma_wait3A_931 : memref<6553600x64xf32, #tpu.memory_space<hbm>>)
    return
  }
}

</mosaic_0001>

<sc_bundles>
// kernel: kernel.3.cloned.1.call-start
scs
__scs_entry_jumppad:
0x0: {  	(pc) =	sbr.rel $0x88, $3  }
0x1: {  	(tag) =	ssettag $0x0;
	lr =	simm.s32 $0x1  }
0x2: {  	[smem:$0x3F9F] =	sst lr;
	_ =	strace $0xD0000000  }
0x3: {  	_ = 	snop  }
0x4: {  	_ = 	snop  }
0x5: {  	_ = 	snop  }
0x6: {  	_ = 	snop  }
0x7: {  	_ = 	snop  }
__scs_overlays_trampoline_lowered:
0x8: {  	[smem:$0x3FAE] =	sst s0  }
0x9: {  	[smem:$0x3FAF] =	sst s1  }
0xa: {  	[smem:$0x3FB0] =	sst s2  }
0xb: {  	[smem:$0x3FB1] =	sst s3  }
0xc: {  	[smem:$0x3FB2] =	sst s4  }
0xd: {  	[smem:$0x3FB3] =	sst s5  }
0xe: {  	[smem:$0x3FB4] =	sst s6  }
0xf: {  	[smem:$0x3FB5] =	sst s7  }
0x10: {  	[smem:$0x3FB6] =	sst s8  }
0x11: {  	[smem:$0x3FB7] =	sst s9;
	s0 =	simm.s32 @!p0 $0x0  }
0x12: {  	s1 =	sld [smem:$0x3F9D];
	s0 =	simm.s32 @p0 $0x1  }
0x13: {  	[smem:$0x3FB8] =	sst s0;
	s0 =	simm.s32 @!p1 $0x0  }
0x14: {  	s2 =	sld [smem:$0x3F9C];
	s0 =	simm.s32 @p1 $0x1  }
0x15: {  	[smem:$0x3FB9] =	sst s0;
	s0 =	simm.s32 @!p2 $0x0  }
0x16: {  	s3 =	sld [smem:$0x3FDB];
	s0 =	simm.s32 @p2 $0x1  }
0x17: {  	s4 =	simm.s32 $0x1BF5;
	[smem:$0x3FBB] =	sst s0  }
0x18: {  	s0 =	sld [smem:$0x3F9E];
	_ =	swait.ge [sflag:s4], $0x0  }
0x19: {  	s7 =	sld [smem:$0x3F9F]  }
0x1a: {  	s8 =	sadd.s32 $0xFFFFE003, lr  }
0x1b: {  	s9 =	sadd.s32 $0xFFFFFEF7, lr;
	s5 =	simm.s32 $0xFFFFFFFF;
	p2 =	slt.u32 s8, $0xFFFFF086  }
0x1c: {  	p1 =	slt.u32 s9, $0xF7A;
	s5 =	simm.s32 @!p2 $0x0  }
0x1d: {  	s5 =	simm.s32 @p1 $0x1;
	p0 =	seq.s32 s7, s2  }
0x1e: {  	s7 =	smul.u32 @!p0 $0xF7A, s2;
	p2 =	seq.s32 @!p0 s5, $0x0  }
0x1f: {  	s9 =	smul.u32 $0xF7A, s1;
	s8 =	simm.s32 @!p0 $0x1BF5;
	p2 =	por !p2, p0  }
0x20: {  	[sflag:s8] =	ssyncset.s32 @!p0 $0xFFFFF086;
	s6 =	sadd.s32 @!p0 s3, s7;
	s7 =	simm.s32 @!p0 $0x108  }
0x21: {  	s3 =	sadd.s32 s3, s9;
	s6 =	sadd.s32 @!p0 $0x88, s6;
	s7 =	simm.s32 @p2 $0x1082  }
0x22: {  	[simem:s7], [sflag:s8] =	dma.local @!p0 [hbm:s6], $0xF7A  }
0x23: {  	s9 =	sor.u32 $0xD0000000, s2;
	s6 =	simm.s32 $0x108;
	_ =	swait.ge @!p0 [sflag:s8], $0x0  }
0x24: {  	s3 =	sadd.s32 $0x88, s3;
	s6 =	simm.s32 @!p1 $0x1082;
	[sflag:s4] =	ssyncset.s32 $0xFFFFF086  }
0x25: {  	[simem:s6], [sflag:s4] =	dma.local [hbm:s3], $0xF7A  }
0x26: {  	[smem:$0x3F9F] =	sst s1;
	(tag) =	ssettag s2;
	_ =	strace s9  }
0x27: {  	s1 =	sld [smem:$0x3FAF]  }
0x28: {  	s2 =	sld [smem:$0x3FB0]  }
0x29: {  	s4 =	sld [smem:$0x3FB2]  }
0x2a: {  	p0 =	seq.s32 s5, $0x0;
	s5 =	sld [smem:$0x3FB3]  }
0x2b: {  	s6 =	sld [smem:$0x3FB4]  }
0x2c: {  	s7 =	sld [smem:$0x3FB5]  }
0x2d: {  	s3 =	simm.s32 $0x108;
	s8 =	sld [smem:$0x3FB6]  }
0x2e: {  	s3 =	simm.s32 @!p0 $0x1082;
	s9 =	sld [smem:$0x3FB7]  }
0x2f: {  	lr =	sadd.s32 s0, s3;
	s0 =	sld [smem:$0x3FAE]  }
0x30: {  	s3 =	sld [smem:$0x3FB1]  }
0x31: {  	[smem:$0x3FBA] =	sst s10  }
0x32: {  	s10 =	sld [smem:$0x3FB8];
	_ =	sdelay $0x3  }
0x33: {  	p0 =	seq.s32 s10, $0x1;
	s10 =	sld [smem:$0x3FBA];
	_ =	sdelay $0x3  }
0x34: {  	[smem:$0x3FBA] =	sst s10  }
0x35: {  	s10 =	sld [smem:$0x3FB9];
	_ =	sdelay $0x3  }
0x36: {  	p1 =	seq.s32 s10, $0x1;
	s10 =	sld [smem:$0x3FBA];
	_ =	sdelay $0x3  }
0x37: {  	[smem:$0x3FBA] =	sst s10  }
0x38: {  	s10 =	sld [smem:$0x3FBB]  }
0x39: {  	_ = 	snop;
	(pc) =	sbr.ind lr, $3  }
0x3a: {  	_ = 	snop  }
0x3b: {  	_ = 	snop  }
0x3c: {  	p2 =	seq.s32 s10, $0x1;
	s10 =	sld [smem:$0x3FBA]  }
0x3d: {  	_ =	shalt  }
0x3e: {  	_ =	shalt  }
0x3f: {  	_ =	shalt  }
0x40: {  	_ =	shalt  }
0x41: {  	_ =	shalt  }
0x42: {  	_ =	shalt  }
0x43: {  	_ =	shalt  }
0x44: {  	_ =	shalt  }
0x45: {  	_ =	shalt  }
0x46: {  	_ =	shalt  }
0x47: {  	_ =	shalt  }
0x48: {  	_ =	shalt  }
0x49: {  	_ =	shalt  }
0x4a: {  	_ =	shalt  }
0x4b: {  	_ =	shalt  }
0x4c: {  	_ =	shalt  }
0x4d: {  	_ =	shalt  }
0x4e: {  	_ =	shalt  }
0x4f: {  	_ =	shalt  }
0x50: {  	_ =	shalt  }
0x51: {  	_ =	shalt  }
0x52: {  	_ =	shalt  }
0x53: {  	_ =	shalt  }
0x54: {  	_ =	shalt  }
0x55: {  	_ =	shalt  }
0x56: {  	_ =	shalt  }
0x57: {  	_ =	shalt  }
0x58: {  	_ =	shalt  }
0x59: {  	_ =	shalt  }
0x5a: {  	_ =	shalt  }
0x5b: {  	_ =	shalt  }
0x5c: {  	_ =	shalt  }
0x5d: {  	_ =	shalt  }
0x5e: {  	_ =	shalt  }
0x5f: {  	_ =	shalt  }
0x60: {  	_ =	shalt  }
0x61: {  	_ =	shalt  }
0x62: {  	_ =	shalt  }
0x63: {  	_ =	shalt  }
0x64: {  	_ =	shalt  }
0x65: {  	_ =	shalt  }
0x66: {  	_ =	shalt  }
0x67: {  	_ =	shalt  }
0x68: {  	_ =	shalt  }
0x69: {  	_ =	shalt  }
0x6a: {  	_ =	shalt  }
0x6b: {  	_ =	shalt  }
0x6c: {  	_ =	shalt  }
0x6d: {  	_ =	shalt  }
0x6e: {  	_ =	shalt  }
0x6f: {  	_ =	shalt  }
0x70: {  	_ =	shalt  }
0x71: {  	_ =	shalt  }
0x72: {  	_ =	shalt  }
0x73: {  	_ =	shalt  }
0x74: {  	_ =	shalt  }
0x75: {  	_ =	shalt  }
0x76: {  	_ =	shalt  }
0x77: {  	_ =	shalt  }
0x78: {  	_ =	shalt  }
0x79: {  	_ =	shalt  }
0x7a: {  	_ =	shalt  }
0x7b: {  	_ =	shalt  }
0x7c: {  	_ =	shalt  }
0x7d: {  	_ =	shalt  }
0x7e: {  	_ =	shalt  }
0x7f: {  	_ =	shalt  }
0x80: {  	_ =	shalt  }
0x81: {  	_ =	shalt  }
0x82: {  	_ =	shalt  }
0x83: {  	_ =	shalt  }
0x84: {  	_ =	shalt  }
0x85: {  	_ =	shalt  }
0x86: {  	_ =	shalt  }
0x87: {  	_ =	shalt  }
.Lfunc_end0:
.L_simem_size_0:
called_computation.1_lowered:
.L_overlay_start_0:
0x88: {  	s2 =	sld [smem:$0x3FD9]  }
0x89: {  	s3 =	sld [smem:$0x3FFE];
	_ =	sdelay $0x1  }
0x8a: {  	s1 =	srdreg.scid  }
0x8b: {  	s0 =	sand.u32 $0x1, s1  }
0x8c: {  	s16 =	sshll.u32 s0, $0xA;
	s2 =	sadd.s32 s3, s2  }
0x8d: {  	s2 =	sadd.s32 s2, s16  }
0x8e: {  	[smem:$0x3FC6] =	sst s2  }
0x8f: {  	_ = 	snop  }
0x90: {  	(tm) =	ssettm $0x1  }
0x91: {  	s17 =	sld [smem:$0x3FFB];
	_ =	sdelay $0x3  }
0x92: {  	_ =	strace s17  }
0x93: {  	s2 =	sld [smem:$0x3FFC];
	_ =	sdelay $0x3  }
0x94: {  	_ =	strace s2  }
0x95: {  	s2 =	sld [smem:$0x3FFD];
	_ =	sdelay $0x3  }
0x96: {  	_ =	strace s2  }
0x97: {  	_ =	strace $0x8FFFFFFF  }
0x98: {  	s18 =	sld [smem:$0x3FDB];
	_ =	sdelay $0x1  }
0x99: {  	s19 =	simm.s32 $_scs_section_size  }
0x9a: {  	s4 =	simm.s32 $_size__tile_overlayer_lowered;
	s5 =	simm.s32 $_tile_overlayer_lowered  }
0x9b: {  	s22 =	simm.s32 $0x1BFF;
	s21 =	sshll.u32 s5, $0x1;
	s2 =	sadd.s32 s19, s18  }
0x9c: {  	s6 =	simm.s32 $0x0;
	s20 =	sshll.u32 s4, $0x1;
	s4 =	sadd.s32 s21, s2  }
0x9d: {  	[timem:s6], [sflag:s22] =	dma.local [hbm:s4], s20  }
0x9e: {  	_ =	swait.ge [sflag:s22], s20  }
0x9f: {  	s3 =	ssub.s32 $0x0, s20;
	[sflag:s22] =	ssyncset.done $0x0  }
0xa0: {  	[sflag:s22] =	ssyncadd.s32 s3;
	_ =	sdelay $0x1  }
0xa1: {  	s23 =	simm.s32 $0x1B8B  }
0xa2: {  	_ =	swait.ge [sflag:s23], $0x1  }
0xa3: {  	[sflag:s23] =	ssyncset.done $0x0  }
0xa4: {  	s25 =	simm.s32 $0x1B8E;
	s24 =	sld [smem:$0x3FFE];
	[sflag:s23] =	ssyncadd.s32 $0xFFFFFFFF  }
0xa5: {  	s26 =	simm.s32 $execute0_lowered;
	[smem:$0x3FD2] =	sst s25  }
0xa6: {  	s4 =	sshll.u32 s26, $0x1;
	_ =	strace $0x80000046;
	[dreg:$0x1] =	wrdreg $0xFFFFFFFF  }
0xa7: {  	s28 =	simm.s32 $_size_execute0_lowered;
	s2 =	sadd.s32 s2, s4;
	[dreg:$0x0] =	wrdreg $0x0  }
0xa8: {  	s4 =	sshll.u32 s28, $0x1;
	[dreg:$0x2] =	wrdreg s2  }
0xa9: {  	[dreg:$0x3] =	wrdreg s4  }
0xaa: {  	[dreg:$0x4] =	wrdreg $0xC0  }
0xab: {  	_ =	task [dreg:s6], $0x5FFFF  }
0xac: {  	[dreg:$0x1] =	wrdreg $0xFFFFFFFF  }
0xad: {  	[dreg:$0x0] =	wrdreg $0x60  }
0xae: {  	[dreg:$0x2] =	wrdreg s24  }
0xaf: {  	[dreg:$0x3] =	wrdreg $0x9  }
0xb0: {  	_ =	task.clear_ibuf [dreg:s6], $0x4FFFF;
	_ =	strace $0x90000046  }
0xb1: {  	s29 =	simm.s32 $0x9;
	_ =	strace $0x80000048  }
0xb2: {  	_ =	swait.ge [sflag:s29], $0x1  }
0xb3: {  	[sflag:s29] =	ssyncadd.s32 $0xFFFFFFFF  }
0xb4: {  	_ =	strace $0x90000048  }
0xb5: {  	_ =	sfence  }
0xb6: {  	s30 =	sld [smem:$0x0];
	_ =	sdelay $0x2  }
0xb7: {  	s31 =	sshll.u32 s1, $0xD;
	s1 =	sshrl.u32 s1, $0x2  }
0xb8: {  	s3 =	sand.u32 $0x4000, s31;
	s1 =	sadd.s32 s1, s30  }
0xb9: {  	s0 =	sor.u32 s3, s0;
	s1 =	sshll.u32 s1, $0x11  }
0xba: {  	s0 =	sor.u32 s1, s0  }
0xbb: {  	s0 =	sadd.s32 $0x8F2B, s0  }
0xbc: {  	[sflag:s0] =	ssyncadd.remote.s32 $0x1  }
0xbd: {  	_ =	sfence.sel $0xFFFF  }
0xbe: {  	[dreg:$0x0] =	wrdreg $0xFFFFFFFF;
	(pc) =	sbr.abs _section_cstart, $3  }
0xbf: {  	[dreg:$0x1] =	wrdreg $0xFFFFFFFF  }
0xc0: {  	_ =	task.clear_ibuf [dreg:s6], $0x2FFFF;
	_ =	strace $0x9FFFFFFF  }
0xc1: {  	(tm) =	ssettm $0x7FFFFFFF  }
tec
execute0_lowered:
.L_overlay_start_1:
0x0: {  	(tag) =	ssettag $0x1  }
0x1: {  	s0 =	rddreg [dreg:$0x0]  }
0x2: {  	s1 =	srdreg.scid;
	s9 =	stileid.u32  }
0x3: {  	s2 =	simm.s32 $0x0;
	s28 =	simm.s32 $0x9;
	s30 =	simm.s32 $0x6  }
0x4: {  	s1 =	sand.u32 $0x1, s1;
	s3 =	sshll.u32 s9, $0x1;
	[smem:$0x7FF] =	sst s2  }
0x5: {  	s5 =	sadd.s32 $0x64A00, s0;
	s4 =	sadd.s32 $0x869C00, s0;
	s9 =	smul.u32 $0x32000, s9  }
0x6: {  	s3 =	sor.u32 s1, s3;
	s8 =	ssub.s32 $0x2, s1;
	s1 =	smul.u32 $0x19000, s1  }
0x7: {  	s7 =	sadd.s32 $0xA00, s0;
	_ =	strace $0x80000047;
	s6 =	smul.u32 $0x19000, s3  }
0x8: {  	s3 =	sadd.s32 $0xC8A00, s0;
	s21 =	sshrl.u32 s8, $0x1;
	s1 =	sadd.s32 s1, s9  }
0x9: {  	s0 =	ssub.s32 s8, s21;
	s6 =	sshrl.u32 s6, $0x3;
	s9 =	sor.u32 $0xC80, s1  }
0xa: {  	s15 =	sor.u32 $0xAF0, s1;
	s20 =	sor.u32 $0x960, s1;
	s0 =	smax.u32 s0, $0x1  }
0xb: {  	s12 =	sadd.s32 s5, s6;
	s22 =	sor.u32 $0x32, s6;
	[dreg:$0x1a] =	wrdreg s0  }
0xc: {  	s13 =	sadd.s32 s7, s6;
	s23 =	sor.u32 $0x64, s6;
	[dreg:$0xa] =	wrdreg s12  }
0xd: {  	s11 =	sor.u32 $0x96, s6;
	s10 =	sadd.s32 s5, s22;
	[dreg:$0xb] =	wrdreg s13  }
0xe: {  	s31 =	sadd.s32 $0x316A, s6;
	s14 =	sadd.s32 s5, s23;
	[dreg:$0xc] =	wrdreg s10  }
0xf: {  	s9 =	sshrl.u32 s9, $0x3;
	s8 =	sadd.s32 s7, s22;
	[dreg:$0xd] =	wrdreg s14  }
0x10: {  	s17 =	sadd.s32 $0x319C, s6;
	s24 =	sadd.s32 s5, s11;
	[dreg:$0xe] =	wrdreg s8  }
0x11: {  	s6 =	sadd.s32 $0x31CE, s6;
	s25 =	sadd.s32 s7, s23;
	[dreg:$0xf] =	wrdreg s24  }
0x12: {  	s0 =	simm.s32 $0x7080;
	s26 =	sadd.s32 $0xC8, s12;
	[dreg:$0x10] =	wrdreg s25  }
0x13: {  	s29 =	sadd.s32 s7, s11;
	s16 =	sadd.s32 $0x3138, s13;
	[dreg:$0x11] =	wrdreg s26  }
0x14: {  	s9 =	sadd.s32 s9, s5;
	s19 =	sadd.s32 s5, s17;
	[dreg:$0x12] =	wrdreg s29  }
0x15: {  	s11 =	simm.s32 $0xD480;
	s12 =	simm.s32 $0x3;
	[dreg:$0x14] =	wrdreg s16  }
0x16: {  	s13 =	simm.s32 $0xB;
	s14 =	sadd.s32 s5, s31;
	[dreg:$0x2] =	wrdreg s9  }
0x17: {  	s10 =	sshrl.u32 s15, $0x3;
	[dreg:$0x15] =	wrdreg s19;
	s8 =	sadd.s32 s7, s31  }
0x18: {  	s9 =	sshrl.u32 s20, $0x3;
	s24 =	sor.u32 $0x640, s1;
	s1 =	sor.u32 $0x7D0, s1  }
0x19: {  	s26 =	sadd.s32 s5, s6;
	s29 =	sadd.s32 s7, s17;
	s6 =	sadd.s32 s7, s6  }
0x1a: {  	s15 =	simm.s32 $0x4;
	s16 =	simm.s32 $0xC;
	[dreg:$0x13] =	wrdreg s14  }
0x1b: {  	s17 =	simm.s32 $0xD;
	s19 =	simm.s32 $0xF;
	[dreg:$0x16] =	wrdreg s8  }
0x1c: {  	s20 =	simm.s32 $0x10;
	s18 =	sadd.s32 s10, s7;
	[dreg:$0x17] =	wrdreg s26  }
0x1d: {  	s21 =	sadd.s32 s10, s5;
	s22 =	sadd.s32 s9, s7;
	[dreg:$0x18] =	wrdreg s29  }
0x1e: {  	s23 =	sadd.s32 s9, s5;
	s25 =	sshrl.u32 s24, $0x3;
	[dreg:$0x19] =	wrdreg s6  }
0x1f: {  	s1 =	sshrl.u32 s1, $0x3;
	s24 =	simm.s32 $0x190;
	[dreg:$0x3] =	wrdreg s18  }
0x20: {  	s26 =	simm.s32 $0x1;
	s9 =	simm.s32 $0x7;
	[dreg:$0x4] =	wrdreg s21  }
0x21: {  	s10 =	simm.s32 $0x960;
	s6 =	simm.s32 $0xAF0;
	[dreg:$0x5] =	wrdreg s22  }
0x22: {  	s14 =	simm.s32 $0x13880;
	[dreg:$0x6] =	wrdreg s23;
	s8 =	sadd.s32 s25, s7  }
0x23: {  	s31 =	sadd.s32 s1, s7;
	s1 =	sadd.s32 s1, s5;
	s23 =	simm.s32 $0x5  }
0x24: {  	s7 =	simm.s32 $0xA;
	s5 =	simm.s32 $0x8;
	[dreg:$0x7] =	wrdreg s8  }
0x25: {  	s18 =	simm.s32 $0xE;
	s22 =	simm.s32 $0x0;
	[dreg:$0x8] =	wrdreg s31  }
0x26: {  	[dreg:$0x9] =	wrdreg s1;
	s1 =	simm.s32 $0x2;
	s8 =	simm.s32 $0x4B0  }
.LBB2_1:
0x27: {  	[dreg:$0x1b] =	wrdreg s22  }
0x28: {  	s21 =	rddreg [dreg:$0xa]  }
0x29: {  	[tilespmem:s2], [sflag:$0x5] =	stream.linear.gather [hbm4b:s21+s2], $0x190, $0x38;
	[tilespmem:$0x19C80] =	vst v63  }
0x2a: {  	s25 =	rddreg [dreg:$0xb];
	s22 =	simm.s32 $0x640  }
0x2b: {  	[tilespmem:s22], [sflag:$0x9] =	stream.linear.gather [hbm4b:s25+s2], $0x190, $0x38;
	[tilespmem:$0x19C80] =	vst v63  }
0x2c: {  	_ =	swait.ge [sflag:s23], $0x190  }
0x2d: {  	[sflag:s23] =	ssyncset.done $0x0  }
0x2e: {  	s25 =	simm.s32 $0xC80;
	[sflag:s23] =	ssyncadd.s32 $0xFFFFFE70  }
0x2f: {  	[tilespmem:s25], [sflag:$0x1] =	stream.indirect.gather [hbm4b:s3+s24], $0x40, s2, s24, $0xb8;
	[tilespmem:$0x19C80] =	vst v63  }
0x30: {  	s29 =	rddreg [dreg:$0xc]  }
0x31: {  	[tilespmem:s24], [sflag:$0x6] =	stream.linear.gather [hbm4b:s29+s2], $0x190, $0x38;
	[tilespmem:$0x19C80] =	vst v63  }
0x32: {  	_ =	swait.ge [sflag:s26], $0x6400  }
0x33: {  	[sflag:s26] =	ssyncset.done $0x0  }
0x34: {  	[sflag:s26] =	ssyncadd.s32 $0xFFFF9C00  }
0x35: {  	_ =	swait.ge [sflag:s28], $0x190  }
0x36: {  	[sflag:s28] =	ssyncset.done $0x0  }
0x37: {  	[sflag:s28] =	ssyncadd.s32 $0xFFFFFE70  }
0x38: {  	[hbm4b:s4+s24] =	stream.indirect.scatter [tilespmem:s25], [sflag:$0xD], $0x40, s22, s24, $0xb8;
	[tilespmem:$0x19C80] =	vst v63  }
0x39: {  	s29 =	simm.s32 $0x320;
	s31 =	rddreg [dreg:$0xd]  }
0x3a: {  	[tilespmem:s29], [sflag:$0x7] =	stream.linear.gather [hbm4b:s31+s2], $0x190, $0x38;
	[tilespmem:$0x19C80] =	vst v63  }
0x3b: {  	_ =	swait.ge [sflag:s30], $0x190  }
0x3c: {  	[sflag:s30] =	ssyncset.done $0x0  }
0x3d: {  	s31 =	simm.s32 $0x7D0;
	s21 =	rddreg [dreg:$0xe];
	[sflag:s30] =	ssyncadd.s32 $0xFFFFFE70  }
0x3e: {  	[tilespmem:s31], [sflag:$0xA] =	stream.linear.gather [hbm4b:s21+s2], $0x190, $0x38;
	[tilespmem:$0x19C80] =	vst v63  }
0x3f: {  	_ = 	snop  }
0x40: {  	[tilespmem:s0], [sflag:$0x2] =	stream.indirect.gather [hbm4b:s3+s24], $0x40, s24, s24, $0xb8;
	[tilespmem:$0x19C80] =	vst v63  }
0x41: {  	_ =	swait.ge [sflag:s1], $0x6400  }
0x42: {  	[sflag:s1] =	ssyncset.done $0x0  }
0x43: {  	[sflag:s1] =	ssyncadd.s32 $0xFFFF9C00  }
0x44: {  	_ =	swait.ge [sflag:s7], $0x190  }
0x45: {  	[sflag:s7] =	ssyncset.done $0x0  }
0x46: {  	[sflag:s7] =	ssyncadd.s32 $0xFFFFFE70  }
0x47: {  	[hbm4b:s4+s24] =	stream.indirect.scatter [tilespmem:s0], [sflag:$0xE], $0x40, s31, s24, $0xb8;
	[tilespmem:$0x19C80] =	vst v63  }
0x48: {  	s21 =	rddreg [dreg:$0xf]  }
0x49: {  	[tilespmem:s8], [sflag:$0x8] =	stream.linear.gather [hbm4b:s21+s2], $0x190, $0x38;
	[tilespmem:$0x19C80] =	vst v63  }
0x4a: {  	_ =	swait.ge [sflag:s9], $0x190  }
0x4b: {  	[sflag:s9] =	ssyncset.done $0x0  }
0x4c: {  	s21 =	rddreg [dreg:$0x10];
	[sflag:s9] =	ssyncadd.s32 $0xFFFFFE70  }
0x4d: {  	[tilespmem:s10], [sflag:$0xB] =	stream.linear.gather [hbm4b:s21+s2], $0x190, $0x38;
	[tilespmem:$0x19C80] =	vst v63  }
0x4e: {  	_ = 	snop  }
0x4f: {  	[tilespmem:s11], [sflag:$0x3] =	stream.indirect.gather [hbm4b:s3+s24], $0x40, s29, s24, $0xb8;
	[tilespmem:$0x19C80] =	vst v63  }
0x50: {  	_ =	swait.ge [sflag:s12], $0x6400  }
0x51: {  	[sflag:s12] =	ssyncset.done $0x0  }
0x52: {  	[sflag:s12] =	ssyncadd.s32 $0xFFFF9C00  }
0x53: {  	_ =	swait.ge [sflag:s13], $0x190  }
0x54: {  	[sflag:s13] =	ssyncset.done $0x0  }
0x55: {  	[sflag:s13] =	ssyncadd.s32 $0xFFFFFE70  }
0x56: {  	[hbm4b:s4+s24] =	stream.indirect.scatter [tilespmem:s11], [sflag:$0xF], $0x40, s10, s24, $0xb8;
	[tilespmem:$0x19C80] =	vst v63  }
0x57: {  	s21 =	rddreg [dreg:$0x11]  }
0x58: {  	[tilespmem:s2], [sflag:$0x5] =	stream.linear.gather [hbm4b:s21+s2], $0x190, $0x38;
	[tilespmem:$0x19C80] =	vst v63  }
0x59: {  	_ =	swait.ge [sflag:s5], $0x190  }
0x5a: {  	[sflag:s5] =	ssyncset.done $0x0  }
0x5b: {  	s21 =	rddreg [dreg:$0x12];
	[sflag:s5] =	ssyncadd.s32 $0xFFFFFE70  }
0x5c: {  	[tilespmem:s6], [sflag:$0xC] =	stream.linear.gather [hbm4b:s21+s2], $0x190, $0x38;
	[tilespmem:$0x19C80] =	vst v63  }
0x5d: {  	_ = 	snop  }
0x5e: {  	[tilespmem:s14], [sflag:$0x4] =	stream.indirect.gather [hbm4b:s3+s24], $0x40, s8, s24, $0xb8;
	[tilespmem:$0x19C80] =	vst v63  }
0x5f: {  	_ =	swait.ge [sflag:s15], $0x6400  }
0x60: {  	[sflag:s15] =	ssyncset.done $0x0  }
0x61: {  	[sflag:s15] =	ssyncadd.s32 $0xFFFF9C00  }
0x62: {  	_ =	swait.ge [sflag:s16], $0x190  }
0x63: {  	[sflag:s16] =	ssyncset.done $0x0  }
0x64: {  	s21 =	rddreg [dreg:$0x9];
	[sflag:s16] =	ssyncadd.s32 $0xFFFFFE70  }
0x65: {  	[hbm4b:s4+s24] =	stream.indirect.scatter [tilespmem:s14], [sflag:$0x10], $0x40, s6, s24, $0xb8;
	[tilespmem:$0x19C80] =	vst v63  }
0x66: {  	s21 =	sadd.s32 $0x0, s21  }
0x67: {  	[tilespmem:s24], [sflag:$0x6] =	stream.linear.gather [hbm4b:s21+s2], $0x190, $0x38;
	[tilespmem:$0x19C80] =	vst v63  }
0x68: {  	_ =	swait.ge [sflag:s23], $0x190  }
0x69: {  	[sflag:s23] =	ssyncset.done $0x0  }
0x6a: {  	[sflag:s23] =	ssyncadd.s32 $0xFFFFFE70  }
0x6b: {  	_ =	swait.ge [sflag:s17], $0x6400  }
0x6c: {  	s21 =	rddreg [dreg:$0x7];
	[sflag:s17] =	ssyncset.done $0x0  }
0x6d: {  	[sflag:s17] =	ssyncadd.s32 $0xFFFF9C00;
	s21 =	sadd.s32 $0x0, s21  }
0x6e: {  	[tilespmem:s22], [sflag:$0x9] =	stream.linear.gather [hbm4b:s21+s2], $0x190, $0x38;
	[tilespmem:$0x19C80] =	vst v63  }
0x6f: {  	_ = 	snop  }
0x70: {  	[tilespmem:s25], [sflag:$0x1] =	stream.indirect.gather [hbm4b:s3+s24], $0x40, s2, s24, $0xb8;
	[tilespmem:$0x19C80] =	vst v63  }
0x71: {  	_ =	swait.ge [sflag:s26], $0x6400  }
0x72: {  	[sflag:s26] =	ssyncset.done $0x0  }
0x73: {  	[sflag:s26] =	ssyncadd.s32 $0xFFFF9C00  }
0x74: {  	_ =	swait.ge [sflag:s28], $0x190  }
0x75: {  	[sflag:s28] =	ssyncset.done $0x0  }
0x76: {  	s21 =	rddreg [dreg:$0x6];
	[sflag:s28] =	ssyncadd.s32 $0xFFFFFE70  }
0x77: {  	[hbm4b:s4+s24] =	stream.indirect.scatter [tilespmem:s25], [sflag:$0xD], $0x40, s22, s24, $0xb8;
	[tilespmem:$0x19C80] =	vst v63  }
0x78: {  	s21 =	sadd.s32 $0x0, s21  }
0x79: {  	[tilespmem:s29], [sflag:$0x7] =	stream.linear.gather [hbm4b:s21+s2], $0x190, $0x38;
	[tilespmem:$0x19C80] =	vst v63  }
0x7a: {  	_ =	swait.ge [sflag:s30], $0x190  }
0x7b: {  	[sflag:s30] =	ssyncset.done $0x0  }
0x7c: {  	[sflag:s30] =	ssyncadd.s32 $0xFFFFFE70  }
0x7d: {  	_ =	swait.ge [sflag:s18], $0x6400  }
0x7e: {  	s25 =	rddreg [dreg:$0x8];
	[sflag:s18] =	ssyncset.done $0x0  }
0x7f: {  	[sflag:s18] =	ssyncadd.s32 $0xFFFF9C00;
	s21 =	sadd.s32 $0x0, s25  }
0x80: {  	[tilespmem:s31], [sflag:$0xA] =	stream.linear.gather [hbm4b:s21+s2], $0x190, $0x38;
	[tilespmem:$0x19C80] =	vst v63  }
0x81: {  	_ = 	snop  }
0x82: {  	[tilespmem:s0], [sflag:$0x2] =	stream.indirect.gather [hbm4b:s3+s24], $0x40, s24, s24, $0xb8;
	[tilespmem:$0x19C80] =	vst v63  }
0x83: {  	_ =	swait.ge [sflag:s1], $0x6400  }
0x84: {  	[sflag:s1] =	ssyncset.done $0x0  }
0x85: {  	[sflag:s1] =	ssyncadd.s32 $0xFFFF9C00  }
0x86: {  	_ =	swait.ge [sflag:s7], $0x190  }
0x87: {  	[sflag:s7] =	ssyncset.done $0x0  }
0x88: {  	s22 =	rddreg [dreg:$0x4];
	[sflag:s7] =	ssyncadd.s32 $0xFFFFFE70  }
0x89: {  	[hbm4b:s4+s24] =	stream.indirect.scatter [tilespmem:s0], [sflag:$0xE], $0x40, s31, s24, $0xb8;
	[tilespmem:$0x19C80] =	vst v63  }
0x8a: {  	s21 =	sadd.s32 $0x0, s22  }
0x8b: {  	[tilespmem:s8], [sflag:$0x8] =	stream.linear.gather [hbm4b:s21+s2], $0x190, $0x38;
	[tilespmem:$0x19C80] =	vst v63  }
0x8c: {  	_ =	swait.ge [sflag:s9], $0x190  }
0x8d: {  	[sflag:s9] =	ssyncset.done $0x0  }
0x8e: {  	[sflag:s9] =	ssyncadd.s32 $0xFFFFFE70  }
0x8f: {  	_ =	swait.ge [sflag:s19], $0x6400  }
0x90: {  	s25 =	rddreg [dreg:$0x5];
	[sflag:s19] =	ssyncset.done $0x0  }
0x91: {  	[sflag:s19] =	ssyncadd.s32 $0xFFFF9C00;
	s21 =	sadd.s32 $0x0, s25  }
0x92: {  	[tilespmem:s10], [sflag:$0xB] =	stream.linear.gather [hbm4b:s21+s2], $0x190, $0x38;
	[tilespmem:$0x19C80] =	vst v63  }
0x93: {  	_ = 	snop  }
0x94: {  	[tilespmem:s11], [sflag:$0x3] =	stream.indirect.gather [hbm4b:s3+s24], $0x40, s29, s24, $0xb8;
	[tilespmem:$0x19C80] =	vst v63  }
0x95: {  	_ =	swait.ge [sflag:s12], $0x6400  }
0x96: {  	[sflag:s12] =	ssyncset.done $0x0  }
0x97: {  	[sflag:s12] =	ssyncadd.s32 $0xFFFF9C00  }
0x98: {  	_ =	swait.ge [sflag:s13], $0x190  }
0x99: {  	[sflag:s13] =	ssyncset.done $0x0  }
0x9a: {  	s29 =	rddreg [dreg:$0x2];
	[sflag:s13] =	ssyncadd.s32 $0xFFFFFE70  }
0x9b: {  	[hbm4b:s4+s24] =	stream.indirect.scatter [tilespmem:s11], [sflag:$0xF], $0x40, s10, s24, $0xb8;
	[tilespmem:$0x19C80] =	vst v63  }
0x9c: {  	s21 =	sadd.s32 $0x0, s29  }
0x9d: {  	[tilespmem:s2], [sflag:$0x5] =	stream.linear.gather [hbm4b:s21+s2], $0x190, $0x38;
	[tilespmem:$0x19C80] =	vst v63  }
0x9e: {  	_ =	swait.ge [sflag:s5], $0x190  }
0x9f: {  	[sflag:s5] =	ssyncset.done $0x0  }
0xa0: {  	[sflag:s5] =	ssyncadd.s32 $0xFFFFFE70  }
0xa1: {  	_ =	swait.ge [sflag:s20], $0x6400  }
0xa2: {  	s31 =	rddreg [dreg:$0x3];
	[sflag:s20] =	ssyncset.done $0x0  }
0xa3: {  	[sflag:s20] =	ssyncadd.s32 $0xFFFF9C00;
	s21 =	sadd.s32 $0x0, s31  }
0xa4: {  	[tilespmem:s6], [sflag:$0xC] =	stream.linear.gather [hbm4b:s21+s2], $0x190, $0x38;
	[tilespmem:$0x19C80] =	vst v63  }
0xa5: {  	s21 =	simm.s32 $0xC8  }
.LBB2_2:
0xa6: {  	[tilespmem:s14], [sflag:$0x4] =	stream.indirect.gather [hbm4b:s3+s24], $0x40, s8, s24, $0xb8;
	[tilespmem:$0x19C80] =	vst v63  }
0xa7: {  	_ =	swait.ge [sflag:s15], $0x6400  }
0xa8: {  	[sflag:s15] =	ssyncset.done $0x0  }
0xa9: {  	[sflag:s15] =	ssyncadd.s32 $0xFFFF9C00  }
0xaa: {  	_ =	swait.ge [sflag:s16], $0x190  }
0xab: {  	[sflag:s16] =	ssyncset.done $0x0  }
0xac: {  	s22 =	smov.u32 s21;
	s25 =	rddreg [dreg:$0x9];
	[sflag:s16] =	ssyncadd.s32 $0xFFFFFE70  }
0xad: {  	[hbm4b:s4+s24] =	stream.indirect.scatter [tilespmem:s14], [sflag:$0x10], $0x40, s6, s24, $0xb8;
	[tilespmem:$0x19C80] =	vst v63  }
0xae: {  	s25 =	sadd.s32 s22, s25  }
0xaf: {  	[tilespmem:s24], [sflag:$0x6] =	stream.linear.gather [hbm4b:s25+s2], $0x190, $0x38;
	[tilespmem:$0x19C80] =	vst v63  }
0xb0: {  	_ =	swait.ge [sflag:s23], $0x190  }
0xb1: {  	[sflag:s23] =	ssyncset.done $0x0  }
0xb2: {  	[sflag:s23] =	ssyncadd.s32 $0xFFFFFE70  }
0xb3: {  	_ =	swait.ge [sflag:s17], $0x6400  }
0xb4: {  	s29 =	rddreg [dreg:$0x7];
	[sflag:s17] =	ssyncset.done $0x0  }
0xb5: {  	[sflag:s17] =	ssyncadd.s32 $0xFFFF9C00;
	s25 =	sadd.s32 s22, s29;
	s29 =	simm.s32 $0x640  }
0xb6: {  	[tilespmem:s29], [sflag:$0x9] =	stream.linear.gather [hbm4b:s25+s2], $0x190, $0x38;
	[tilespmem:$0x19C80] =	vst v63  }
0xb7: {  	s31 =	simm.s32 $0xC80  }
0xb8: {  	[tilespmem:s31], [sflag:$0x1] =	stream.indirect.gather [hbm4b:s3+s24], $0x40, s2, s24, $0xb8;
	[tilespmem:$0x19C80] =	vst v63  }
0xb9: {  	_ =	swait.ge [sflag:s26], $0x6400  }
0xba: {  	[sflag:s26] =	ssyncset.done $0x0  }
0xbb: {  	[sflag:s26] =	ssyncadd.s32 $0xFFFF9C00  }
0xbc: {  	_ =	swait.ge [sflag:s28], $0x190  }
0xbd: {  	[sflag:s28] =	ssyncset.done $0x0  }
0xbe: {  	s25 =	rddreg [dreg:$0x6];
	[sflag:s28] =	ssyncadd.s32 $0xFFFFFE70  }
0xbf: {  	[hbm4b:s4+s24] =	stream.indirect.scatter [tilespmem:s31], [sflag:$0xD], $0x40, s29, s24, $0xb8;
	[tilespmem:$0x19C80] =	vst v63  }
0xc0: {  	s25 =	sadd.s32 s22, s25;
	s29 =	simm.s32 $0x320  }
0xc1: {  	[tilespmem:s29], [sflag:$0x7] =	stream.linear.gather [hbm4b:s25+s2], $0x190, $0x38;
	[tilespmem:$0x19C80] =	vst v63  }
0xc2: {  	_ =	swait.ge [sflag:s30], $0x190  }
0xc3: {  	[sflag:s30] =	ssyncset.done $0x0  }
0xc4: {  	[sflag:s30] =	ssyncadd.s32 $0xFFFFFE70  }
0xc5: {  	_ =	swait.ge [sflag:s18], $0x6400  }
0xc6: {  	s31 =	rddreg [dreg:$0x8];
	[sflag:s18] =	ssyncset.done $0x0  }
0xc7: {  	[sflag:s18] =	ssyncadd.s32 $0xFFFF9C00;
	s25 =	sadd.s32 s22, s31;
	s31 =	simm.s32 $0x7D0  }
0xc8: {  	[tilespmem:s31], [sflag:$0xA] =	stream.linear.gather [hbm4b:s25+s2], $0x190, $0x38;
	[tilespmem:$0x19C80] =	vst v63  }
0xc9: {  	_ = 	snop  }
0xca: {  	[tilespmem:s0], [sflag:$0x2] =	stream.indirect.gather [hbm4b:s3+s24], $0x40, s24, s24, $0xb8;
	[tilespmem:$0x19C80] =	vst v63  }
0xcb: {  	_ =	swait.ge [sflag:s1], $0x6400  }
0xcc: {  	[sflag:s1] =	ssyncset.done $0x0  }
0xcd: {  	[sflag:s1] =	ssyncadd.s32 $0xFFFF9C00  }
0xce: {  	_ =	swait.ge [sflag:s7], $0x190  }
0xcf: {  	[sflag:s7] =	ssyncset.done $0x0  }
0xd0: {  	s25 =	rddreg [dreg:$0x4];
	[sflag:s7] =	ssyncadd.s32 $0xFFFFFE70  }
0xd1: {  	[hbm4b:s4+s24] =	stream.indirect.scatter [tilespmem:s0], [sflag:$0xE], $0x40, s31, s24, $0xb8;
	[tilespmem:$0x19C80] =	vst v63  }
0xd2: {  	s25 =	sadd.s32 s22, s25  }
0xd3: {  	[tilespmem:s8], [sflag:$0x8] =	stream.linear.gather [hbm4b:s25+s2], $0x190, $0x38;
	[tilespmem:$0x19C80] =	vst v63  }
0xd4: {  	_ =	swait.ge [sflag:s9], $0x190  }
0xd5: {  	[sflag:s9] =	ssyncset.done $0x0  }
0xd6: {  	[sflag:s9] =	ssyncadd.s32 $0xFFFFFE70  }
0xd7: {  	_ =	swait.ge [sflag:s19], $0x6400  }
0xd8: {  	s31 =	rddreg [dreg:$0x5];
	[sflag:s19] =	ssyncset.done $0x0  }
0xd9: {  	[sflag:s19] =	ssyncadd.s32 $0xFFFF9C00;
	s25 =	sadd.s32 s22, s31  }
0xda: {  	[tilespmem:s10], [sflag:$0xB] =	stream.linear.gather [hbm4b:s25+s2], $0x190, $0x38;
	[tilespmem:$0x19C80] =	vst v63  }
0xdb: {  	_ = 	snop  }
0xdc: {  	[tilespmem:s11], [sflag:$0x3] =	stream.indirect.gather [hbm4b:s3+s24], $0x40, s29, s24, $0xb8;
	[tilespmem:$0x19C80] =	vst v63  }
0xdd: {  	_ =	swait.ge [sflag:s12], $0x6400  }
0xde: {  	[sflag:s12] =	ssyncset.done $0x0  }
0xdf: {  	[sflag:s12] =	ssyncadd.s32 $0xFFFF9C00  }
0xe0: {  	_ =	swait.ge [sflag:s13], $0x190  }
0xe1: {  	[sflag:s13] =	ssyncset.done $0x0  }
0xe2: {  	s29 =	rddreg [dreg:$0x2];
	[sflag:s13] =	ssyncadd.s32 $0xFFFFFE70  }
0xe3: {  	[hbm4b:s4+s24] =	stream.indirect.scatter [tilespmem:s11], [sflag:$0xF], $0x40, s10, s24, $0xb8;
	[tilespmem:$0x19C80] =	vst v63  }
0xe4: {  	s25 =	sadd.s32 s22, s29  }
0xe5: {  	[tilespmem:s2], [sflag:$0x5] =	stream.linear.gather [hbm4b:s25+s2], $0x190, $0x38;
	[tilespmem:$0x19C80] =	vst v63  }
0xe6: {  	_ =	swait.ge [sflag:s5], $0x190  }
0xe7: {  	p0 =	sne.s32 s21, $0x2FA8;
	[sflag:s5] =	ssyncset.done $0x0  }
.Ltmp0:
0xe8: {  	[sflag:s5] =	ssyncadd.s32 $0xFFFFFE70;
	(pc) =	sbr.rel @p0 .LBB2_2-.Ltmp0, $4  }
0xe9: {  	_ =	swait.ge [sflag:s20], $0x6400  }
0xea: {  	s31 =	rddreg [dreg:$0x3];
	[sflag:s20] =	ssyncset.done $0x0  }
0xeb: {  	s21 =	sadd.s32 $0xC8, s21;
	[sflag:s20] =	ssyncadd.s32 $0xFFFF9C00;
	s22 =	sadd.s32 s22, s31  }
0xec: {  	[tilespmem:s6], [sflag:$0xC] =	stream.linear.gather [hbm4b:s22+s2], $0x190, $0x38;
	[tilespmem:$0x19C80] =	vst v63  }
0xed: {  	[tilespmem:s14], [sflag:$0x4] =	stream.indirect.gather [hbm4b:s3+s24], $0x40, s8, s24, $0xb8;
	[tilespmem:$0x19C80] =	vst v63  }
0xee: {  	_ =	swait.ge [sflag:s15], $0x6400  }
0xef: {  	[sflag:s15] =	ssyncset.done $0x0  }
0xf0: {  	[sflag:s15] =	ssyncadd.s32 $0xFFFF9C00  }
0xf1: {  	_ =	swait.ge [sflag:s16], $0x190  }
0xf2: {  	[sflag:s16] =	ssyncset.done $0x0  }
0xf3: {  	[sflag:s16] =	ssyncadd.s32 $0xFFFFFE70  }
0xf4: {  	[hbm4b:s4+s24] =	stream.indirect.scatter [tilespmem:s14], [sflag:$0x10], $0x40, s6, s24, $0xb8;
	[tilespmem:$0x19C80] =	vst v63  }
0xf5: {  	s21 =	rddreg [dreg:$0x13]  }
0xf6: {  	[tilespmem:s24], [sflag:$0x6] =	stream.linear.gather [hbm4b:s21+s2], $0x190, $0x38;
	[tilespmem:$0x19C80] =	vst v63  }
0xf7: {  	_ =	swait.ge [sflag:s23], $0x190  }
0xf8: {  	[sflag:s23] =	ssyncset.done $0x0  }
0xf9: {  	[sflag:s23] =	ssyncadd.s32 $0xFFFFFE70  }
0xfa: {  	_ =	swait.ge [sflag:s17], $0x6400  }
0xfb: {  	[sflag:s17] =	ssyncset.done $0x0  }
0xfc: {  	s22 =	simm.s32 $0x640;
	s31 =	rddreg [dreg:$0x14];
	[sflag:s17] =	ssyncadd.s32 $0xFFFF9C00  }
0xfd: {  	[tilespmem:s22], [sflag:$0x9] =	stream.linear.gather [hbm4b:s31+s2], $0x190, $0x38;
	[tilespmem:$0x19C80] =	vst v63  }
0xfe: {  	s25 =	simm.s32 $0xC80  }
0xff: {  	[tilespmem:s25], [sflag:$0x1] =	stream.indirect.gather [hbm4b:s3+s24], $0x40, s2, s24, $0xb8;
	[tilespmem:$0x19C80] =	vst v63  }
0x100: {  	_ =	swait.ge [sflag:s26], $0x6400  }
0x101: {  	[sflag:s26] =	ssyncset.done $0x0  }
0x102: {  	[sflag:s26] =	ssyncadd.s32 $0xFFFF9C00  }
0x103: {  	_ =	swait.ge [sflag:s28], $0x190  }
0x104: {  	[sflag:s28] =	ssyncset.done $0x0  }
0x105: {  	[sflag:s28] =	ssyncadd.s32 $0xFFFFFE70  }
0x106: {  	[hbm4b:s4+s24] =	stream.indirect.scatter [tilespmem:s25], [sflag:$0xD], $0x40, s22, s24, $0xb8;
	[tilespmem:$0x19C80] =	vst v63  }
0x107: {  	s29 =	rddreg [dreg:$0x15];
	s22 =	simm.s32 $0x320  }
0x108: {  	[tilespmem:s22], [sflag:$0x7] =	stream.linear.gather [hbm4b:s29+s2], $0x190, $0x38;
	[tilespmem:$0x19C80] =	vst v63  }
0x109: {  	_ =	swait.ge [sflag:s30], $0x190  }
0x10a: {  	[sflag:s30] =	ssyncset.done $0x0  }
0x10b: {  	[sflag:s30] =	ssyncadd.s32 $0xFFFFFE70  }
0x10c: {  	_ =	swait.ge [sflag:s18], $0x6400  }
0x10d: {  	[sflag:s18] =	ssyncset.done $0x0  }
0x10e: {  	s25 =	simm.s32 $0x7D0;
	s31 =	rddreg [dreg:$0x16];
	[sflag:s18] =	ssyncadd.s32 $0xFFFF9C00  }
0x10f: {  	[tilespmem:s25], [sflag:$0xA] =	stream.linear.gather [hbm4b:s31+s2], $0x190, $0x38;
	[tilespmem:$0x19C80] =	vst v63  }
0x110: {  	_ = 	snop  }
0x111: {  	[tilespmem:s0], [sflag:$0x2] =	stream.indirect.gather [hbm4b:s3+s24], $0x40, s24, s24, $0xb8;
	[tilespmem:$0x19C80] =	vst v63  }
0x112: {  	_ =	swait.ge [sflag:s1], $0x6400  }
0x113: {  	[sflag:s1] =	ssyncset.done $0x0  }
0x114: {  	[sflag:s1] =	ssyncadd.s32 $0xFFFF9C00  }
0x115: {  	_ =	swait.ge [sflag:s7], $0x190  }
0x116: {  	[sflag:s7] =	ssyncset.done $0x0  }
0x117: {  	[sflag:s7] =	ssyncadd.s32 $0xFFFFFE70  }
0x118: {  	[hbm4b:s4+s24] =	stream.indirect.scatter [tilespmem:s0], [sflag:$0xE], $0x40, s25, s24, $0xb8;
	[tilespmem:$0x19C80] =	vst v63  }
0x119: {  	s29 =	rddreg [dreg:$0x17]  }
0x11a: {  	[tilespmem:s8], [sflag:$0x8] =	stream.linear.gather [hbm4b:s29+s2], $0x190, $0x38;
	[tilespmem:$0x19C80] =	vst v63  }
0x11b: {  	_ =	swait.ge [sflag:s9], $0x190  }
0x11c: {  	[sflag:s9] =	ssyncset.done $0x0  }
0x11d: {  	[sflag:s9] =	ssyncadd.s32 $0xFFFFFE70  }
0x11e: {  	_ =	swait.ge [sflag:s19], $0x6400  }
0x11f: {  	[sflag:s19] =	ssyncset.done $0x0  }
0x120: {  	s31 =	rddreg [dreg:$0x18];
	[sflag:s19] =	ssyncadd.s32 $0xFFFF9C00  }
0x121: {  	[tilespmem:s10], [sflag:$0xB] =	stream.linear.gather [hbm4b:s31+s2], $0x190, $0x38;
	[tilespmem:$0x19C80] =	vst v63  }
0x122: {  	_ = 	snop  }
0x123: {  	[tilespmem:s11], [sflag:$0x3] =	stream.indirect.gather [hbm4b:s3+s24], $0x40, s22, s24, $0xb8;
	[tilespmem:$0x19C80] =	vst v63  }
0x124: {  	_ =	swait.ge [sflag:s12], $0x6400  }
0x125: {  	[sflag:s12] =	ssyncset.done $0x0  }
0x126: {  	[sflag:s12] =	ssyncadd.s32 $0xFFFF9C00  }
0x127: {  	_ =	swait.ge [sflag:s13], $0x190  }
0x128: {  	[sflag:s13] =	ssyncset.done $0x0  }
0x129: {  	[sflag:s13] =	ssyncadd.s32 $0xFFFFFE70  }
0x12a: {  	[hbm4b:s4+s24] =	stream.indirect.scatter [tilespmem:s11], [sflag:$0xF], $0x40, s10, s24, $0xb8;
	[tilespmem:$0x19C80] =	vst v63  }
0x12b: {  	_ =	swait.ge [sflag:s5], $0x190  }
0x12c: {  	[sflag:s5] =	ssyncset.done $0x0  }
0x12d: {  	[sflag:s5] =	ssyncadd.s32 $0xFFFFFE70  }
0x12e: {  	_ =	swait.ge [sflag:s20], $0x6400  }
0x12f: {  	[sflag:s20] =	ssyncset.done $0x0  }
0x130: {  	s25 =	rddreg [dreg:$0x19];
	[sflag:s20] =	ssyncadd.s32 $0xFFFF9C00  }
0x131: {  	[tilespmem:s6], [sflag:$0xC] =	stream.linear.gather [hbm4b:s25+s2], $0x190, $0x38;
	[tilespmem:$0x19C80] =	vst v63  }
0x132: {  	_ = 	snop  }
0x133: {  	[tilespmem:s14], [sflag:$0x4] =	stream.indirect.gather [hbm4b:s3+s24], $0x40, s8, s24, $0xb8;
	[tilespmem:$0x19C80] =	vst v63  }
0x134: {  	_ =	swait.ge [sflag:s15], $0x6400  }
0x135: {  	[sflag:s15] =	ssyncset.done $0x0  }
0x136: {  	[sflag:s15] =	ssyncadd.s32 $0xFFFF9C00  }
0x137: {  	_ =	swait.ge [sflag:s16], $0x190  }
0x138: {  	[sflag:s16] =	ssyncset.done $0x0  }
0x139: {  	[sflag:s16] =	ssyncadd.s32 $0xFFFFFE70  }
0x13a: {  	[hbm4b:s4+s24] =	stream.indirect.scatter [tilespmem:s14], [sflag:$0x10], $0x40, s6, s24, $0xb8;
	[tilespmem:$0x19C80] =	vst v63  }
0x13b: {  	_ =	swait.ge [sflag:s17], $0x6400  }
0x13c: {  	[sflag:s17] =	ssyncset.done $0x0  }
0x13d: {  	[sflag:s17] =	ssyncadd.s32 $0xFFFF9C00  }
0x13e: {  	_ =	swait.ge [sflag:s18], $0x6400  }
0x13f: {  	[sflag:s18] =	ssyncset.done $0x0  }
0x140: {  	[sflag:s18] =	ssyncadd.s32 $0xFFFF9C00  }
0x141: {  	_ =	swait.ge [sflag:s19], $0x6400  }
0x142: {  	[sflag:s19] =	ssyncset.done $0x0  }
0x143: {  	[sflag:s19] =	ssyncadd.s32 $0xFFFF9C00  }
0x144: {  	_ =	swait.ge [sflag:s20], $0x6400  }
0x145: {  	s29 =	rddreg [dreg:$0x1b]  }
0x146: {  	s31 =	rddreg [dreg:$0x1a];
	s22 =	sadd.s32 $0x1, s29  }
0x147: {  	p0 =	sne.s32 s22, s31  }
.Ltmp1:
0x148: {  	_ = 	snop;
	(pc) =	sbr.rel @p0 .LBB2_1-.Ltmp1, $3  }
0x149: {  	_ =	sdelay $0x1  }
0x14a: {  	[sflag:s20] =	ssyncset.done $0x0  }
0x14b: {  	[sflag:s20] =	ssyncadd.s32 $0xFFFF9C00  }
0x14c: {  	_ =	sfence.sel $0x180000  }
0x14d: {  	[bflag:$0x0] =	sbarrier.arrive $0xFFFF  }
0x14e: {  	_ =	strace $0x90000047  }
0x14f: {  	s0 =	stileid.u32;
	[bflag:$0x2] =	sbarrier.arrive $0xFFFF  }
0x150: {  	p0 =	sne.s32 s0, $0x0;
	s0 =	rddreg [dreg:$0x1]  }
0x151: {  	s0 =	sadd.s32 @!p0 $0x100000, s0  }
0x152: {  	[sflag:s0] =	ssyncadd.tile.s32 @!p0 $0x1;
	_ =	shalt  }
.Lfunc_end2:
_tile_overlayer_lowered:
.L_overlay_start_2:
0x153: {  	(tag) =	ssettag $0x2  }
0x154: {  	s0 =	rddreg [dreg:$0x0];
	s2 =	stileid.u32  }
0x155: {  	s1 =	rddreg [dreg:$0x1];
	p0 =	sne.s32 s2, $0x0  }
0x156: {  	s3 =	rddreg [dreg:$0x2];
	[bflag:$0x3] =	sbarrier.arrive $0xFFFF;
	s2 =	simm.s32 @!p0 $0x1C11  }
0x157: {  	[timem:s3], [sflag:s2] =	dma.local @!p0 [hbm:s0], s1  }
0x158: {  	s0 =	simm.s32 @!p0 $0x11  }
0x159: {  	_ =	swait.ge @!p0 [sflag:s0], s1  }
0x15a: {  	s1 =	ssub.s32 @!p0 $0x0, s1;
	[sflag:s0] =	ssyncset.done @!p0 $0x0  }
0x15b: {  	[sflag:s0] =	ssyncadd.s32 @!p0 s1  }
0x15c: {  	[bflag:$0x3] =	sbarrier.arrive $0xFFFF  }
0x15d: {  	_ =	shalt  }

// kernel: sparse-core-data-format-call.cloned.1.call-start
scs
called_computation_lowered:
.L_overlay_start_0:
0x0: {  	s2 =	sld [smem:$0x3FD9]  }
0x1: {  	s3 =	sld [smem:$0x3FFE];
	_ =	sdelay $0x1  }
0x2: {  	s1 =	srdreg.scid  }
0x3: {  	s0 =	sand.u32 $0x1, s1  }
0x4: {  	s18 =	sshll.u32 s0, $0xA;
	s2 =	sadd.s32 s3, s2  }
0x5: {  	s2 =	sadd.s32 s2, s18  }
0x6: {  	[smem:$0x3FC6] =	sst s2  }
0x7: {  	_ = 	snop  }
0x8: {  	s2 =	sld [smem:$0x3FD0];
	(tm) =	ssettm $0x1  }
0x9: {  	s19 =	sld [smem:$0x3FFB];
	_ =	sdelay $0x3  }
0xa: {  	_ =	strace s19  }
0xb: {  	s3 =	sld [smem:$0x3FFC];
	_ =	sdelay $0x3  }
0xc: {  	_ =	strace s3  }
0xd: {  	s3 =	sld [smem:$0x3FFD];
	_ =	sdelay $0x3  }
0xe: {  	_ =	strace s3  }
0xf: {  	_ =	strace $0x8FFFFFFF  }
0x10: {  	s20 =	sld [smem:$0x3FDB];
	_ =	sdelay $0x1  }
0x11: {  	s4 =	simm.s32 $_scs_section_size  }
0x12: {  	s5 =	simm.s32 $_size__tile_overlayer_lowered;
	s6 =	simm.s32 $_tile_overlayer_lowered  }
0x13: {  	s23 =	simm.s32 $0x1BFF;
	s22 =	sshll.u32 s6, $0x1;
	s3 =	sadd.s32 s4, s20  }
0x14: {  	s7 =	simm.s32 $0x0;
	s21 =	sshll.u32 s5, $0x1;
	s5 =	sadd.s32 s22, s3  }
0x15: {  	[timem:s7], [sflag:s23] =	dma.local [hbm:s5], s21  }
0x16: {  	_ =	swait.ge [sflag:s23], s21  }
0x17: {  	s4 =	ssub.s32 $0x0, s21;
	[sflag:s23] =	ssyncset.done $0x0  }
0x18: {  	[sflag:s23] =	ssyncadd.s32 s4;
	_ =	sdelay $0x1  }
0x19: {  	s24 =	simm.s32 $0x1B8B  }
0x1a: {  	_ =	swait.ge [sflag:s24], $0x1  }
0x1b: {  	[sflag:s24] =	ssyncset.done $0x0  }
0x1c: {  	s26 =	simm.s32 $0x1B8E;
	s25 =	sld [smem:$0x3FFE];
	[sflag:s24] =	ssyncadd.s32 $0xFFFFFFFF  }
0x1d: {  	s27 =	simm.s32 $execute0_lowered;
	[smem:$0x3FD2] =	sst s26  }
0x1e: {  	s5 =	sshll.u32 s27, $0x1;
	_ =	strace $0x80000049;
	[dreg:$0x1] =	wrdreg $0xFFFFFFFF  }
0x1f: {  	s28 =	simm.s32 $_size_execute0_lowered;
	s3 =	sadd.s32 s3, s5;
	[dreg:$0x0] =	wrdreg $0x0  }
0x20: {  	s5 =	sshll.u32 s28, $0x1;
	[dreg:$0x2] =	wrdreg s3  }
0x21: {  	[dreg:$0x3] =	wrdreg s5  }
0x22: {  	[dreg:$0x4] =	wrdreg $0xC0  }
0x23: {  	_ =	task [dreg:s7], $0x5FFFF  }
0x24: {  	[dreg:$0x1] =	wrdreg $0xFFFFFFFF  }
0x25: {  	[dreg:$0x0] =	wrdreg $0x60  }
0x26: {  	[dreg:$0x2] =	wrdreg s25  }
0x27: {  	[dreg:$0x3] =	wrdreg s2  }
0x28: {  	[dreg:$0x4] =	wrdreg $0x9  }
0x29: {  	_ =	task.clear_ibuf [dreg:s7], $0x5FFFF;
	_ =	strace $0x90000049  }
0x2a: {  	s29 =	simm.s32 $0x9;
	_ =	strace $0x8000004B  }
0x2b: {  	_ =	swait.ge [sflag:s29], $0x1  }
0x2c: {  	[sflag:s29] =	ssyncadd.s32 $0xFFFFFFFF  }
0x2d: {  	_ =	strace $0x9000004B  }
0x2e: {  	_ =	sfence  }
0x2f: {  	s30 =	sld [smem:$0x0];
	_ =	sdelay $0x2  }
0x30: {  	s31 =	sshll.u32 s1, $0xD;
	s1 =	sshrl.u32 s1, $0x2  }
0x31: {  	s3 =	sand.u32 $0x4000, s31;
	s1 =	sadd.s32 s1, s30  }
0x32: {  	s0 =	sor.u32 s3, s0;
	s1 =	sshll.u32 s1, $0x11  }
0x33: {  	s0 =	sor.u32 s1, s0  }
0x34: {  	s0 =	sadd.s32 $0x8F2B, s0  }
0x35: {  	[sflag:s0] =	ssyncadd.remote.s32 $0x1  }
0x36: {  	_ =	sfence.sel $0xFFFF  }
0x37: {  	[dreg:$0x0] =	wrdreg $0xFFFFFFFF;
	(pc) =	sbr.abs _section_cstart, $3  }
0x38: {  	[dreg:$0x1] =	wrdreg $0xFFFFFFFF  }
0x39: {  	_ =	task.clear_ibuf [dreg:s7], $0x2FFFF;
	_ =	strace $0x9FFFFFFF  }
0x3a: {  	(tm) =	ssettm $0x7FFFFFFF  }
0x3b: {  	_ =	shalt  }
tec
execute0_lowered:
.L_overlay_start_1:
0x0: {  	(tag) =	ssettag $0x1  }
0x1: {  	s0 =	srdreg.scid  }
0x2: {  	s1 =	sshll.u32 s0, $0x4  }
0x3: {  	s0 =	stileid.u32;
	s1 =	sand.u32 $0x10, s1  }
0x4: {  	s1 =	sor.u32 s0, s1  }
0x5: {  	s6 =	rddreg [dreg:$0x0];
	s4 =	simm.s32 $0x1;
	s2 =	sshll.u32 s1, $0x7  }
0x6: {  	s7 =	simm.s32 $0x2;
	s12 =	simm.s32 $0x0;
	s1 =	ssub.s32 $0x4000, s2  }
0x7: {  	s8 =	simm.s32 $0x20000;
	s13 =	simm.s32 $0x0;
	s3 =	sand.u32 $0xF80, s1  }
0x8: {  	s9 =	simm.s32 $0x0;
	s5 =	sshrl.u32 s1, $0xC;
	p0 =	sne.s32 s3, $0x0  }
.Ltmp0:
0x9: {  	s1 =	rddreg [dreg:$0x2];
	s4 =	simm.s32 @!p0 $0x0;
	(pc) =	sbr.rel .LBB1_1-.Ltmp0, $4  }
0xa: {  	s11 =	simm.s32 $0x0;
	s3 =	rddreg [dreg:$0x1];
	s5 =	sadd.s32 s4, s5  }
0xb: {  	_ =	strace $0x8000004A;
	s4 =	simm.s32 $0x1;
	s5 =	smul.u32 $0xC8, s5  }
0xc: {  	s6 =	sadd.s32 $0x869C00, s6;
	s10 =	smov.u32 s2;
	[sflag:s4] =	ssyncpa.u1 $0x0  }
0xd: {  	p0 =	por $0x0, $0x0;
	[sflag:s7] =	ssyncpa.u1 $0x0;
	s7 =	sor.u32 $0x1, s5  }
.LBB1_4:
0xe: {  	s16 =	sshll.u32 s13, $0x3;
	s17 =	sand.u32 $0x78, s13  }
0xf: {  	s30 =	sand.u32 $0x1F800, s13;
	s12 =	sshll.u32 s12, $0x11;
	s16 =	sand.u32 $0x3C00, s16  }
0x10: {  	[tilespmem:s15+$0x810 ss:$0x81] =	vst.msk $0xffff, v2;
	s31 =	sand.u32 $0x7, s13;
	s16 =	sor.u32 s17, s16;
	s17 =	sadd.s32 s3, s30  }
0x11: {  	[tilespmem:s15+$0x1020 ss:$0x81] =	vst.msk $0xffff, v0;
	s13 =	sshll.u32 s31, $0x12;
	s12 =	sadd.s32 s12, s17;
	s16 =	sshrl.u32 s16, $0x3  }
0x12: {  	[tilespmem:s15+$0x0 ss:$0x81] =	vst.msk $0xffff, v1;
	s13 =	sor.u32 $0x400, s13;
	s12 =	sadd.s32 s16, s12  }
0x13: {  	[hbm4b:s12+s13] =	stream.strided.scatter [tilespmem:s14], [sflag:$0x2], $0x2000, s8, s13, $0x20;
	[tilespmem:$0x8080] =	vst v63  }
.LBB1_5:
0x14: {  	s14 =	sadd.s32 $0x1, s9  }
0x15: {  	s12 =	sadd.s32 $0x1000, s10;
	s16 =	smov.u32 s10;
	p2 =	sgt.s32 s14, $0xC7  }
0x16: {  	s16 =	smov.u32 @p2 s12  }
0x17: {  	s14 =	simm.s32 @p2 $0x0;
	p2 =	sgt.s32 s16, $0x3FFF  }
0x18: {  	s16 =	smov.u32 @p2 s2;
	p2 =	sne.s32 s11, s7  }
.Ltmp1:
0x19: {  	p1 =	slt.u32 s11, $0x2;
	(pc) =	sbr.rel @!p2 .LBB1_6-.Ltmp1, $4  }
0x1a: {  	s15 =	simm.s32 @!p1 $0x2  }
0x1b: {  	s13 =	smov.u32 s10;
	p0 =	por !p0, !p0;
	_ =	swait.ge @!p1 [sflag:s15], $0x2000  }
0x1c: {  	s12 =	smov.u32 s9;
	[sflag:s15] =	ssyncset.done @!p1 $0x0;
	s9 =	smov.u32 s14  }
0x1d: {  	s11 =	sadd.s32 $0x1, s11;
	[sflag:s15] =	ssyncadd.s32 @!p1 $0xFFFFE000;
	s10 =	smov.u32 s16  }
.LBB1_1:
0x1e: {  	p1 =	sge.u32 s11, s5  }
0x1f: {  	s14 =	sand.u32 @!p1 $0x1FFFFFF, s9  }
0x20: {  	s15 =	smulhi.u32 @!p1 $0x147AE15, s14;
	_ =	sdelay $0x1  }
0x21: {  	s15 =	smul.u32 @!p1 $0xC8, s15  }
0x22: {  	s16 =	sxor.u32 @!p1 $0xFFFFFFFF, s11;
	s17 =	smul.u32 @!p1 $0xC80, s10  }
0x23: {  	s31 =	sadd.s32 $0xFFFFFFFF, s11;
	s16 =	sshll.u32 @!p1 s16, $0xD;
	s14 =	ssub.s32 @!p1 s14, s15  }
0x24: {  	s15 =	sand.u32 @!p1 $0x2000, s16;
	s16 =	sadd.s32 @!p1 s6, s17;
	s14 =	sshll.u32 @!p1 s14, $0x4  }
0x25: {  	s17 =	simm.s32 @!p1 $0x6400;
	s14 =	sadd.s32 @!p1 s14, s16;
	s16 =	simm.s32 @!p1 $0x40  }
0x26: {  	[tilespmem:s15], [sflag:$0x1] =	stream.strided.gather @!p1 [hbm4b:s14+s16], $0x2000, s17, s16, $0x38;
	[tilespmem:$0x8080] =	vst v63  }
0x27: {  	p1 =	sge.u32 s31, s5  }
.Ltmp2:
0x28: {  	_ = 	snop;
	(pc) =	sbr.rel @p1 .LBB1_5-.Ltmp2, $1  }
0x29: {  	_ =	sdelay $0x3  }
0x2a: {  	s14 =	simm.s32 $0x1  }
0x2b: {  	_ =	swait.ge [sflag:s4], $0x2000;
	s14 =	simm.s32 @!p0 $0x0  }
0x2c: {  	[sflag:s4] =	ssyncset.done $0x0;
	s15 =	sshll.u32 s14, $0xD  }
0x2d: {  	[sflag:s4] =	ssyncadd.s32 $0xFFFFE000;
	s18 =	sor.u32 $0x20, s15  }
0x2e: {  	s14 =	smul.u32 $0x8100, s14;
	v3 =	vld [tilespmem:s18+$0x10]  }
0x2f: {  	s30 =	sand.u32 $0x1, s11;
	v2 =	vld [tilespmem:s18+$0xFFFFFFF0]  }
0x30: {  	s15 =	smul.u32 $0x8100, s30;
	s14 =	sshrl.u32 s14, $0x2;
	v0 =	vld [tilespmem:s18+$0x0]  }
0x31: {  	v1 =	vld [tilespmem:s18+$0xFFFFFFE0];
	s16 =	sor.u32 $0x4000, s14  }
0x32: {  	s31 =	sshrl.u32 s15, $0x2;
	s15 =	sadd.s32 $0x0, s16  }
0x33: {  	s17 =	simm.s32 $0x4;
	s18 =	sadd.s32 $0x40, s18;
	s14 =	sor.u32 $0x4000, s31;
	[tilespmem:s15+$0x1830 ss:$0x81] =	vst.msk $0xffff, v3  }
.LBB1_3:
0x34: {  	v3 =	vld [tilespmem:s18+$0x10];
	p1 =	sne.s32 s17, $0x1FC;
	[tilespmem:s15+$0x810 ss:$0x81] =	vst.msk $0xffff, v2;
	s19 =	smov.u32 s17;
	s17 =	sadd.s32 $0x4, s17  }
.Ltmp3:
0x35: {  	v2 =	vld [tilespmem:s18+$0xFFFFFFF0];
	[tilespmem:s15+$0x1020 ss:$0x81] =	vst.msk $0xffff, v0;
	(pc) =	sbr.rel @p1 .LBB1_3-.Ltmp3, $4  }
0x36: {  	v0 =	vld [tilespmem:s18+$0x0];
	[tilespmem:s15+$0x0 ss:$0x81] =	vst.msk $0xffff, v1  }
0x37: {  	s15 =	sshra.s32 s19, $0x2;
	v1 =	vld [tilespmem:s18+$0xFFFFFFE0]  }
0x38: {  	s15 =	sadd.s32 s15, s16  }
0x39: {  	s18 =	sadd.s32 $0x40, s18;
	[tilespmem:s15+$0x1830 ss:$0x81] =	vst.msk $0xffff, v3  }
.Ltmp4:
0x3a: {  	_ = 	snop;
	(pc) =	sbr.rel .LBB1_4-.Ltmp4, $1  }
0x3b: {  	_ =	sdelay $0x3  }
.LBB1_6:
0x3c: {  	_ =	sfence.sel $0x180000  }
0x3d: {  	s2 =	simm.s32 $0x1;
	[bflag:$0x0] =	sbarrier.arrive $0xFFFF  }
0x3e: {  	s31 =	simm.s32 $0x2;
	[sflag:s2] =	ssyncpa.u1 $0x1  }
0x3f: {  	[sflag:s31] =	ssyncpa.u1 $0x1  }
0x40: {  	p0 =	sne.s32 s0, $0x0;
	_ =	strace $0x9000004A  }
0x41: {  	s0 =	sadd.s32 @!p0 $0x100000, s1;
	[bflag:$0x2] =	sbarrier.arrive $0xFFFF  }
0x42: {  	[sflag:s0] =	ssyncadd.tile.s32 @!p0 $0x1;
	_ =	shalt  }
.Lfunc_end1:
_tile_overlayer_lowered:
.L_overlay_start_2:
0x43: {  	(tag) =	ssettag $0x2  }
0x44: {  	s0 =	rddreg [dreg:$0x0];
	s2 =	stileid.u32  }
0x45: {  	s1 =	rddreg [dreg:$0x1];
	p0 =	sne.s32 s2, $0x0  }
0x46: {  	s3 =	rddreg [dreg:$0x2];
	[bflag:$0x3] =	sbarrier.arrive $0xFFFF;
	s2 =	simm.s32 @!p0 $0x1C01  }
0x47: {  	[timem:s3], [sflag:s2] =	dma.local @!p0 [hbm:s0], s1  }
0x48: {  	s0 =	simm.s32 @!p0 $0x1  }
0x49: {  	_ =	swait.ge @!p0 [sflag:s0], s1  }
0x4a: {  	s1 =	ssub.s32 @!p0 $0x0, s1;
	[sflag:s0] =	ssyncset.done @!p0 $0x0  }
0x4b: {  	[sflag:s0] =	ssyncadd.s32 @!p0 s1  }
0x4c: {  	[bflag:$0x3] =	sbarrier.arrive $0xFFFF  }
0x4d: {  	_ =	shalt  }

</sc_bundles>
